<compile_context>
chip_gen: v7x
topology: tpu7x:2x2x1
jax: 0.10.2.dev20260603
libtpu: 0.0.44.dev20260713+nightly
codegen_flags: <defaults>
</compile_context>

<pallas_src>
import functools

import jax
import jax.numpy as jnp
from jax import lax
from jax.experimental import pallas as pl
from jax.experimental.pallas import tpu as pltpu
from jax.experimental.pallas import tpu_sc as plsc

B, S, D = 2, 2048, 768
E = 8
DF = 768
T = B * S
TILE = 128
PT = T + E * TILE
NT = PT // TILE
LB_ALPHA = 0.01
Z_ALPHA = 1e-4

CH = 512
NCH = T // CH

NC = 2
NS = 16
NW = NC * NS
TPW = T // NW
NCHK = 4
CW = TPW // NCHK


def _gate_body(x_ref, wg_ref, pos_ref, meta_ref, loss_ref, lg_scr):
    k = pl.program_id(0)
    lg_scr[pl.ds(k * CH, CH), :] = lax.dot_general(
        x_ref[...], wg_ref[...], (((1,), (1,)), ((), ())),
        preferred_element_type=jnp.float32)

    @pl.when(k == NCH - 1)
    def _():
        logits = lg_scr[...]
        m = jnp.max(logits, axis=1, keepdims=True)
        ex = jnp.exp(logits - m)
        se = jnp.sum(ex, axis=1, keepdims=True)
        scores = ex / se
        smax = jnp.max(scores, axis=1, keepdims=True)
        lane = lax.broadcasted_iota(jnp.int32, (T, E), 1)
        top = jnp.min(jnp.where(scores == smax, lane, E), axis=1,
                      keepdims=True)
        ohi = (lane == top).astype(jnp.int32)
        ohf = ohi.astype(jnp.float32)
        tri_le = (lax.broadcasted_iota(jnp.int32, (CH, CH), 1)
                  <= lax.broadcasted_iota(jnp.int32, (CH, CH), 0)
                  ).astype(jnp.float32)
        parts = [
            lax.dot_general(tri_le, ohf[kk * CH:(kk + 1) * CH, :],
                            (((1,), (0,)), ((), ())),
                            preferred_element_type=jnp.float32)
            for kk in range(NCH)
        ]
        segs = []
        carry = jnp.zeros((1, E), jnp.float32)
        for kk in range(NCH):
            segs.append(parts[kk] + carry)
            carry = carry + parts[kk][CH - 1:CH, :]
        c = jnp.concatenate(segs, axis=0).astype(jnp.int32)
        excl = c - ohi
        counts = c[T - 1:T, :]
        pc = ((counts + TILE - 1) // TILE) * TILE
        tri = (lax.broadcasted_iota(jnp.int32, (E, E), 0)
               < lax.broadcasted_iota(jnp.int32, (E, E), 1)
               ).astype(jnp.float32)
        pad_off = lax.dot_general(pc.astype(jnp.float32), tri,
                                  (((1,), (0,)), ((), ())),
                                  preferred_element_type=jnp.float32
                                  ).astype(jnp.int32)
        posv = jnp.sum(ohi * (pad_off + excl), axis=1)
        pos_ref[...] = posv.reshape(NW, TPW)
        eyeE = (lax.broadcasted_iota(jnp.int32, (E, E), 0)
                == lax.broadcasted_iota(jnp.int32, (E, E), 1)
                ).astype(jnp.float32)
        counts_col = lax.dot_general(eyeE, counts.astype(jnp.float32),
                                     (((1,), (1,)), ((), ())),
                                     preferred_element_type=jnp.float32)
        pc_col = ((counts_col.astype(jnp.int32) + TILE - 1) // TILE) * TILE
        triL = (lax.broadcasted_iota(jnp.int32, (E, E), 1)
                < lax.broadcasted_iota(jnp.int32, (E, E), 0)
                ).astype(jnp.float32)
        ts_col = (lax.dot_general(triL, pc_col.astype(jnp.float32),
                                  (((1,), (0,)), ((), ())),
                                  preferred_element_type=jnp.float32)
                  .astype(jnp.int32) // TILE)
        itE = lax.broadcasted_iota(jnp.int32, (E, NT), 1)
        eE = lax.broadcasted_iota(jnp.int32, (E, NT), 0)
        ecol = lax.broadcasted_iota(jnp.int32, (E, 1), 0)
        te_row = jnp.sum((itE >= ts_col).astype(jnp.int32), axis=0,
                         keepdims=True) - 1
        pres_col = counts_col > 0.5
        lp = jnp.max(jnp.where(pres_col, ecol, -1), axis=0, keepdims=True)
        te_row = jnp.minimum(te_row, lp)
        nxt_row = jnp.min(jnp.where((eE > te_row) & pres_col, eE, E),
                          axis=0, keepdims=True)
        nxt2_row = jnp.min(jnp.where((eE > nxt_row) & pres_col, eE, E),
                           axis=0, keepdims=True)
        par_row = jnp.sum((pres_col & (eE <= te_row)).astype(jnp.int32),
                          axis=0, keepdims=True) % 3
        meta_ref[...] = jnp.concatenate(
            [te_row, nxt_row, nxt2_row, par_row,
             jnp.zeros((E - 4, NT), jnp.int32)], axis=0)
        frac = counts.astype(jnp.float32) / T
        prob = jnp.sum(scores, axis=0, keepdims=True) / T
        lb = LB_ALPHA * E * jnp.sum(frac * prob)
        lse = m + jnp.log(se)
        z = Z_ALPHA * jnp.sum(lse * lse) / T
        loss_ref[...] = jnp.broadcast_to(lb + z, (1, 1))


def _gate(xf, Wg):
    return pl.pallas_call(
        _gate_body,
        grid=(NCH,),
        in_specs=[
            pl.BlockSpec((CH, D), lambda k: (k, 0)),
            pl.BlockSpec((E, D), lambda k: (0, 0)),
        ],
        out_specs=(
            pl.BlockSpec((NW, TPW), lambda k: (0, 0)),
            pl.BlockSpec((E, NT), lambda k: (0, 0)),
            pl.BlockSpec((1, 1), lambda k: (0, 0)),
        ),
        out_shape=(
            jax.ShapeDtypeStruct((NW, TPW), jnp.int32),
            jax.ShapeDtypeStruct((E, NT), jnp.int32),
            jax.ShapeDtypeStruct((1, 1), jnp.float32),
        ),
        scratch_shapes=[pltpu.VMEM((T, E), jnp.float32)],
        compiler_params=pltpu.CompilerParams(
            dimension_semantics=("arbitrary",)),
    )(xf, Wg)


@functools.lru_cache(maxsize=None)
def _sc_kernels():
    mesh = plsc.VectorSubcoreMesh(core_axis_name="c", subcore_axis_name="s",
                                  num_cores=NC, num_subcores=NS)
    scratch = [
        pltpu.VMEM((NCHK, CW), jnp.int32),
        pltpu.VMEM((TPW, D), jnp.float32),
        pltpu.SemaphoreType.DMA((NCHK,)),
        pltpu.SemaphoreType.DMA((NCHK,)),
    ]

    @functools.partial(
        pl.kernel, mesh=mesh,
        out_type=jax.ShapeDtypeStruct((PT, D), jnp.float32),
        scratch_types=scratch,
    )
    def permute_k(x_hbm, pos_hbm, xs_hbm, idx2, rows_v, sem_l, sem_s):
        wid = lax.axis_index("s") * NC + lax.axis_index("c")
        base = wid * TPW
        for c in range(NCHK):
            pltpu.sync_copy(pos_hbm.at[wid, pl.ds(c * CW, CW)], idx2.at[c])
        loads = [
            pltpu.async_copy(x_hbm.at[pl.ds(base + c * CW, CW)],
                             rows_v.at[pl.ds(c * CW, CW)], sem_l.at[c])
            for c in range(NCHK)
        ]
        stores = []
        for c in range(NCHK):
            loads[c].wait()
            stores.append(
                pltpu.async_copy(rows_v.at[pl.ds(c * CW, CW)],
                                 xs_hbm.at[idx2.at[c]], sem_s.at[c]))
        for st in stores:
            st.wait()

    @functools.partial(
        pl.kernel, mesh=mesh,
        out_type=jax.ShapeDtypeStruct((T, D), jnp.float32),
        scratch_types=scratch,
    )
    def unpermute_k(ys_hbm, pos_hbm, out_hbm, idx2, rows_v,
                    sem_l, sem_s):
        wid = lax.axis_index("s") * NC + lax.axis_index("c")
        base = wid * TPW
        for c in range(NCHK):
            pltpu.sync_copy(pos_hbm.at[wid, pl.ds(c * CW, CW)], idx2.at[c])
        gathers = [
            pltpu.async_copy(ys_hbm.at[idx2.at[c]],
                             rows_v.at[pl.ds(c * CW, CW)], sem_l.at[c])
            for c in range(NCHK)
        ]
        stores = []
        for c in range(NCHK):
            gathers[c].wait()
            stores.append(
                pltpu.async_copy(rows_v.at[pl.ds(c * CW, CW)],
                                 out_hbm.at[pl.ds(base + c * CW, CW)],
                                 sem_s.at[c]))
        for st in stores:
            st.wait()

    return permute_k, unpermute_k


def _permute(xf, pos):
    return _sc_kernels()[0](xf, pos)


def _unpermute(ys, pos):
    return _sc_kernels()[1](ys, pos)


def _ffn_body(meta_ref, xs_ref, w1_hbm, b1_ref, w2_hbm, b2_ref, out_ref,
              w1buf, w2buf, sem1, sem2):
    i = pl.program_id(0)
    e = meta_ref[0, i]
    nxt = meta_ref[1, i]
    nxt2 = meta_ref[2, i]
    slot = meta_ref[3, i]

    def cpy(eidx, s):
        return (pltpu.make_async_copy(w1_hbm.at[eidx], w1buf.at[s],
                                      sem1.at[s]),
                pltpu.make_async_copy(w2_hbm.at[eidx], w2buf.at[s],
                                      sem2.at[s]))

    @pl.when(i == 0)
    def _():
        c1, c2 = cpy(e, slot)
        c1.start()
        c2.start()

        @pl.when(nxt < E)
        def _():
            n1, n2 = cpy(nxt, (slot + 1) % 3)
            n1.start()
            n2.start()

    prev = meta_ref[0, jnp.maximum(i - 1, 0)]
    boundary = (i == 0) | (e != prev)

    @pl.when(boundary)
    def _():
        c1, c2 = cpy(e, slot)
        c1.wait()
        c2.wait()

        @pl.when(nxt2 < E)
        def _():
            n1, n2 = cpy(nxt2, (slot + 2) % 3)
            n1.start()
            n2.start()

    xv = xs_ref[...]
    h = jnp.dot(xv, w1buf[slot], preferred_element_type=jnp.float32)
    h = jnp.maximum(h + b1_ref[pl.ds(e, 1), :], 0.0)
    out_ref[...] = (jnp.dot(h, w2buf[slot], preferred_element_type=jnp.float32)
                    + b2_ref[pl.ds(e, 1), :])


def _ffn(meta, xs, w1, b1, w2, b2):
    return pl.pallas_call(
        _ffn_body,
        grid=(NT,),
        in_specs=[
            pl.BlockSpec(memory_space=pltpu.SMEM),
            pl.BlockSpec((TILE, D), lambda i: (i, 0)),
            pl.BlockSpec(memory_space=pl.ANY),
            pl.BlockSpec((E, DF), lambda i: (0, 0)),
            pl.BlockSpec(memory_space=pl.ANY),
            pl.BlockSpec((E, D), lambda i: (0, 0)),
        ],
        out_specs=pl.BlockSpec((TILE, D), lambda i: (i, 0)),
        out_shape=jax.ShapeDtypeStruct((PT, D), jnp.float32),
        scratch_shapes=[
            pltpu.VMEM((3, D, DF), jnp.float32),
            pltpu.VMEM((3, DF, D), jnp.float32),
            pltpu.SemaphoreType.DMA((3,)),
            pltpu.SemaphoreType.DMA((3,)),
        ],
        compiler_params=pltpu.CompilerParams(
            dimension_semantics=("arbitrary",)),
    )(meta, xs, w1, b1, w2, b2)


def kernel(x, Wg, w1, b1, w2, b2):
    xf = x.reshape(T, D)
    pos, meta, loss2 = _gate(xf, Wg)
    xs = _permute(xf, pos)
    ys = _ffn(meta, xs, w1, b1, w2, b2)
    outf = _unpermute(ys, pos)
    return outf.reshape(B, S, D), loss2[0, 0]

# --- scband reference (transcript-rebuilt; emitter-appended) ---
"""Pipeline reference for scband-ruchbah-mo-elayer-4131758538905 (READ-ONLY COPY).

The authoritative reference and input builder live on the scoring server;
editing this copy changes nothing except your own understanding.
"""

import jax, jax.numpy as jnp
import numpy as np

B, S, D = 2, 2048, 768
E = 8
TOP_K = 1
DF = 768
LOAD_BALANCE_ALPHA = 0.01
Z_LOSS_ALPHA = 1e-4


def setup_inputs(seed: int = 0) -> dict:
    key = jax.random.key(seed)
    ks = jax.random.split(key, 6)
    x = jax.random.normal(ks[0], (B, S, D), dtype=jnp.float32)
    Wg = jax.random.normal(ks[1], (E, D), dtype=jnp.float32) * 0.02
    w1 = jax.random.normal(ks[2], (E, D, DF), dtype=jnp.float32) * 0.02
    b1 = jnp.zeros((E, DF), dtype=jnp.float32)
    w2 = jax.random.normal(ks[3], (E, DF, D), dtype=jnp.float32) * 0.02
    b2 = jnp.zeros((E, D), dtype=jnp.float32)
    return {"x": x, "Wg": Wg, "w1": w1, "b1": b1, "w2": w2, "b2": b2}


def reference(x, Wg, w1, b1, w2, b2):
    Bq, Sq, Dq = x.shape
    xf = x.reshape(-1, Dq)  # [T, D]
    # Gate (eval mode): no noise, no warmup scaling, temperature buffer = 1.0
    logits = xf @ Wg.T  # [T, E]
    temp = jnp.clip(jnp.asarray(1.0, jnp.float32), 0.1, 2.0)  # seq_len < 8192 branch
    logits = logits / temp
    scores = jax.nn.softmax(logits, axis=-1)
    # capacity limitation is a no-op at eval with uniform init (identity here)
    top_scores, top_idx = jax.lax.top_k(scores, TOP_K)
    top_scores = jax.nn.softmax(top_scores.astype(jnp.float32), axis=-1).astype(x.dtype)
    # combine weights [T, E]
    one_hot = jax.nn.one_hot(top_idx, E, dtype=x.dtype)  # [T, K, E]
    combine = jnp.sum(one_hot * top_scores[..., None], axis=1)  # [T, E]
    # expert FFNs computed densely, then combined by routing weights
    h = jnp.einsum('td,edf->etf', xf, w1) + b1[:, None, :]
    h = jax.nn.relu(h)
    y = jnp.einsum('etf,efd->etd', h, w2) + b2[:, None, :]
    out = jnp.einsum('etd,te->td', y, combine).reshape(Bq, Sq, Dq)
    # auxiliary losses (switch-style load balance + router z-loss)
    frac = jnp.mean(jnp.sum(one_hot, axis=1), axis=0)  # fraction of tokens per expert
    prob = jnp.mean(scores, axis=0)  # mean routing prob per expert
    load_balance_loss = LOAD_BALANCE_ALPHA * E * jnp.sum(frac * prob)
    z_loss = Z_LOSS_ALPHA * jnp.mean(jnp.square(jax.nn.logsumexp(logits, axis=-1)))
    total_loss = load_balance_loss + z_loss
    return out, total_loss

if __name__ == "__main__":
    import jax
    _d = setup_inputs()
    print(jax.jit(kernel)(*tuple(_d.values())))

</pallas_src>

<mosaic_0001>
#map = affine_map<(d0, d1) -> (0, 0)>
module attributes {stable_mosaic.version = 14 : i64} {
  func.func @unpermute_k(%arg0: i32, %arg1: i32, %arg2: memref<5120x768xf32, #tpu.memory_space<hbm>>, %arg3: memref<32x128xi32, #tpu.memory_space<hbm>>, %arg4: memref<4096x768xf32, #tpu.memory_space<hbm>>, %arg5: memref<4x32xi32, #tpu.memory_space<vmem>>, %arg6: memref<128x768xf32, #tpu.memory_space<vmem>>, %arg7: memref<4x!tpu.dma_semaphore, #tpu.memory_space<semaphore_mem>>, %arg8: memref<4x!tpu.dma_semaphore, #tpu.memory_space<semaphore_mem>>) attributes {dimension_semantics = [#tpu.dimension_semantics<core_parallel>, #tpu.dimension_semantics<subcore_parallel>], iteration_bounds = array<i64: 2, 16>, scalar_prefetch = 0 : i64, scratch_operands = 4 : i64, tpu.core_type = #tpu.core_type<sc_vector_subcore>, window_params = [{transform_indices = #map}, {transform_indices = #map}, {transform_indices = #map}]} {
    %mul3A = arith.constant 2 : i32
    %mul3A_0 = arith.muli %arg1, %mul3A : i32
    %add3A = arith.addi %mul3A_0, %arg0 : i32
    %mul3A_1 = arith.constant 128 : i32
    %mul3A_2 = arith.muli %add3A, %mul3A_1 : i32
    %run_scoped3A = arith.constant 0 : i32
    "tpu.region"() ({
      %run_scoped3A_220 = tpu.sem_alloc : memref<!tpu.dma_semaphore, #tpu.memory_space<semaphore_mem>>
      %dma_start3A_221 = arith.constant 0 : i32
      %dma_start3A_222 = tpu.memref_slice %arg5[%run_scoped3A, %dma_start3A_221] : memref<4x32xi32, #tpu.memory_space<vmem>> -> memref<1x32xi32, #tpu.memory_space<vmem>>
      %dma_start3A_223 = tpu.memref_squeeze %dma_start3A_222 : memref<1x32xi32, #tpu.memory_space<vmem>> -> memref<32xi32, #tpu.memory_space<vmem>>
      %dma_start3A_224 = arith.constant 0 : i32
      %dma_start3A_225 = tpu.memref_slice %arg3[%add3A, %dma_start3A_224] : memref<32x128xi32, #tpu.memory_space<hbm>> -> memref<1x32xi32, #tpu.memory_space<hbm>>
      %dma_start3A_226 = tpu.memref_squeeze %dma_start3A_225 : memref<1x32xi32, #tpu.memory_space<hbm>> -> memref<32xi32, #tpu.memory_space<hbm>>
      %dma_start3A_227 = arith.constant 0 : i32
      %dma_start3A_228 = tpu.memref_slice %arg5[%run_scoped3A, %dma_start3A_227] : memref<4x32xi32, #tpu.memory_space<vmem>> -> memref<1x32xi32, #tpu.memory_space<vmem>>
      %dma_start3A_229 = tpu.memref_squeeze %dma_start3A_228 : memref<1x32xi32, #tpu.memory_space<vmem>> -> memref<32xi32, #tpu.memory_space<vmem>>
      %dma_start3A_230 = arith.constant 0 : i32
      %dma_start3A_231 = tpu.memref_slice %arg3[%add3A, %dma_start3A_230] : memref<32x128xi32, #tpu.memory_space<hbm>> -> memref<1x32xi32, #tpu.memory_space<hbm>>
      %dma_start3A_232 = tpu.memref_squeeze %dma_start3A_231 : memref<1x32xi32, #tpu.memory_space<hbm>> -> memref<32xi32, #tpu.memory_space<hbm>>
      tpu.enqueue_dma source(%dma_start3A_232 : memref<32xi32, #tpu.memory_space<hbm>>) target(%dma_start3A_229 : memref<32xi32, #tpu.memory_space<vmem>>) target_semaphore(%run_scoped3A_220 : memref<!tpu.dma_semaphore, #tpu.memory_space<semaphore_mem>>)
      %dma_wait3A_233 = arith.constant 0 : i32
      %dma_wait3A_234 = tpu.memref_slice %arg5[%run_scoped3A, %dma_wait3A_233] : memref<4x32xi32, #tpu.memory_space<vmem>> -> memref<1x32xi32, #tpu.memory_space<vmem>>
      %dma_wait3A_235 = tpu.memref_squeeze %dma_wait3A_234 : memref<1x32xi32, #tpu.memory_space<vmem>> -> memref<32xi32, #tpu.memory_space<vmem>>
      %dma_wait3A_236 = arith.constant 0 : i32
      %dma_wait3A_237 = tpu.memref_slice %arg3[%add3A, %dma_wait3A_236] : memref<32x128xi32, #tpu.memory_space<hbm>> -> memref<1x32xi32, #tpu.memory_space<hbm>>
      %dma_wait3A_238 = tpu.memref_squeeze %dma_wait3A_237 : memref<1x32xi32, #tpu.memory_space<hbm>> -> memref<32xi32, #tpu.memory_space<hbm>>
      %dma_wait3A_239 = arith.constant 0 : i32
      %dma_wait3A_240 = tpu.memref_slice %arg5[%run_scoped3A, %dma_wait3A_239] : memref<4x32xi32, #tpu.memory_space<vmem>> -> memref<1x32xi32, #tpu.memory_space<vmem>>
      %dma_wait3A_241 = tpu.memref_squeeze %dma_wait3A_240 : memref<1x32xi32, #tpu.memory_space<vmem>> -> memref<32xi32, #tpu.memory_space<vmem>>
      %dma_wait3A_242 = arith.constant 0 : i32
      %dma_wait3A_243 = tpu.memref_slice %arg3[%add3A, %dma_wait3A_242] : memref<32x128xi32, #tpu.memory_space<hbm>> -> memref<1x32xi32, #tpu.memory_space<hbm>>
      %dma_wait3A_244 = tpu.memref_squeeze %dma_wait3A_243 : memref<1x32xi32, #tpu.memory_space<hbm>> -> memref<32xi32, #tpu.memory_space<hbm>>
      tpu.wait_dma2 semaphore(%run_scoped3A_220 : memref<!tpu.dma_semaphore, #tpu.memory_space<semaphore_mem>>) src(%dma_wait3A_244 : memref<32xi32, #tpu.memory_space<hbm>>) dst(%dma_wait3A_241 : memref<32xi32, #tpu.memory_space<vmem>>)
      tpu.yield
    }) : () -> ()
    %run_scoped3A_3 = arith.constant 1 : i32
    "tpu.region"() ({
      %run_scoped3A_220 = tpu.sem_alloc : memref<!tpu.dma_semaphore, #tpu.memory_space<semaphore_mem>>
      %dma_start3A_221 = arith.constant 0 : i32
      %dma_start3A_222 = tpu.memref_slice %arg5[%run_scoped3A_3, %dma_start3A_221] : memref<4x32xi32, #tpu.memory_space<vmem>> -> memref<1x32xi32, #tpu.memory_space<vmem>>
      %dma_start3A_223 = tpu.memref_squeeze %dma_start3A_222 : memref<1x32xi32, #tpu.memory_space<vmem>> -> memref<32xi32, #tpu.memory_space<vmem>>
      %dma_start3A_224 = arith.constant 32 : i32
      %dma_start3A_225 = tpu.memref_slice %arg3[%add3A, %dma_start3A_224] : memref<32x128xi32, #tpu.memory_space<hbm>> -> memref<1x32xi32, #tpu.memory_space<hbm>>
      %dma_start3A_226 = tpu.memref_squeeze %dma_start3A_225 : memref<1x32xi32, #tpu.memory_space<hbm>> -> memref<32xi32, #tpu.memory_space<hbm>>
      %dma_start3A_227 = arith.constant 0 : i32
      %dma_start3A_228 = tpu.memref_slice %arg5[%run_scoped3A_3, %dma_start3A_227] : memref<4x32xi32, #tpu.memory_space<vmem>> -> memref<1x32xi32, #tpu.memory_space<vmem>>
      %dma_start3A_229 = tpu.memref_squeeze %dma_start3A_228 : memref<1x32xi32, #tpu.memory_space<vmem>> -> memref<32xi32, #tpu.memory_space<vmem>>
      %dma_start3A_230 = arith.constant 32 : i32
      %dma_start3A_231 = tpu.memref_slice %arg3[%add3A, %dma_start3A_230] : memref<32x128xi32, #tpu.memory_space<hbm>> -> memref<1x32xi32, #tpu.memory_space<hbm>>
      %dma_start3A_232 = tpu.memref_squeeze %dma_start3A_231 : memref<1x32xi32, #tpu.memory_space<hbm>> -> memref<32xi32, #tpu.memory_space<hbm>>
      tpu.enqueue_dma source(%dma_start3A_232 : memref<32xi32, #tpu.memory_space<hbm>>) target(%dma_start3A_229 : memref<32xi32, #tpu.memory_space<vmem>>) target_semaphore(%run_scoped3A_220 : memref<!tpu.dma_semaphore, #tpu.memory_space<semaphore_mem>>)
      %dma_wait3A_233 = arith.constant 0 : i32
      %dma_wait3A_234 = tpu.memref_slice %arg5[%run_scoped3A_3, %dma_wait3A_233] : memref<4x32xi32, #tpu.memory_space<vmem>> -> memref<1x32xi32, #tpu.memory_space<vmem>>
      %dma_wait3A_235 = tpu.memref_squeeze %dma_wait3A_234 : memref<1x32xi32, #tpu.memory_space<vmem>> -> memref<32xi32, #tpu.memory_space<vmem>>
      %dma_wait3A_236 = arith.constant 32 : i32
      %dma_wait3A_237 = tpu.memref_slice %arg3[%add3A, %dma_wait3A_236] : memref<32x128xi32, #tpu.memory_space<hbm>> -> memref<1x32xi32, #tpu.memory_space<hbm>>
      %dma_wait3A_238 = tpu.memref_squeeze %dma_wait3A_237 : memref<1x32xi32, #tpu.memory_space<hbm>> -> memref<32xi32, #tpu.memory_space<hbm>>
      %dma_wait3A_239 = arith.constant 0 : i32
      %dma_wait3A_240 = tpu.memref_slice %arg5[%run_scoped3A_3, %dma_wait3A_239] : memref<4x32xi32, #tpu.memory_space<vmem>> -> memref<1x32xi32, #tpu.memory_space<vmem>>
      %dma_wait3A_241 = tpu.memref_squeeze %dma_wait3A_240 : memref<1x32xi32, #tpu.memory_space<vmem>> -> memref<32xi32, #tpu.memory_space<vmem>>
      %dma_wait3A_242 = arith.constant 32 : i32
      %dma_wait3A_243 = tpu.memref_slice %arg3[%add3A, %dma_wait3A_242] : memref<32x128xi32, #tpu.memory_space<hbm>> -> memref<1x32xi32, #tpu.memory_space<hbm>>
      %dma_wait3A_244 = tpu.memref_squeeze %dma_wait3A_243 : memref<1x32xi32, #tpu.memory_space<hbm>> -> memref<32xi32, #tpu.memory_space<hbm>>
      tpu.wait_dma2 semaphore(%run_scoped3A_220 : memref<!tpu.dma_semaphore, #tpu.memory_space<semaphore_mem>>) src(%dma_wait3A_244 : memref<32xi32, #tpu.memory_space<hbm>>) dst(%dma_wait3A_241 : memref<32xi32, #tpu.memory_space<vmem>>)
      tpu.yield
    }) : () -> ()
    %run_scoped3A_4 = arith.constant 2 : i32
    "tpu.region"() ({
      %run_scoped3A_220 = tpu.sem_alloc : memref<!tpu.dma_semaphore, #tpu.memory_space<semaphore_mem>>
      %dma_start3A_221 = arith.constant 0 : i32
      %dma_start3A_222 = tpu.memref_slice %arg5[%run_scoped3A_4, %dma_start3A_221] : memref<4x32xi32, #tpu.memory_space<vmem>> -> memref<1x32xi32, #tpu.memory_space<vmem>>
      %dma_start3A_223 = tpu.memref_squeeze %dma_start3A_222 : memref<1x32xi32, #tpu.memory_space<vmem>> -> memref<32xi32, #tpu.memory_space<vmem>>
      %dma_start3A_224 = arith.constant 64 : i32
      %dma_start3A_225 = tpu.memref_slice %arg3[%add3A, %dma_start3A_224] : memref<32x128xi32, #tpu.memory_space<hbm>> -> memref<1x32xi32, #tpu.memory_space<hbm>>
      %dma_start3A_226 = tpu.memref_squeeze %dma_start3A_225 : memref<1x32xi32, #tpu.memory_space<hbm>> -> memref<32xi32, #tpu.memory_space<hbm>>
      %dma_start3A_227 = arith.constant 0 : i32
      %dma_start3A_228 = tpu.memref_slice %arg5[%run_scoped3A_4, %dma_start3A_227] : memref<4x32xi32, #tpu.memory_space<vmem>> -> memref<1x32xi32, #tpu.memory_space<vmem>>
      %dma_start3A_229 = tpu.memref_squeeze %dma_start3A_228 : memref<1x32xi32, #tpu.memory_space<vmem>> -> memref<32xi32, #tpu.memory_space<vmem>>
      %dma_start3A_230 = arith.constant 64 : i32
      %dma_start3A_231 = tpu.memref_slice %arg3[%add3A, %dma_start3A_230] : memref<32x128xi32, #tpu.memory_space<hbm>> -> memref<1x32xi32, #tpu.memory_space<hbm>>
      %dma_start3A_232 = tpu.memref_squeeze %dma_start3A_231 : memref<1x32xi32, #tpu.memory_space<hbm>> -> memref<32xi32, #tpu.memory_space<hbm>>
      tpu.enqueue_dma source(%dma_start3A_232 : memref<32xi32, #tpu.memory_space<hbm>>) target(%dma_start3A_229 : memref<32xi32, #tpu.memory_space<vmem>>) target_semaphore(%run_scoped3A_220 : memref<!tpu.dma_semaphore, #tpu.memory_space<semaphore_mem>>)
      %dma_wait3A_233 = arith.constant 0 : i32
      %dma_wait3A_234 = tpu.memref_slice %arg5[%run_scoped3A_4, %dma_wait3A_233] : memref<4x32xi32, #tpu.memory_space<vmem>> -> memref<1x32xi32, #tpu.memory_space<vmem>>
      %dma_wait3A_235 = tpu.memref_squeeze %dma_wait3A_234 : memref<1x32xi32, #tpu.memory_space<vmem>> -> memref<32xi32, #tpu.memory_space<vmem>>
      %dma_wait3A_236 = arith.constant 64 : i32
      %dma_wait3A_237 = tpu.memref_slice %arg3[%add3A, %dma_wait3A_236] : memref<32x128xi32, #tpu.memory_space<hbm>> -> memref<1x32xi32, #tpu.memory_space<hbm>>
      %dma_wait3A_238 = tpu.memref_squeeze %dma_wait3A_237 : memref<1x32xi32, #tpu.memory_space<hbm>> -> memref<32xi32, #tpu.memory_space<hbm>>
      %dma_wait3A_239 = arith.constant 0 : i32
      %dma_wait3A_240 = tpu.memref_slice %arg5[%run_scoped3A_4, %dma_wait3A_239] : memref<4x32xi32, #tpu.memory_space<vmem>> -> memref<1x32xi32, #tpu.memory_space<vmem>>
      %dma_wait3A_241 = tpu.memref_squeeze %dma_wait3A_240 : memref<1x32xi32, #tpu.memory_space<vmem>> -> memref<32xi32, #tpu.memory_space<vmem>>
      %dma_wait3A_242 = arith.constant 64 : i32
      %dma_wait3A_243 = tpu.memref_slice %arg3[%add3A, %dma_wait3A_242] : memref<32x128xi32, #tpu.memory_space<hbm>> -> memref<1x32xi32, #tpu.memory_space<hbm>>
      %dma_wait3A_244 = tpu.memref_squeeze %dma_wait3A_243 : memref<1x32xi32, #tpu.memory_space<hbm>> -> memref<32xi32, #tpu.memory_space<hbm>>
      tpu.wait_dma2 semaphore(%run_scoped3A_220 : memref<!tpu.dma_semaphore, #tpu.memory_space<semaphore_mem>>) src(%dma_wait3A_244 : memref<32xi32, #tpu.memory_space<hbm>>) dst(%dma_wait3A_241 : memref<32xi32, #tpu.memory_space<vmem>>)
      tpu.yield
    }) : () -> ()
    %run_scoped3A_5 = arith.constant 3 : i32
    "tpu.region"() ({
      %run_scoped3A_220 = tpu.sem_alloc : memref<!tpu.dma_semaphore, #tpu.memory_space<semaphore_mem>>
      %dma_start3A_221 = arith.constant 0 : i32
      %dma_start3A_222 = tpu.memref_slice %arg5[%run_scoped3A_5, %dma_start3A_221] : memref<4x32xi32, #tpu.memory_space<vmem>> -> memref<1x32xi32, #tpu.memory_space<vmem>>
      %dma_start3A_223 = tpu.memref_squeeze %dma_start3A_222 : memref<1x32xi32, #tpu.memory_space<vmem>> -> memref<32xi32, #tpu.memory_space<vmem>>
      %dma_start3A_224 = arith.constant 96 : i32
      %dma_start3A_225 = tpu.memref_slice %arg3[%add3A, %dma_start3A_224] : memref<32x128xi32, #tpu.memory_space<hbm>> -> memref<1x32xi32, #tpu.memory_space<hbm>>
      %dma_start3A_226 = tpu.memref_squeeze %dma_start3A_225 : memref<1x32xi32, #tpu.memory_space<hbm>> -> memref<32xi32, #tpu.memory_space<hbm>>
      %dma_start3A_227 = arith.constant 0 : i32
      %dma_start3A_228 = tpu.memref_slice %arg5[%run_scoped3A_5, %dma_start3A_227] : memref<4x32xi32, #tpu.memory_space<vmem>> -> memref<1x32xi32, #tpu.memory_space<vmem>>
      %dma_start3A_229 = tpu.memref_squeeze %dma_start3A_228 : memref<1x32xi32, #tpu.memory_space<vmem>> -> memref<32xi32, #tpu.memory_space<vmem>>
      %dma_start3A_230 = arith.constant 96 : i32
      %dma_start3A_231 = tpu.memref_slice %arg3[%add3A, %dma_start3A_230] : memref<32x128xi32, #tpu.memory_space<hbm>> -> memref<1x32xi32, #tpu.memory_space<hbm>>
      %dma_start3A_232 = tpu.memref_squeeze %dma_start3A_231 : memref<1x32xi32, #tpu.memory_space<hbm>> -> memref<32xi32, #tpu.memory_space<hbm>>
      tpu.enqueue_dma source(%dma_start3A_232 : memref<32xi32, #tpu.memory_space<hbm>>) target(%dma_start3A_229 : memref<32xi32, #tpu.memory_space<vmem>>) target_semaphore(%run_scoped3A_220 : memref<!tpu.dma_semaphore, #tpu.memory_space<semaphore_mem>>)
      %dma_wait3A_233 = arith.constant 0 : i32
      %dma_wait3A_234 = tpu.memref_slice %arg5[%run_scoped3A_5, %dma_wait3A_233] : memref<4x32xi32, #tpu.memory_space<vmem>> -> memref<1x32xi32, #tpu.memory_space<vmem>>
      %dma_wait3A_235 = tpu.memref_squeeze %dma_wait3A_234 : memref<1x32xi32, #tpu.memory_space<vmem>> -> memref<32xi32, #tpu.memory_space<vmem>>
      %dma_wait3A_236 = arith.constant 96 : i32
      %dma_wait3A_237 = tpu.memref_slice %arg3[%add3A, %dma_wait3A_236] : memref<32x128xi32, #tpu.memory_space<hbm>> -> memref<1x32xi32, #tpu.memory_space<hbm>>
      %dma_wait3A_238 = tpu.memref_squeeze %dma_wait3A_237 : memref<1x32xi32, #tpu.memory_space<hbm>> -> memref<32xi32, #tpu.memory_space<hbm>>
      %dma_wait3A_239 = arith.constant 0 : i32
      %dma_wait3A_240 = tpu.memref_slice %arg5[%run_scoped3A_5, %dma_wait3A_239] : memref<4x32xi32, #tpu.memory_space<vmem>> -> memref<1x32xi32, #tpu.memory_space<vmem>>
      %dma_wait3A_241 = tpu.memref_squeeze %dma_wait3A_240 : memref<1x32xi32, #tpu.memory_space<vmem>> -> memref<32xi32, #tpu.memory_space<vmem>>
      %dma_wait3A_242 = arith.constant 96 : i32
      %dma_wait3A_243 = tpu.memref_slice %arg3[%add3A, %dma_wait3A_242] : memref<32x128xi32, #tpu.memory_space<hbm>> -> memref<1x32xi32, #tpu.memory_space<hbm>>
      %dma_wait3A_244 = tpu.memref_squeeze %dma_wait3A_243 : memref<1x32xi32, #tpu.memory_space<hbm>> -> memref<32xi32, #tpu.memory_space<hbm>>
      tpu.wait_dma2 semaphore(%run_scoped3A_220 : memref<!tpu.dma_semaphore, #tpu.memory_space<semaphore_mem>>) src(%dma_wait3A_244 : memref<32xi32, #tpu.memory_space<hbm>>) dst(%dma_wait3A_241 : memref<32xi32, #tpu.memory_space<vmem>>)
      tpu.yield
    }) : () -> ()
    %dma_start3A = arith.constant 0 : i32
    %dma_start3A_6 = arith.constant 0 : i32
    %dma_start3A_7 = arith.constant 0 : i32
    %dma_start3A_8 = arith.constant 0 : i32
    %dma_start3A_9 = tpu.memref_slice %arg6[%dma_start3A_7, %dma_start3A_8] : memref<128x768xf32, #tpu.memory_space<vmem>> -> memref<32x768xf32, #tpu.memory_space<vmem>>
    %dma_start3A_10 = arith.constant 0 : i32
    %dma_start3A_11 = tpu.memref_slice %arg5[%dma_start3A, %dma_start3A_10] : memref<4x32xi32, #tpu.memory_space<vmem>> -> memref<1x32xi32, #tpu.memory_space<vmem>>
    %dma_start3A_12 = tpu.memref_squeeze %dma_start3A_11 : memref<1x32xi32, #tpu.memory_space<vmem>> -> memref<32xi32, #tpu.memory_space<vmem>>
    %dma_start3A_13 = arith.constant 0 : i32
    %dma_start3A_14 = arith.constant 0 : i32
    %dma_start3A_15 = tpu.memref_slice %arg2[%dma_start3A_13, %dma_start3A_14] : memref<5120x768xf32, #tpu.memory_space<hbm>> -> memref<5120x768xf32, #tpu.memory_space<hbm>>
    %dma_start3A_16 = tpu.memref_slice %arg7[%dma_start3A_6] : memref<4x!tpu.dma_semaphore, #tpu.memory_space<semaphore_mem>> -> memref<1x!tpu.dma_semaphore, #tpu.memory_space<semaphore_mem>>
    %dma_start3A_17 = tpu.memref_squeeze %dma_start3A_16 : memref<1x!tpu.dma_semaphore, #tpu.memory_space<semaphore_mem>> -> memref<!tpu.dma_semaphore, #tpu.memory_space<semaphore_mem>>
    tpu.enqueue_indirect_dma source(%dma_start3A_15 : memref<5120x768xf32, #tpu.memory_space<hbm>>) target(%dma_start3A_9 : memref<32x768xf32, #tpu.memory_space<vmem>>) offsets(%dma_start3A_12 : memref<32xi32, #tpu.memory_space<vmem>>) semaphore(%dma_start3A_17 : memref<!tpu.dma_semaphore, #tpu.memory_space<semaphore_mem>>)
    %dma_start3A_18 = arith.constant 1 : i32
    %dma_start3A_19 = arith.constant 1 : i32
    %dma_start3A_20 = arith.constant 32 : i32
    %dma_start3A_21 = arith.constant 0 : i32
    %dma_start3A_22 = tpu.memref_slice %arg6[%dma_start3A_20, %dma_start3A_21] : memref<128x768xf32, #tpu.memory_space<vmem>> -> memref<32x768xf32, #tpu.memory_space<vmem>>
    %dma_start3A_23 = arith.constant 0 : i32
    %dma_start3A_24 = tpu.memref_slice %arg5[%dma_start3A_18, %dma_start3A_23] : memref<4x32xi32, #tpu.memory_space<vmem>> -> memref<1x32xi32, #tpu.memory_space<vmem>>
    %dma_start3A_25 = tpu.memref_squeeze %dma_start3A_24 : memref<1x32xi32, #tpu.memory_space<vmem>> -> memref<32xi32, #tpu.memory_space<vmem>>
    %dma_start3A_26 = arith.constant 0 : i32
    %dma_start3A_27 = arith.constant 0 : i32
    %dma_start3A_28 = tpu.memref_slice %arg2[%dma_start3A_26, %dma_start3A_27] : memref<5120x768xf32, #tpu.memory_space<hbm>> -> memref<5120x768xf32, #tpu.memory_space<hbm>>
    %dma_start3A_29 = tpu.memref_slice %arg7[%dma_start3A_19] : memref<4x!tpu.dma_semaphore, #tpu.memory_space<semaphore_mem>> -> memref<1x!tpu.dma_semaphore, #tpu.memory_space<semaphore_mem>>
    %dma_start3A_30 = tpu.memref_squeeze %dma_start3A_29 : memref<1x!tpu.dma_semaphore, #tpu.memory_space<semaphore_mem>> -> memref<!tpu.dma_semaphore, #tpu.memory_space<semaphore_mem>>
    tpu.enqueue_indirect_dma source(%dma_start3A_28 : memref<5120x768xf32, #tpu.memory_space<hbm>>) target(%dma_start3A_22 : memref<32x768xf32, #tpu.memory_space<vmem>>) offsets(%dma_start3A_25 : memref<32xi32, #tpu.memory_space<vmem>>) semaphore(%dma_start3A_30 : memref<!tpu.dma_semaphore, #tpu.memory_space<semaphore_mem>>)
    %dma_start3A_31 = arith.constant 2 : i32
    %dma_start3A_32 = arith.constant 2 : i32
    %dma_start3A_33 = arith.constant 64 : i32
    %dma_start3A_34 = arith.constant 0 : i32
    %dma_start3A_35 = tpu.memref_slice %arg6[%dma_start3A_33, %dma_start3A_34] : memref<128x768xf32, #tpu.memory_space<vmem>> -> memref<32x768xf32, #tpu.memory_space<vmem>>
    %dma_start3A_36 = arith.constant 0 : i32
    %dma_start3A_37 = tpu.memref_slice %arg5[%dma_start3A_31, %dma_start3A_36] : memref<4x32xi32, #tpu.memory_space<vmem>> -> memref<1x32xi32, #tpu.memory_space<vmem>>
    %dma_start3A_38 = tpu.memref_squeeze %dma_start3A_37 : memref<1x32xi32, #tpu.memory_space<vmem>> -> memref<32xi32, #tpu.memory_space<vmem>>
    %dma_start3A_39 = arith.constant 0 : i32
    %dma_start3A_40 = arith.constant 0 : i32
    %dma_start3A_41 = tpu.memref_slice %arg2[%dma_start3A_39, %dma_start3A_40] : memref<5120x768xf32, #tpu.memory_space<hbm>> -> memref<5120x768xf32, #tpu.memory_space<hbm>>
    %dma_start3A_42 = tpu.memref_slice %arg7[%dma_start3A_32] : memref<4x!tpu.dma_semaphore, #tpu.memory_space<semaphore_mem>> -> memref<1x!tpu.dma_semaphore, #tpu.memory_space<semaphore_mem>>
    %dma_start3A_43 = tpu.memref_squeeze %dma_start3A_42 : memref<1x!tpu.dma_semaphore, #tpu.memory_space<semaphore_mem>> -> memref<!tpu.dma_semaphore, #tpu.memory_space<semaphore_mem>>
    tpu.enqueue_indirect_dma source(%dma_start3A_41 : memref<5120x768xf32, #tpu.memory_space<hbm>>) target(%dma_start3A_35 : memref<32x768xf32, #tpu.memory_space<vmem>>) offsets(%dma_start3A_38 : memref<32xi32, #tpu.memory_space<vmem>>) semaphore(%dma_start3A_43 : memref<!tpu.dma_semaphore, #tpu.memory_space<semaphore_mem>>)
    %dma_start3A_44 = arith.constant 3 : i32
    %dma_start3A_45 = arith.constant 3 : i32
    %dma_start3A_46 = arith.constant 96 : i32
    %dma_start3A_47 = arith.constant 0 : i32
    %dma_start3A_48 = tpu.memref_slice %arg6[%dma_start3A_46, %dma_start3A_47] : memref<128x768xf32, #tpu.memory_space<vmem>> -> memref<32x768xf32, #tpu.memory_space<vmem>>
    %dma_start3A_49 = arith.constant 0 : i32
    %dma_start3A_50 = tpu.memref_slice %arg5[%dma_start3A_44, %dma_start3A_49] : memref<4x32xi32, #tpu.memory_space<vmem>> -> memref<1x32xi32, #tpu.memory_space<vmem>>
    %dma_start3A_51 = tpu.memref_squeeze %dma_start3A_50 : memref<1x32xi32, #tpu.memory_space<vmem>> -> memref<32xi32, #tpu.memory_space<vmem>>
    %dma_start3A_52 = arith.constant 0 : i32
    %dma_start3A_53 = arith.constant 0 : i32
    %dma_start3A_54 = tpu.memref_slice %arg2[%dma_start3A_52, %dma_start3A_53] : memref<5120x768xf32, #tpu.memory_space<hbm>> -> memref<5120x768xf32, #tpu.memory_space<hbm>>
    %dma_start3A_55 = tpu.memref_slice %arg7[%dma_start3A_45] : memref<4x!tpu.dma_semaphore, #tpu.memory_space<semaphore_mem>> -> memref<1x!tpu.dma_semaphore, #tpu.memory_space<semaphore_mem>>
    %dma_start3A_56 = tpu.memref_squeeze %dma_start3A_55 : memref<1x!tpu.dma_semaphore, #tpu.memory_space<semaphore_mem>> -> memref<!tpu.dma_semaphore, #tpu.memory_space<semaphore_mem>>
    tpu.enqueue_indirect_dma source(%dma_start3A_54 : memref<5120x768xf32, #tpu.memory_space<hbm>>) target(%dma_start3A_48 : memref<32x768xf32, #tpu.memory_space<vmem>>) offsets(%dma_start3A_51 : memref<32xi32, #tpu.memory_space<vmem>>) semaphore(%dma_start3A_56 : memref<!tpu.dma_semaphore, #tpu.memory_space<semaphore_mem>>)
    %dma_wait3A = arith.constant 0 : i32
    %dma_wait3A_57 = arith.constant 0 : i32
    %dma_wait3A_58 = arith.constant 0 : i32
    %dma_wait3A_59 = arith.constant 0 : i32
    %dma_wait3A_60 = tpu.memref_slice %arg6[%dma_wait3A_58, %dma_wait3A_59] : memref<128x768xf32, #tpu.memory_space<vmem>> -> memref<32x768xf32, #tpu.memory_space<vmem>>
    %dma_wait3A_61 = arith.constant 0 : i32
    %dma_wait3A_62 = tpu.memref_slice %arg5[%dma_wait3A, %dma_wait3A_61] : memref<4x32xi32, #tpu.memory_space<vmem>> -> memref<1x32xi32, #tpu.memory_space<vmem>>
    %dma_wait3A_63 = tpu.memref_squeeze %dma_wait3A_62 : memref<1x32xi32, #tpu.memory_space<vmem>> -> memref<32xi32, #tpu.memory_space<vmem>>
    %dma_wait3A_64 = arith.constant 0 : i32
    %dma_wait3A_65 = arith.constant 0 : i32
    %dma_wait3A_66 = tpu.memref_slice %arg2[%dma_wait3A_64, %dma_wait3A_65] : memref<5120x768xf32, #tpu.memory_space<hbm>> -> memref<5120x768xf32, #tpu.memory_space<hbm>>
    %dma_wait3A_67 = tpu.memref_slice %arg7[%dma_wait3A_57] : memref<4x!tpu.dma_semaphore, #tpu.memory_space<semaphore_mem>> -> memref<1x!tpu.dma_semaphore, #tpu.memory_space<semaphore_mem>>
    %dma_wait3A_68 = tpu.memref_squeeze %dma_wait3A_67 : memref<1x!tpu.dma_semaphore, #tpu.memory_space<semaphore_mem>> -> memref<!tpu.dma_semaphore, #tpu.memory_space<semaphore_mem>>
    tpu.wait_indirect_dma semaphore(%dma_wait3A_68 : memref<!tpu.dma_semaphore, #tpu.memory_space<semaphore_mem>>) src(%dma_wait3A_66 : memref<5120x768xf32, #tpu.memory_space<hbm>>) dst(%dma_wait3A_60 : memref<32x768xf32, #tpu.memory_space<vmem>>)
    %add3A_69 = arith.constant 0 : i32
    %add3A_70 = arith.addi %mul3A_2, %add3A_69 : i32
    %dma_start3A_71 = arith.constant 0 : i32
    %dma_start3A_72 = arith.constant 0 : i32
    %dma_start3A_73 = arith.constant 0 : i32
    %dma_start3A_74 = tpu.memref_slice %arg6[%dma_start3A_72, %dma_start3A_73] : memref<128x768xf32, #tpu.memory_space<vmem>> -> memref<32x768xf32, #tpu.memory_space<vmem>>
    %dma_start3A_75 = arith.constant 0 : i32
    %dma_start3A_76 = tpu.memref_slice %arg4[%add3A_70, %dma_start3A_75] : memref<4096x768xf32, #tpu.memory_space<hbm>> -> memref<32x768xf32, #tpu.memory_space<hbm>>
    %dma_start3A_77 = tpu.memref_slice %arg8[%dma_start3A_71] : memref<4x!tpu.dma_semaphore, #tpu.memory_space<semaphore_mem>> -> memref<1x!tpu.dma_semaphore, #tpu.memory_space<semaphore_mem>>
    %dma_start3A_78 = tpu.memref_squeeze %dma_start3A_77 : memref<1x!tpu.dma_semaphore, #tpu.memory_space<semaphore_mem>> -> memref<!tpu.dma_semaphore, #tpu.memory_space<semaphore_mem>>
    %dma_start3A_79 = arith.constant 0 : i32
    %dma_start3A_80 = tpu.memref_slice %arg4[%add3A_70, %dma_start3A_79] : memref<4096x768xf32, #tpu.memory_space<hbm>> -> memref<32x768xf32, #tpu.memory_space<hbm>>
    %dma_start3A_81 = arith.constant 0 : i32
    %dma_start3A_82 = arith.constant 0 : i32
    %dma_start3A_83 = tpu.memref_slice %arg6[%dma_start3A_81, %dma_start3A_82] : memref<128x768xf32, #tpu.memory_space<vmem>> -> memref<32x768xf32, #tpu.memory_space<vmem>>
    tpu.enqueue_dma source(%dma_start3A_83 : memref<32x768xf32, #tpu.memory_space<vmem>>) target(%dma_start3A_80 : memref<32x768xf32, #tpu.memory_space<hbm>>) target_semaphore(%dma_start3A_78 : memref<!tpu.dma_semaphore, #tpu.memory_space<semaphore_mem>>)
    %dma_wait3A_84 = arith.constant 1 : i32
    %dma_wait3A_85 = arith.constant 1 : i32
    %dma_wait3A_86 = arith.constant 32 : i32
    %dma_wait3A_87 = arith.constant 0 : i32
    %dma_wait3A_88 = tpu.memref_slice %arg6[%dma_wait3A_86, %dma_wait3A_87] : memref<128x768xf32, #tpu.memory_space<vmem>> -> memref<32x768xf32, #tpu.memory_space<vmem>>
    %dma_wait3A_89 = arith.constant 0 : i32
    %dma_wait3A_90 = tpu.memref_slice %arg5[%dma_wait3A_84, %dma_wait3A_89] : memref<4x32xi32, #tpu.memory_space<vmem>> -> memref<1x32xi32, #tpu.memory_space<vmem>>
    %dma_wait3A_91 = tpu.memref_squeeze %dma_wait3A_90 : memref<1x32xi32, #tpu.memory_space<vmem>> -> memref<32xi32, #tpu.memory_space<vmem>>
    %dma_wait3A_92 = arith.constant 0 : i32
    %dma_wait3A_93 = arith.constant 0 : i32
    %dma_wait3A_94 = tpu.memref_slice %arg2[%dma_wait3A_92, %dma_wait3A_93] : memref<5120x768xf32, #tpu.memory_space<hbm>> -> memref<5120x768xf32, #tpu.memory_space<hbm>>
    %dma_wait3A_95 = tpu.memref_slice %arg7[%dma_wait3A_85] : memref<4x!tpu.dma_semaphore, #tpu.memory_space<semaphore_mem>> -> memref<1x!tpu.dma_semaphore, #tpu.memory_space<semaphore_mem>>
    %dma_wait3A_96 = tpu.memref_squeeze %dma_wait3A_95 : memref<1x!tpu.dma_semaphore, #tpu.memory_space<semaphore_mem>> -> memref<!tpu.dma_semaphore, #tpu.memory_space<semaphore_mem>>
    tpu.wait_indirect_dma semaphore(%dma_wait3A_96 : memref<!tpu.dma_semaphore, #tpu.memory_space<semaphore_mem>>) src(%dma_wait3A_94 : memref<5120x768xf32, #tpu.memory_space<hbm>>) dst(%dma_wait3A_88 : memref<32x768xf32, #tpu.memory_space<vmem>>)
    %add3A_97 = arith.constant 32 : i32
    %add3A_98 = arith.addi %mul3A_2, %add3A_97 : i32
    %dma_start3A_99 = arith.constant 1 : i32
    %dma_start3A_100 = arith.constant 32 : i32
    %dma_start3A_101 = arith.constant 0 : i32
    %dma_start3A_102 = tpu.memref_slice %arg6[%dma_start3A_100, %dma_start3A_101] : memref<128x768xf32, #tpu.memory_space<vmem>> -> memref<32x768xf32, #tpu.memory_space<vmem>>
    %dma_start3A_103 = arith.constant 0 : i32
    %dma_start3A_104 = tpu.memref_slice %arg4[%add3A_98, %dma_start3A_103] : memref<4096x768xf32, #tpu.memory_space<hbm>> -> memref<32x768xf32, #tpu.memory_space<hbm>>
    %dma_start3A_105 = tpu.memref_slice %arg8[%dma_start3A_99] : memref<4x!tpu.dma_semaphore, #tpu.memory_space<semaphore_mem>> -> memref<1x!tpu.dma_semaphore, #tpu.memory_space<semaphore_mem>>
    %dma_start3A_106 = tpu.memref_squeeze %dma_start3A_105 : memref<1x!tpu.dma_semaphore, #tpu.memory_space<semaphore_mem>> -> memref<!tpu.dma_semaphore, #tpu.memory_space<semaphore_mem>>
    %dma_start3A_107 = arith.constant 0 : i32
    %dma_start3A_108 = tpu.memref_slice %arg4[%add3A_98, %dma_start3A_107] : memref<4096x768xf32, #tpu.memory_space<hbm>> -> memref<32x768xf32, #tpu.memory_space<hbm>>
    %dma_start3A_109 = arith.constant 32 : i32
    %dma_start3A_110 = arith.constant 0 : i32
    %dma_start3A_111 = tpu.memref_slice %arg6[%dma_start3A_109, %dma_start3A_110] : memref<128x768xf32, #tpu.memory_space<vmem>> -> memref<32x768xf32, #tpu.memory_space<vmem>>
    tpu.enqueue_dma source(%dma_start3A_111 : memref<32x768xf32, #tpu.memory_space<vmem>>) target(%dma_start3A_108 : memref<32x768xf32, #tpu.memory_space<hbm>>) target_semaphore(%dma_start3A_106 : memref<!tpu.dma_semaphore, #tpu.memory_space<semaphore_mem>>)
    %dma_wait3A_112 = arith.constant 2 : i32
    %dma_wait3A_113 = arith.constant 2 : i32
    %dma_wait3A_114 = arith.constant 64 : i32
    %dma_wait3A_115 = arith.constant 0 : i32
    %dma_wait3A_116 = tpu.memref_slice %arg6[%dma_wait3A_114, %dma_wait3A_115] : memref<128x768xf32, #tpu.memory_space<vmem>> -> memref<32x768xf32, #tpu.memory_space<vmem>>
    %dma_wait3A_117 = arith.constant 0 : i32
    %dma_wait3A_118 = tpu.memref_slice %arg5[%dma_wait3A_112, %dma_wait3A_117] : memref<4x32xi32, #tpu.memory_space<vmem>> -> memref<1x32xi32, #tpu.memory_space<vmem>>
    %dma_wait3A_119 = tpu.memref_squeeze %dma_wait3A_118 : memref<1x32xi32, #tpu.memory_space<vmem>> -> memref<32xi32, #tpu.memory_space<vmem>>
    %dma_wait3A_120 = arith.constant 0 : i32
    %dma_wait3A_121 = arith.constant 0 : i32
    %dma_wait3A_122 = tpu.memref_slice %arg2[%dma_wait3A_120, %dma_wait3A_121] : memref<5120x768xf32, #tpu.memory_space<hbm>> -> memref<5120x768xf32, #tpu.memory_space<hbm>>
    %dma_wait3A_123 = tpu.memref_slice %arg7[%dma_wait3A_113] : memref<4x!tpu.dma_semaphore, #tpu.memory_space<semaphore_mem>> -> memref<1x!tpu.dma_semaphore, #tpu.memory_space<semaphore_mem>>
    %dma_wait3A_124 = tpu.memref_squeeze %dma_wait3A_123 : memref<1x!tpu.dma_semaphore, #tpu.memory_space<semaphore_mem>> -> memref<!tpu.dma_semaphore, #tpu.memory_space<semaphore_mem>>
    tpu.wait_indirect_dma semaphore(%dma_wait3A_124 : memref<!tpu.dma_semaphore, #tpu.memory_space<semaphore_mem>>) src(%dma_wait3A_122 : memref<5120x768xf32, #tpu.memory_space<hbm>>) dst(%dma_wait3A_116 : memref<32x768xf32, #tpu.memory_space<vmem>>)
    %add3A_125 = arith.constant 64 : i32
    %add3A_126 = arith.addi %mul3A_2, %add3A_125 : i32
    %dma_start3A_127 = arith.constant 2 : i32
    %dma_start3A_128 = arith.constant 64 : i32
    %dma_start3A_129 = arith.constant 0 : i32
    %dma_start3A_130 = tpu.memref_slice %arg6[%dma_start3A_128, %dma_start3A_129] : memref<128x768xf32, #tpu.memory_space<vmem>> -> memref<32x768xf32, #tpu.memory_space<vmem>>
    %dma_start3A_131 = arith.constant 0 : i32
    %dma_start3A_132 = tpu.memref_slice %arg4[%add3A_126, %dma_start3A_131] : memref<4096x768xf32, #tpu.memory_space<hbm>> -> memref<32x768xf32, #tpu.memory_space<hbm>>
    %dma_start3A_133 = tpu.memref_slice %arg8[%dma_start3A_127] : memref<4x!tpu.dma_semaphore, #tpu.memory_space<semaphore_mem>> -> memref<1x!tpu.dma_semaphore, #tpu.memory_space<semaphore_mem>>
    %dma_start3A_134 = tpu.memref_squeeze %dma_start3A_133 : memref<1x!tpu.dma_semaphore, #tpu.memory_space<semaphore_mem>> -> memref<!tpu.dma_semaphore, #tpu.memory_space<semaphore_mem>>
    %dma_start3A_135 = arith.constant 0 : i32
    %dma_start3A_136 = tpu.memref_slice %arg4[%add3A_126, %dma_start3A_135] : memref<4096x768xf32, #tpu.memory_space<hbm>> -> memref<32x768xf32, #tpu.memory_space<hbm>>
    %dma_start3A_137 = arith.constant 64 : i32
    %dma_start3A_138 = arith.constant 0 : i32
    %dma_start3A_139 = tpu.memref_slice %arg6[%dma_start3A_137, %dma_start3A_138] : memref<128x768xf32, #tpu.memory_space<vmem>> -> memref<32x768xf32, #tpu.memory_space<vmem>>
    tpu.enqueue_dma source(%dma_start3A_139 : memref<32x768xf32, #tpu.memory_space<vmem>>) target(%dma_start3A_136 : memref<32x768xf32, #tpu.memory_space<hbm>>) target_semaphore(%dma_start3A_134 : memref<!tpu.dma_semaphore, #tpu.memory_space<semaphore_mem>>)
    %dma_wait3A_140 = arith.constant 3 : i32
    %dma_wait3A_141 = arith.constant 3 : i32
    %dma_wait3A_142 = arith.constant 96 : i32
    %dma_wait3A_143 = arith.constant 0 : i32
    %dma_wait3A_144 = tpu.memref_slice %arg6[%dma_wait3A_142, %dma_wait3A_143] : memref<128x768xf32, #tpu.memory_space<vmem>> -> memref<32x768xf32, #tpu.memory_space<vmem>>
    %dma_wait3A_145 = arith.constant 0 : i32
    %dma_wait3A_146 = tpu.memref_slice %arg5[%dma_wait3A_140, %dma_wait3A_145] : memref<4x32xi32, #tpu.memory_space<vmem>> -> memref<1x32xi32, #tpu.memory_space<vmem>>
    %dma_wait3A_147 = tpu.memref_squeeze %dma_wait3A_146 : memref<1x32xi32, #tpu.memory_space<vmem>> -> memref<32xi32, #tpu.memory_space<vmem>>
    %dma_wait3A_148 = arith.constant 0 : i32
    %dma_wait3A_149 = arith.constant 0 : i32
    %dma_wait3A_150 = tpu.memref_slice %arg2[%dma_wait3A_148, %dma_wait3A_149] : memref<5120x768xf32, #tpu.memory_space<hbm>> -> memref<5120x768xf32, #tpu.memory_space<hbm>>
    %dma_wait3A_151 = tpu.memref_slice %arg7[%dma_wait3A_141] : memref<4x!tpu.dma_semaphore, #tpu.memory_space<semaphore_mem>> -> memref<1x!tpu.dma_semaphore, #tpu.memory_space<semaphore_mem>>
    %dma_wait3A_152 = tpu.memref_squeeze %dma_wait3A_151 : memref<1x!tpu.dma_semaphore, #tpu.memory_space<semaphore_mem>> -> memref<!tpu.dma_semaphore, #tpu.memory_space<semaphore_mem>>
    tpu.wait_indirect_dma semaphore(%dma_wait3A_152 : memref<!tpu.dma_semaphore, #tpu.memory_space<semaphore_mem>>) src(%dma_wait3A_150 : memref<5120x768xf32, #tpu.memory_space<hbm>>) dst(%dma_wait3A_144 : memref<32x768xf32, #tpu.memory_space<vmem>>)
    %add3A_153 = arith.constant 96 : i32
    %add3A_154 = arith.addi %mul3A_2, %add3A_153 : i32
    %dma_start3A_155 = arith.constant 3 : i32
    %dma_start3A_156 = arith.constant 96 : i32
    %dma_start3A_157 = arith.constant 0 : i32
    %dma_start3A_158 = tpu.memref_slice %arg6[%dma_start3A_156, %dma_start3A_157] : memref<128x768xf32, #tpu.memory_space<vmem>> -> memref<32x768xf32, #tpu.memory_space<vmem>>
    %dma_start3A_159 = arith.constant 0 : i32
    %dma_start3A_160 = tpu.memref_slice %arg4[%add3A_154, %dma_start3A_159] : memref<4096x768xf32, #tpu.memory_space<hbm>> -> memref<32x768xf32, #tpu.memory_space<hbm>>
    %dma_start3A_161 = tpu.memref_slice %arg8[%dma_start3A_155] : memref<4x!tpu.dma_semaphore, #tpu.memory_space<semaphore_mem>> -> memref<1x!tpu.dma_semaphore, #tpu.memory_space<semaphore_mem>>
    %dma_start3A_162 = tpu.memref_squeeze %dma_start3A_161 : memref<1x!tpu.dma_semaphore, #tpu.memory_space<semaphore_mem>> -> memref<!tpu.dma_semaphore, #tpu.memory_space<semaphore_mem>>
    %dma_start3A_163 = arith.constant 0 : i32
    %dma_start3A_164 = tpu.memref_slice %arg4[%add3A_154, %dma_start3A_163] : memref<4096x768xf32, #tpu.memory_space<hbm>> -> memref<32x768xf32, #tpu.memory_space<hbm>>
    %dma_start3A_165 = arith.constant 96 : i32
    %dma_start3A_166 = arith.constant 0 : i32
    %dma_start3A_167 = tpu.memref_slice %arg6[%dma_start3A_165, %dma_start3A_166] : memref<128x768xf32, #tpu.memory_space<vmem>> -> memref<32x768xf32, #tpu.memory_space<vmem>>
    tpu.enqueue_dma source(%dma_start3A_167 : memref<32x768xf32, #tpu.memory_space<vmem>>) target(%dma_start3A_164 : memref<32x768xf32, #tpu.memory_space<hbm>>) target_semaphore(%dma_start3A_162 : memref<!tpu.dma_semaphore, #tpu.memory_space<semaphore_mem>>)
    %dma_wait3A_168 = arith.constant 0 : i32
    %dma_wait3A_169 = arith.constant 0 : i32
    %dma_wait3A_170 = arith.constant 0 : i32
    %dma_wait3A_171 = tpu.memref_slice %arg6[%dma_wait3A_169, %dma_wait3A_170] : memref<128x768xf32, #tpu.memory_space<vmem>> -> memref<32x768xf32, #tpu.memory_space<vmem>>
    %dma_wait3A_172 = arith.constant 0 : i32
    %dma_wait3A_173 = tpu.memref_slice %arg4[%add3A_70, %dma_wait3A_172] : memref<4096x768xf32, #tpu.memory_space<hbm>> -> memref<32x768xf32, #tpu.memory_space<hbm>>
    %dma_wait3A_174 = tpu.memref_slice %arg8[%dma_wait3A_168] : memref<4x!tpu.dma_semaphore, #tpu.memory_space<semaphore_mem>> -> memref<1x!tpu.dma_semaphore, #tpu.memory_space<semaphore_mem>>
    %dma_wait3A_175 = tpu.memref_squeeze %dma_wait3A_174 : memref<1x!tpu.dma_semaphore, #tpu.memory_space<semaphore_mem>> -> memref<!tpu.dma_semaphore, #tpu.memory_space<semaphore_mem>>
    %dma_wait3A_176 = arith.constant 0 : i32
    %dma_wait3A_177 = tpu.memref_slice %arg4[%add3A_70, %dma_wait3A_176] : memref<4096x768xf32, #tpu.memory_space<hbm>> -> memref<32x768xf32, #tpu.memory_space<hbm>>
    %dma_wait3A_178 = arith.constant 0 : i32
    %dma_wait3A_179 = arith.constant 0 : i32
    %dma_wait3A_180 = tpu.memref_slice %arg6[%dma_wait3A_178, %dma_wait3A_179] : memref<128x768xf32, #tpu.memory_space<vmem>> -> memref<32x768xf32, #tpu.memory_space<vmem>>
    tpu.wait_dma2 semaphore(%dma_wait3A_175 : memref<!tpu.dma_semaphore, #tpu.memory_space<semaphore_mem>>) src(%dma_wait3A_180 : memref<32x768xf32, #tpu.memory_space<vmem>>) dst(%dma_wait3A_177 : memref<32x768xf32, #tpu.memory_space<hbm>>)
    %dma_wait3A_181 = arith.constant 1 : i32
    %dma_wait3A_182 = arith.constant 32 : i32
    %dma_wait3A_183 = arith.constant 0 : i32
    %dma_wait3A_184 = tpu.memref_slice %arg6[%dma_wait3A_182, %dma_wait3A_183] : memref<128x768xf32, #tpu.memory_space<vmem>> -> memref<32x768xf32, #tpu.memory_space<vmem>>
    %dma_wait3A_185 = arith.constant 0 : i32
    %dma_wait3A_186 = tpu.memref_slice %arg4[%add3A_98, %dma_wait3A_185] : memref<4096x768xf32, #tpu.memory_space<hbm>> -> memref<32x768xf32, #tpu.memory_space<hbm>>
    %dma_wait3A_187 = tpu.memref_slice %arg8[%dma_wait3A_181] : memref<4x!tpu.dma_semaphore, #tpu.memory_space<semaphore_mem>> -> memref<1x!tpu.dma_semaphore, #tpu.memory_space<semaphore_mem>>
    %dma_wait3A_188 = tpu.memref_squeeze %dma_wait3A_187 : memref<1x!tpu.dma_semaphore, #tpu.memory_space<semaphore_mem>> -> memref<!tpu.dma_semaphore, #tpu.memory_space<semaphore_mem>>
    %dma_wait3A_189 = arith.constant 0 : i32
    %dma_wait3A_190 = tpu.memref_slice %arg4[%add3A_98, %dma_wait3A_189] : memref<4096x768xf32, #tpu.memory_space<hbm>> -> memref<32x768xf32, #tpu.memory_space<hbm>>
    %dma_wait3A_191 = arith.constant 32 : i32
    %dma_wait3A_192 = arith.constant 0 : i32
    %dma_wait3A_193 = tpu.memref_slice %arg6[%dma_wait3A_191, %dma_wait3A_192] : memref<128x768xf32, #tpu.memory_space<vmem>> -> memref<32x768xf32, #tpu.memory_space<vmem>>
    tpu.wait_dma2 semaphore(%dma_wait3A_188 : memref<!tpu.dma_semaphore, #tpu.memory_space<semaphore_mem>>) src(%dma_wait3A_193 : memref<32x768xf32, #tpu.memory_space<vmem>>) dst(%dma_wait3A_190 : memref<32x768xf32, #tpu.memory_space<hbm>>)
    %dma_wait3A_194 = arith.constant 2 : i32
    %dma_wait3A_195 = arith.constant 64 : i32
    %dma_wait3A_196 = arith.constant 0 : i32
    %dma_wait3A_197 = tpu.memref_slice %arg6[%dma_wait3A_195, %dma_wait3A_196] : memref<128x768xf32, #tpu.memory_space<vmem>> -> memref<32x768xf32, #tpu.memory_space<vmem>>
    %dma_wait3A_198 = arith.constant 0 : i32
    %dma_wait3A_199 = tpu.memref_slice %arg4[%add3A_126, %dma_wait3A_198] : memref<4096x768xf32, #tpu.memory_space<hbm>> -> memref<32x768xf32, #tpu.memory_space<hbm>>
    %dma_wait3A_200 = tpu.memref_slice %arg8[%dma_wait3A_194] : memref<4x!tpu.dma_semaphore, #tpu.memory_space<semaphore_mem>> -> memref<1x!tpu.dma_semaphore, #tpu.memory_space<semaphore_mem>>
    %dma_wait3A_201 = tpu.memref_squeeze %dma_wait3A_200 : memref<1x!tpu.dma_semaphore, #tpu.memory_space<semaphore_mem>> -> memref<!tpu.dma_semaphore, #tpu.memory_space<semaphore_mem>>
    %dma_wait3A_202 = arith.constant 0 : i32
    %dma_wait3A_203 = tpu.memref_slice %arg4[%add3A_126, %dma_wait3A_202] : memref<4096x768xf32, #tpu.memory_space<hbm>> -> memref<32x768xf32, #tpu.memory_space<hbm>>
    %dma_wait3A_204 = arith.constant 64 : i32
    %dma_wait3A_205 = arith.constant 0 : i32
    %dma_wait3A_206 = tpu.memref_slice %arg6[%dma_wait3A_204, %dma_wait3A_205] : memref<128x768xf32, #tpu.memory_space<vmem>> -> memref<32x768xf32, #tpu.memory_space<vmem>>
    tpu.wait_dma2 semaphore(%dma_wait3A_201 : memref<!tpu.dma_semaphore, #tpu.memory_space<semaphore_mem>>) src(%dma_wait3A_206 : memref<32x768xf32, #tpu.memory_space<vmem>>) dst(%dma_wait3A_203 : memref<32x768xf32, #tpu.memory_space<hbm>>)
    %dma_wait3A_207 = arith.constant 3 : i32
    %dma_wait3A_208 = arith.constant 96 : i32
    %dma_wait3A_209 = arith.constant 0 : i32
    %dma_wait3A_210 = tpu.memref_slice %arg6[%dma_wait3A_208, %dma_wait3A_209] : memref<128x768xf32, #tpu.memory_space<vmem>> -> memref<32x768xf32, #tpu.memory_space<vmem>>
    %dma_wait3A_211 = arith.constant 0 : i32
    %dma_wait3A_212 = tpu.memref_slice %arg4[%add3A_154, %dma_wait3A_211] : memref<4096x768xf32, #tpu.memory_space<hbm>> -> memref<32x768xf32, #tpu.memory_space<hbm>>
    %dma_wait3A_213 = tpu.memref_slice %arg8[%dma_wait3A_207] : memref<4x!tpu.dma_semaphore, #tpu.memory_space<semaphore_mem>> -> memref<1x!tpu.dma_semaphore, #tpu.memory_space<semaphore_mem>>
    %dma_wait3A_214 = tpu.memref_squeeze %dma_wait3A_213 : memref<1x!tpu.dma_semaphore, #tpu.memory_space<semaphore_mem>> -> memref<!tpu.dma_semaphore, #tpu.memory_space<semaphore_mem>>
    %dma_wait3A_215 = arith.constant 0 : i32
    %dma_wait3A_216 = tpu.memref_slice %arg4[%add3A_154, %dma_wait3A_215] : memref<4096x768xf32, #tpu.memory_space<hbm>> -> memref<32x768xf32, #tpu.memory_space<hbm>>
    %dma_wait3A_217 = arith.constant 96 : i32
    %dma_wait3A_218 = arith.constant 0 : i32
    %dma_wait3A_219 = tpu.memref_slice %arg6[%dma_wait3A_217, %dma_wait3A_218] : memref<128x768xf32, #tpu.memory_space<vmem>> -> memref<32x768xf32, #tpu.memory_space<vmem>>
    tpu.wait_dma2 semaphore(%dma_wait3A_214 : memref<!tpu.dma_semaphore, #tpu.memory_space<semaphore_mem>>) src(%dma_wait3A_219 : memref<32x768xf32, #tpu.memory_space<vmem>>) dst(%dma_wait3A_216 : memref<32x768xf32, #tpu.memory_space<hbm>>)
    return
  }
}

#map = affine_map<(d0, d1) -> (0, 0)>
module attributes {stable_mosaic.version = 14 : i64} {
  func.func @permute_k(%arg0: i32, %arg1: i32, %arg2: memref<4096x768xf32, #tpu.memory_space<hbm>>, %arg3: memref<32x128xi32, #tpu.memory_space<hbm>>, %arg4: memref<5120x768xf32, #tpu.memory_space<hbm>>, %arg5: memref<4x32xi32, #tpu.memory_space<vmem>>, %arg6: memref<128x768xf32, #tpu.memory_space<vmem>>, %arg7: memref<4x!tpu.dma_semaphore, #tpu.memory_space<semaphore_mem>>, %arg8: memref<4x!tpu.dma_semaphore, #tpu.memory_space<semaphore_mem>>) attributes {dimension_semantics = [#tpu.dimension_semantics<core_parallel>, #tpu.dimension_semantics<subcore_parallel>], iteration_bounds = array<i64: 2, 16>, scalar_prefetch = 0 : i64, scratch_operands = 4 : i64, tpu.core_type = #tpu.core_type<sc_vector_subcore>, window_params = [{transform_indices = #map}, {transform_indices = #map}, {transform_indices = #map}]} {
    %mul3A = arith.constant 2 : i32
    %mul3A_0 = arith.muli %arg1, %mul3A : i32
    %add3A = arith.addi %mul3A_0, %arg0 : i32
    %mul3A_1 = arith.constant 128 : i32
    %mul3A_2 = arith.muli %add3A, %mul3A_1 : i32
    %run_scoped3A = arith.constant 0 : i32
    "tpu.region"() ({
      %run_scoped3A_220 = tpu.sem_alloc : memref<!tpu.dma_semaphore, #tpu.memory_space<semaphore_mem>>
      %dma_start3A_221 = arith.constant 0 : i32
      %dma_start3A_222 = tpu.memref_slice %arg5[%run_scoped3A, %dma_start3A_221] : memref<4x32xi32, #tpu.memory_space<vmem>> -> memref<1x32xi32, #tpu.memory_space<vmem>>
      %dma_start3A_223 = tpu.memref_squeeze %dma_start3A_222 : memref<1x32xi32, #tpu.memory_space<vmem>> -> memref<32xi32, #tpu.memory_space<vmem>>
      %dma_start3A_224 = arith.constant 0 : i32
      %dma_start3A_225 = tpu.memref_slice %arg3[%add3A, %dma_start3A_224] : memref<32x128xi32, #tpu.memory_space<hbm>> -> memref<1x32xi32, #tpu.memory_space<hbm>>
      %dma_start3A_226 = tpu.memref_squeeze %dma_start3A_225 : memref<1x32xi32, #tpu.memory_space<hbm>> -> memref<32xi32, #tpu.memory_space<hbm>>
      %dma_start3A_227 = arith.constant 0 : i32
      %dma_start3A_228 = tpu.memref_slice %arg5[%run_scoped3A, %dma_start3A_227] : memref<4x32xi32, #tpu.memory_space<vmem>> -> memref<1x32xi32, #tpu.memory_space<vmem>>
      %dma_start3A_229 = tpu.memref_squeeze %dma_start3A_228 : memref<1x32xi32, #tpu.memory_space<vmem>> -> memref<32xi32, #tpu.memory_space<vmem>>
      %dma_start3A_230 = arith.constant 0 : i32
      %dma_start3A_231 = tpu.memref_slice %arg3[%add3A, %dma_start3A_230] : memref<32x128xi32, #tpu.memory_space<hbm>> -> memref<1x32xi32, #tpu.memory_space<hbm>>
      %dma_start3A_232 = tpu.memref_squeeze %dma_start3A_231 : memref<1x32xi32, #tpu.memory_space<hbm>> -> memref<32xi32, #tpu.memory_space<hbm>>
      tpu.enqueue_dma source(%dma_start3A_232 : memref<32xi32, #tpu.memory_space<hbm>>) target(%dma_start3A_229 : memref<32xi32, #tpu.memory_space<vmem>>) target_semaphore(%run_scoped3A_220 : memref<!tpu.dma_semaphore, #tpu.memory_space<semaphore_mem>>)
      %dma_wait3A_233 = arith.constant 0 : i32
      %dma_wait3A_234 = tpu.memref_slice %arg5[%run_scoped3A, %dma_wait3A_233] : memref<4x32xi32, #tpu.memory_space<vmem>> -> memref<1x32xi32, #tpu.memory_space<vmem>>
      %dma_wait3A_235 = tpu.memref_squeeze %dma_wait3A_234 : memref<1x32xi32, #tpu.memory_space<vmem>> -> memref<32xi32, #tpu.memory_space<vmem>>
      %dma_wait3A_236 = arith.constant 0 : i32
      %dma_wait3A_237 = tpu.memref_slice %arg3[%add3A, %dma_wait3A_236] : memref<32x128xi32, #tpu.memory_space<hbm>> -> memref<1x32xi32, #tpu.memory_space<hbm>>
      %dma_wait3A_238 = tpu.memref_squeeze %dma_wait3A_237 : memref<1x32xi32, #tpu.memory_space<hbm>> -> memref<32xi32, #tpu.memory_space<hbm>>
      %dma_wait3A_239 = arith.constant 0 : i32
      %dma_wait3A_240 = tpu.memref_slice %arg5[%run_scoped3A, %dma_wait3A_239] : memref<4x32xi32, #tpu.memory_space<vmem>> -> memref<1x32xi32, #tpu.memory_space<vmem>>
      %dma_wait3A_241 = tpu.memref_squeeze %dma_wait3A_240 : memref<1x32xi32, #tpu.memory_space<vmem>> -> memref<32xi32, #tpu.memory_space<vmem>>
      %dma_wait3A_242 = arith.constant 0 : i32
      %dma_wait3A_243 = tpu.memref_slice %arg3[%add3A, %dma_wait3A_242] : memref<32x128xi32, #tpu.memory_space<hbm>> -> memref<1x32xi32, #tpu.memory_space<hbm>>
      %dma_wait3A_244 = tpu.memref_squeeze %dma_wait3A_243 : memref<1x32xi32, #tpu.memory_space<hbm>> -> memref<32xi32, #tpu.memory_space<hbm>>
      tpu.wait_dma2 semaphore(%run_scoped3A_220 : memref<!tpu.dma_semaphore, #tpu.memory_space<semaphore_mem>>) src(%dma_wait3A_244 : memref<32xi32, #tpu.memory_space<hbm>>) dst(%dma_wait3A_241 : memref<32xi32, #tpu.memory_space<vmem>>)
      tpu.yield
    }) : () -> ()
    %run_scoped3A_3 = arith.constant 1 : i32
    "tpu.region"() ({
      %run_scoped3A_220 = tpu.sem_alloc : memref<!tpu.dma_semaphore, #tpu.memory_space<semaphore_mem>>
      %dma_start3A_221 = arith.constant 0 : i32
      %dma_start3A_222 = tpu.memref_slice %arg5[%run_scoped3A_3, %dma_start3A_221] : memref<4x32xi32, #tpu.memory_space<vmem>> -> memref<1x32xi32, #tpu.memory_space<vmem>>
      %dma_start3A_223 = tpu.memref_squeeze %dma_start3A_222 : memref<1x32xi32, #tpu.memory_space<vmem>> -> memref<32xi32, #tpu.memory_space<vmem>>
      %dma_start3A_224 = arith.constant 32 : i32
      %dma_start3A_225 = tpu.memref_slice %arg3[%add3A, %dma_start3A_224] : memref<32x128xi32, #tpu.memory_space<hbm>> -> memref<1x32xi32, #tpu.memory_space<hbm>>
      %dma_start3A_226 = tpu.memref_squeeze %dma_start3A_225 : memref<1x32xi32, #tpu.memory_space<hbm>> -> memref<32xi32, #tpu.memory_space<hbm>>
      %dma_start3A_227 = arith.constant 0 : i32
      %dma_start3A_228 = tpu.memref_slice %arg5[%run_scoped3A_3, %dma_start3A_227] : memref<4x32xi32, #tpu.memory_space<vmem>> -> memref<1x32xi32, #tpu.memory_space<vmem>>
      %dma_start3A_229 = tpu.memref_squeeze %dma_start3A_228 : memref<1x32xi32, #tpu.memory_space<vmem>> -> memref<32xi32, #tpu.memory_space<vmem>>
      %dma_start3A_230 = arith.constant 32 : i32
      %dma_start3A_231 = tpu.memref_slice %arg3[%add3A, %dma_start3A_230] : memref<32x128xi32, #tpu.memory_space<hbm>> -> memref<1x32xi32, #tpu.memory_space<hbm>>
      %dma_start3A_232 = tpu.memref_squeeze %dma_start3A_231 : memref<1x32xi32, #tpu.memory_space<hbm>> -> memref<32xi32, #tpu.memory_space<hbm>>
      tpu.enqueue_dma source(%dma_start3A_232 : memref<32xi32, #tpu.memory_space<hbm>>) target(%dma_start3A_229 : memref<32xi32, #tpu.memory_space<vmem>>) target_semaphore(%run_scoped3A_220 : memref<!tpu.dma_semaphore, #tpu.memory_space<semaphore_mem>>)
      %dma_wait3A_233 = arith.constant 0 : i32
      %dma_wait3A_234 = tpu.memref_slice %arg5[%run_scoped3A_3, %dma_wait3A_233] : memref<4x32xi32, #tpu.memory_space<vmem>> -> memref<1x32xi32, #tpu.memory_space<vmem>>
      %dma_wait3A_235 = tpu.memref_squeeze %dma_wait3A_234 : memref<1x32xi32, #tpu.memory_space<vmem>> -> memref<32xi32, #tpu.memory_space<vmem>>
      %dma_wait3A_236 = arith.constant 32 : i32
      %dma_wait3A_237 = tpu.memref_slice %arg3[%add3A, %dma_wait3A_236] : memref<32x128xi32, #tpu.memory_space<hbm>> -> memref<1x32xi32, #tpu.memory_space<hbm>>
      %dma_wait3A_238 = tpu.memref_squeeze %dma_wait3A_237 : memref<1x32xi32, #tpu.memory_space<hbm>> -> memref<32xi32, #tpu.memory_space<hbm>>
      %dma_wait3A_239 = arith.constant 0 : i32
      %dma_wait3A_240 = tpu.memref_slice %arg5[%run_scoped3A_3, %dma_wait3A_239] : memref<4x32xi32, #tpu.memory_space<vmem>> -> memref<1x32xi32, #tpu.memory_space<vmem>>
      %dma_wait3A_241 = tpu.memref_squeeze %dma_wait3A_240 : memref<1x32xi32, #tpu.memory_space<vmem>> -> memref<32xi32, #tpu.memory_space<vmem>>
      %dma_wait3A_242 = arith.constant 32 : i32
      %dma_wait3A_243 = tpu.memref_slice %arg3[%add3A, %dma_wait3A_242] : memref<32x128xi32, #tpu.memory_space<hbm>> -> memref<1x32xi32, #tpu.memory_space<hbm>>
      %dma_wait3A_244 = tpu.memref_squeeze %dma_wait3A_243 : memref<1x32xi32, #tpu.memory_space<hbm>> -> memref<32xi32, #tpu.memory_space<hbm>>
      tpu.wait_dma2 semaphore(%run_scoped3A_220 : memref<!tpu.dma_semaphore, #tpu.memory_space<semaphore_mem>>) src(%dma_wait3A_244 : memref<32xi32, #tpu.memory_space<hbm>>) dst(%dma_wait3A_241 : memref<32xi32, #tpu.memory_space<vmem>>)
      tpu.yield
    }) : () -> ()
    %run_scoped3A_4 = arith.constant 2 : i32
    "tpu.region"() ({
      %run_scoped3A_220 = tpu.sem_alloc : memref<!tpu.dma_semaphore, #tpu.memory_space<semaphore_mem>>
      %dma_start3A_221 = arith.constant 0 : i32
      %dma_start3A_222 = tpu.memref_slice %arg5[%run_scoped3A_4, %dma_start3A_221] : memref<4x32xi32, #tpu.memory_space<vmem>> -> memref<1x32xi32, #tpu.memory_space<vmem>>
      %dma_start3A_223 = tpu.memref_squeeze %dma_start3A_222 : memref<1x32xi32, #tpu.memory_space<vmem>> -> memref<32xi32, #tpu.memory_space<vmem>>
      %dma_start3A_224 = arith.constant 64 : i32
      %dma_start3A_225 = tpu.memref_slice %arg3[%add3A, %dma_start3A_224] : memref<32x128xi32, #tpu.memory_space<hbm>> -> memref<1x32xi32, #tpu.memory_space<hbm>>
      %dma_start3A_226 = tpu.memref_squeeze %dma_start3A_225 : memref<1x32xi32, #tpu.memory_space<hbm>> -> memref<32xi32, #tpu.memory_space<hbm>>
      %dma_start3A_227 = arith.constant 0 : i32
      %dma_start3A_228 = tpu.memref_slice %arg5[%run_scoped3A_4, %dma_start3A_227] : memref<4x32xi32, #tpu.memory_space<vmem>> -> memref<1x32xi32, #tpu.memory_space<vmem>>
      %dma_start3A_229 = tpu.memref_squeeze %dma_start3A_228 : memref<1x32xi32, #tpu.memory_space<vmem>> -> memref<32xi32, #tpu.memory_space<vmem>>
      %dma_start3A_230 = arith.constant 64 : i32
      %dma_start3A_231 = tpu.memref_slice %arg3[%add3A, %dma_start3A_230] : memref<32x128xi32, #tpu.memory_space<hbm>> -> memref<1x32xi32, #tpu.memory_space<hbm>>
      %dma_start3A_232 = tpu.memref_squeeze %dma_start3A_231 : memref<1x32xi32, #tpu.memory_space<hbm>> -> memref<32xi32, #tpu.memory_space<hbm>>
      tpu.enqueue_dma source(%dma_start3A_232 : memref<32xi32, #tpu.memory_space<hbm>>) target(%dma_start3A_229 : memref<32xi32, #tpu.memory_space<vmem>>) target_semaphore(%run_scoped3A_220 : memref<!tpu.dma_semaphore, #tpu.memory_space<semaphore_mem>>)
      %dma_wait3A_233 = arith.constant 0 : i32
      %dma_wait3A_234 = tpu.memref_slice %arg5[%run_scoped3A_4, %dma_wait3A_233] : memref<4x32xi32, #tpu.memory_space<vmem>> -> memref<1x32xi32, #tpu.memory_space<vmem>>
      %dma_wait3A_235 = tpu.memref_squeeze %dma_wait3A_234 : memref<1x32xi32, #tpu.memory_space<vmem>> -> memref<32xi32, #tpu.memory_space<vmem>>
      %dma_wait3A_236 = arith.constant 64 : i32
      %dma_wait3A_237 = tpu.memref_slice %arg3[%add3A, %dma_wait3A_236] : memref<32x128xi32, #tpu.memory_space<hbm>> -> memref<1x32xi32, #tpu.memory_space<hbm>>
      %dma_wait3A_238 = tpu.memref_squeeze %dma_wait3A_237 : memref<1x32xi32, #tpu.memory_space<hbm>> -> memref<32xi32, #tpu.memory_space<hbm>>
      %dma_wait3A_239 = arith.constant 0 : i32
      %dma_wait3A_240 = tpu.memref_slice %arg5[%run_scoped3A_4, %dma_wait3A_239] : memref<4x32xi32, #tpu.memory_space<vmem>> -> memref<1x32xi32, #tpu.memory_space<vmem>>
      %dma_wait3A_241 = tpu.memref_squeeze %dma_wait3A_240 : memref<1x32xi32, #tpu.memory_space<vmem>> -> memref<32xi32, #tpu.memory_space<vmem>>
      %dma_wait3A_242 = arith.constant 64 : i32
      %dma_wait3A_243 = tpu.memref_slice %arg3[%add3A, %dma_wait3A_242] : memref<32x128xi32, #tpu.memory_space<hbm>> -> memref<1x32xi32, #tpu.memory_space<hbm>>
      %dma_wait3A_244 = tpu.memref_squeeze %dma_wait3A_243 : memref<1x32xi32, #tpu.memory_space<hbm>> -> memref<32xi32, #tpu.memory_space<hbm>>
      tpu.wait_dma2 semaphore(%run_scoped3A_220 : memref<!tpu.dma_semaphore, #tpu.memory_space<semaphore_mem>>) src(%dma_wait3A_244 : memref<32xi32, #tpu.memory_space<hbm>>) dst(%dma_wait3A_241 : memref<32xi32, #tpu.memory_space<vmem>>)
      tpu.yield
    }) : () -> ()
    %run_scoped3A_5 = arith.constant 3 : i32
    "tpu.region"() ({
      %run_scoped3A_220 = tpu.sem_alloc : memref<!tpu.dma_semaphore, #tpu.memory_space<semaphore_mem>>
      %dma_start3A_221 = arith.constant 0 : i32
      %dma_start3A_222 = tpu.memref_slice %arg5[%run_scoped3A_5, %dma_start3A_221] : memref<4x32xi32, #tpu.memory_space<vmem>> -> memref<1x32xi32, #tpu.memory_space<vmem>>
      %dma_start3A_223 = tpu.memref_squeeze %dma_start3A_222 : memref<1x32xi32, #tpu.memory_space<vmem>> -> memref<32xi32, #tpu.memory_space<vmem>>
      %dma_start3A_224 = arith.constant 96 : i32
      %dma_start3A_225 = tpu.memref_slice %arg3[%add3A, %dma_start3A_224] : memref<32x128xi32, #tpu.memory_space<hbm>> -> memref<1x32xi32, #tpu.memory_space<hbm>>
      %dma_start3A_226 = tpu.memref_squeeze %dma_start3A_225 : memref<1x32xi32, #tpu.memory_space<hbm>> -> memref<32xi32, #tpu.memory_space<hbm>>
      %dma_start3A_227 = arith.constant 0 : i32
      %dma_start3A_228 = tpu.memref_slice %arg5[%run_scoped3A_5, %dma_start3A_227] : memref<4x32xi32, #tpu.memory_space<vmem>> -> memref<1x32xi32, #tpu.memory_space<vmem>>
      %dma_start3A_229 = tpu.memref_squeeze %dma_start3A_228 : memref<1x32xi32, #tpu.memory_space<vmem>> -> memref<32xi32, #tpu.memory_space<vmem>>
      %dma_start3A_230 = arith.constant 96 : i32
      %dma_start3A_231 = tpu.memref_slice %arg3[%add3A, %dma_start3A_230] : memref<32x128xi32, #tpu.memory_space<hbm>> -> memref<1x32xi32, #tpu.memory_space<hbm>>
      %dma_start3A_232 = tpu.memref_squeeze %dma_start3A_231 : memref<1x32xi32, #tpu.memory_space<hbm>> -> memref<32xi32, #tpu.memory_space<hbm>>
      tpu.enqueue_dma source(%dma_start3A_232 : memref<32xi32, #tpu.memory_space<hbm>>) target(%dma_start3A_229 : memref<32xi32, #tpu.memory_space<vmem>>) target_semaphore(%run_scoped3A_220 : memref<!tpu.dma_semaphore, #tpu.memory_space<semaphore_mem>>)
      %dma_wait3A_233 = arith.constant 0 : i32
      %dma_wait3A_234 = tpu.memref_slice %arg5[%run_scoped3A_5, %dma_wait3A_233] : memref<4x32xi32, #tpu.memory_space<vmem>> -> memref<1x32xi32, #tpu.memory_space<vmem>>
      %dma_wait3A_235 = tpu.memref_squeeze %dma_wait3A_234 : memref<1x32xi32, #tpu.memory_space<vmem>> -> memref<32xi32, #tpu.memory_space<vmem>>
      %dma_wait3A_236 = arith.constant 96 : i32
      %dma_wait3A_237 = tpu.memref_slice %arg3[%add3A, %dma_wait3A_236] : memref<32x128xi32, #tpu.memory_space<hbm>> -> memref<1x32xi32, #tpu.memory_space<hbm>>
      %dma_wait3A_238 = tpu.memref_squeeze %dma_wait3A_237 : memref<1x32xi32, #tpu.memory_space<hbm>> -> memref<32xi32, #tpu.memory_space<hbm>>
      %dma_wait3A_239 = arith.constant 0 : i32
      %dma_wait3A_240 = tpu.memref_slice %arg5[%run_scoped3A_5, %dma_wait3A_239] : memref<4x32xi32, #tpu.memory_space<vmem>> -> memref<1x32xi32, #tpu.memory_space<vmem>>
      %dma_wait3A_241 = tpu.memref_squeeze %dma_wait3A_240 : memref<1x32xi32, #tpu.memory_space<vmem>> -> memref<32xi32, #tpu.memory_space<vmem>>
      %dma_wait3A_242 = arith.constant 96 : i32
      %dma_wait3A_243 = tpu.memref_slice %arg3[%add3A, %dma_wait3A_242] : memref<32x128xi32, #tpu.memory_space<hbm>> -> memref<1x32xi32, #tpu.memory_space<hbm>>
      %dma_wait3A_244 = tpu.memref_squeeze %dma_wait3A_243 : memref<1x32xi32, #tpu.memory_space<hbm>> -> memref<32xi32, #tpu.memory_space<hbm>>
      tpu.wait_dma2 semaphore(%run_scoped3A_220 : memref<!tpu.dma_semaphore, #tpu.memory_space<semaphore_mem>>) src(%dma_wait3A_244 : memref<32xi32, #tpu.memory_space<hbm>>) dst(%dma_wait3A_241 : memref<32xi32, #tpu.memory_space<vmem>>)
      tpu.yield
    }) : () -> ()
    %add3A_6 = arith.constant 0 : i32
    %add3A_7 = arith.addi %mul3A_2, %add3A_6 : i32
    %dma_start3A = arith.constant 0 : i32
    %dma_start3A_8 = arith.constant 0 : i32
    %dma_start3A_9 = arith.constant 0 : i32
    %dma_start3A_10 = tpu.memref_slice %arg6[%dma_start3A_8, %dma_start3A_9] : memref<128x768xf32, #tpu.memory_space<vmem>> -> memref<32x768xf32, #tpu.memory_space<vmem>>
    %dma_start3A_11 = arith.constant 0 : i32
    %dma_start3A_12 = tpu.memref_slice %arg2[%add3A_7, %dma_start3A_11] : memref<4096x768xf32, #tpu.memory_space<hbm>> -> memref<32x768xf32, #tpu.memory_space<hbm>>
    %dma_start3A_13 = tpu.memref_slice %arg7[%dma_start3A] : memref<4x!tpu.dma_semaphore, #tpu.memory_space<semaphore_mem>> -> memref<1x!tpu.dma_semaphore, #tpu.memory_space<semaphore_mem>>
    %dma_start3A_14 = tpu.memref_squeeze %dma_start3A_13 : memref<1x!tpu.dma_semaphore, #tpu.memory_space<semaphore_mem>> -> memref<!tpu.dma_semaphore, #tpu.memory_space<semaphore_mem>>
    %dma_start3A_15 = arith.constant 0 : i32
    %dma_start3A_16 = arith.constant 0 : i32
    %dma_start3A_17 = tpu.memref_slice %arg6[%dma_start3A_15, %dma_start3A_16] : memref<128x768xf32, #tpu.memory_space<vmem>> -> memref<32x768xf32, #tpu.memory_space<vmem>>
    %dma_start3A_18 = arith.constant 0 : i32
    %dma_start3A_19 = tpu.memref_slice %arg2[%add3A_7, %dma_start3A_18] : memref<4096x768xf32, #tpu.memory_space<hbm>> -> memref<32x768xf32, #tpu.memory_space<hbm>>
    tpu.enqueue_dma source(%dma_start3A_19 : memref<32x768xf32, #tpu.memory_space<hbm>>) target(%dma_start3A_17 : memref<32x768xf32, #tpu.memory_space<vmem>>) target_semaphore(%dma_start3A_14 : memref<!tpu.dma_semaphore, #tpu.memory_space<semaphore_mem>>)
    %add3A_20 = arith.constant 32 : i32
    %add3A_21 = arith.addi %mul3A_2, %add3A_20 : i32
    %dma_start3A_22 = arith.constant 1 : i32
    %dma_start3A_23 = arith.constant 32 : i32
    %dma_start3A_24 = arith.constant 0 : i32
    %dma_start3A_25 = tpu.memref_slice %arg6[%dma_start3A_23, %dma_start3A_24] : memref<128x768xf32, #tpu.memory_space<vmem>> -> memref<32x768xf32, #tpu.memory_space<vmem>>
    %dma_start3A_26 = arith.constant 0 : i32
    %dma_start3A_27 = tpu.memref_slice %arg2[%add3A_21, %dma_start3A_26] : memref<4096x768xf32, #tpu.memory_space<hbm>> -> memref<32x768xf32, #tpu.memory_space<hbm>>
    %dma_start3A_28 = tpu.memref_slice %arg7[%dma_start3A_22] : memref<4x!tpu.dma_semaphore, #tpu.memory_space<semaphore_mem>> -> memref<1x!tpu.dma_semaphore, #tpu.memory_space<semaphore_mem>>
    %dma_start3A_29 = tpu.memref_squeeze %dma_start3A_28 : memref<1x!tpu.dma_semaphore, #tpu.memory_space<semaphore_mem>> -> memref<!tpu.dma_semaphore, #tpu.memory_space<semaphore_mem>>
    %dma_start3A_30 = arith.constant 32 : i32
    %dma_start3A_31 = arith.constant 0 : i32
    %dma_start3A_32 = tpu.memref_slice %arg6[%dma_start3A_30, %dma_start3A_31] : memref<128x768xf32, #tpu.memory_space<vmem>> -> memref<32x768xf32, #tpu.memory_space<vmem>>
    %dma_start3A_33 = arith.constant 0 : i32
    %dma_start3A_34 = tpu.memref_slice %arg2[%add3A_21, %dma_start3A_33] : memref<4096x768xf32, #tpu.memory_space<hbm>> -> memref<32x768xf32, #tpu.memory_space<hbm>>
    tpu.enqueue_dma source(%dma_start3A_34 : memref<32x768xf32, #tpu.memory_space<hbm>>) target(%dma_start3A_32 : memref<32x768xf32, #tpu.memory_space<vmem>>) target_semaphore(%dma_start3A_29 : memref<!tpu.dma_semaphore, #tpu.memory_space<semaphore_mem>>)
    %add3A_35 = arith.constant 64 : i32
    %add3A_36 = arith.addi %mul3A_2, %add3A_35 : i32
    %dma_start3A_37 = arith.constant 2 : i32
    %dma_start3A_38 = arith.constant 64 : i32
    %dma_start3A_39 = arith.constant 0 : i32
    %dma_start3A_40 = tpu.memref_slice %arg6[%dma_start3A_38, %dma_start3A_39] : memref<128x768xf32, #tpu.memory_space<vmem>> -> memref<32x768xf32, #tpu.memory_space<vmem>>
    %dma_start3A_41 = arith.constant 0 : i32
    %dma_start3A_42 = tpu.memref_slice %arg2[%add3A_36, %dma_start3A_41] : memref<4096x768xf32, #tpu.memory_space<hbm>> -> memref<32x768xf32, #tpu.memory_space<hbm>>
    %dma_start3A_43 = tpu.memref_slice %arg7[%dma_start3A_37] : memref<4x!tpu.dma_semaphore, #tpu.memory_space<semaphore_mem>> -> memref<1x!tpu.dma_semaphore, #tpu.memory_space<semaphore_mem>>
    %dma_start3A_44 = tpu.memref_squeeze %dma_start3A_43 : memref<1x!tpu.dma_semaphore, #tpu.memory_space<semaphore_mem>> -> memref<!tpu.dma_semaphore, #tpu.memory_space<semaphore_mem>>
    %dma_start3A_45 = arith.constant 64 : i32
    %dma_start3A_46 = arith.constant 0 : i32
    %dma_start3A_47 = tpu.memref_slice %arg6[%dma_start3A_45, %dma_start3A_46] : memref<128x768xf32, #tpu.memory_space<vmem>> -> memref<32x768xf32, #tpu.memory_space<vmem>>
    %dma_start3A_48 = arith.constant 0 : i32
    %dma_start3A_49 = tpu.memref_slice %arg2[%add3A_36, %dma_start3A_48] : memref<4096x768xf32, #tpu.memory_space<hbm>> -> memref<32x768xf32, #tpu.memory_space<hbm>>
    tpu.enqueue_dma source(%dma_start3A_49 : memref<32x768xf32, #tpu.memory_space<hbm>>) target(%dma_start3A_47 : memref<32x768xf32, #tpu.memory_space<vmem>>) target_semaphore(%dma_start3A_44 : memref<!tpu.dma_semaphore, #tpu.memory_space<semaphore_mem>>)
    %add3A_50 = arith.constant 96 : i32
    %add3A_51 = arith.addi %mul3A_2, %add3A_50 : i32
    %dma_start3A_52 = arith.constant 3 : i32
    %dma_start3A_53 = arith.constant 96 : i32
    %dma_start3A_54 = arith.constant 0 : i32
    %dma_start3A_55 = tpu.memref_slice %arg6[%dma_start3A_53, %dma_start3A_54] : memref<128x768xf32, #tpu.memory_space<vmem>> -> memref<32x768xf32, #tpu.memory_space<vmem>>
    %dma_start3A_56 = arith.constant 0 : i32
    %dma_start3A_57 = tpu.memref_slice %arg2[%add3A_51, %dma_start3A_56] : memref<4096x768xf32, #tpu.memory_space<hbm>> -> memref<32x768xf32, #tpu.memory_space<hbm>>
    %dma_start3A_58 = tpu.memref_slice %arg7[%dma_start3A_52] : memref<4x!tpu.dma_semaphore, #tpu.memory_space<semaphore_mem>> -> memref<1x!tpu.dma_semaphore, #tpu.memory_space<semaphore_mem>>
    %dma_start3A_59 = tpu.memref_squeeze %dma_start3A_58 : memref<1x!tpu.dma_semaphore, #tpu.memory_space<semaphore_mem>> -> memref<!tpu.dma_semaphore, #tpu.memory_space<semaphore_mem>>
    %dma_start3A_60 = arith.constant 96 : i32
    %dma_start3A_61 = arith.constant 0 : i32
    %dma_start3A_62 = tpu.memref_slice %arg6[%dma_start3A_60, %dma_start3A_61] : memref<128x768xf32, #tpu.memory_space<vmem>> -> memref<32x768xf32, #tpu.memory_space<vmem>>
    %dma_start3A_63 = arith.constant 0 : i32
    %dma_start3A_64 = tpu.memref_slice %arg2[%add3A_51, %dma_start3A_63] : memref<4096x768xf32, #tpu.memory_space<hbm>> -> memref<32x768xf32, #tpu.memory_space<hbm>>
    tpu.enqueue_dma source(%dma_start3A_64 : memref<32x768xf32, #tpu.memory_space<hbm>>) target(%dma_start3A_62 : memref<32x768xf32, #tpu.memory_space<vmem>>) target_semaphore(%dma_start3A_59 : memref<!tpu.dma_semaphore, #tpu.memory_space<semaphore_mem>>)
    %dma_wait3A = arith.constant 0 : i32
    %dma_wait3A_65 = arith.constant 0 : i32
    %dma_wait3A_66 = arith.constant 0 : i32
    %dma_wait3A_67 = tpu.memref_slice %arg6[%dma_wait3A_65, %dma_wait3A_66] : memref<128x768xf32, #tpu.memory_space<vmem>> -> memref<32x768xf32, #tpu.memory_space<vmem>>
    %dma_wait3A_68 = arith.constant 0 : i32
    %dma_wait3A_69 = tpu.memref_slice %arg2[%add3A_7, %dma_wait3A_68] : memref<4096x768xf32, #tpu.memory_space<hbm>> -> memref<32x768xf32, #tpu.memory_space<hbm>>
    %dma_wait3A_70 = tpu.memref_slice %arg7[%dma_wait3A] : memref<4x!tpu.dma_semaphore, #tpu.memory_space<semaphore_mem>> -> memref<1x!tpu.dma_semaphore, #tpu.memory_space<semaphore_mem>>
    %dma_wait3A_71 = tpu.memref_squeeze %dma_wait3A_70 : memref<1x!tpu.dma_semaphore, #tpu.memory_space<semaphore_mem>> -> memref<!tpu.dma_semaphore, #tpu.memory_space<semaphore_mem>>
    %dma_wait3A_72 = arith.constant 0 : i32
    %dma_wait3A_73 = arith.constant 0 : i32
    %dma_wait3A_74 = tpu.memref_slice %arg6[%dma_wait3A_72, %dma_wait3A_73] : memref<128x768xf32, #tpu.memory_space<vmem>> -> memref<32x768xf32, #tpu.memory_space<vmem>>
    %dma_wait3A_75 = arith.constant 0 : i32
    %dma_wait3A_76 = tpu.memref_slice %arg2[%add3A_7, %dma_wait3A_75] : memref<4096x768xf32, #tpu.memory_space<hbm>> -> memref<32x768xf32, #tpu.memory_space<hbm>>
    tpu.wait_dma2 semaphore(%dma_wait3A_71 : memref<!tpu.dma_semaphore, #tpu.memory_space<semaphore_mem>>) src(%dma_wait3A_76 : memref<32x768xf32, #tpu.memory_space<hbm>>) dst(%dma_wait3A_74 : memref<32x768xf32, #tpu.memory_space<vmem>>)
    %dma_start3A_77 = arith.constant 0 : i32
    %dma_start3A_78 = arith.constant 0 : i32
    %dma_start3A_79 = arith.constant 0 : i32
    %dma_start3A_80 = arith.constant 0 : i32
    %dma_start3A_81 = tpu.memref_slice %arg6[%dma_start3A_79, %dma_start3A_80] : memref<128x768xf32, #tpu.memory_space<vmem>> -> memref<32x768xf32, #tpu.memory_space<vmem>>
    %dma_start3A_82 = arith.constant 0 : i32
    %dma_start3A_83 = tpu.memref_slice %arg5[%dma_start3A_77, %dma_start3A_82] : memref<4x32xi32, #tpu.memory_space<vmem>> -> memref<1x32xi32, #tpu.memory_space<vmem>>
    %dma_start3A_84 = tpu.memref_squeeze %dma_start3A_83 : memref<1x32xi32, #tpu.memory_space<vmem>> -> memref<32xi32, #tpu.memory_space<vmem>>
    %dma_start3A_85 = arith.constant 0 : i32
    %dma_start3A_86 = arith.constant 0 : i32
    %dma_start3A_87 = tpu.memref_slice %arg4[%dma_start3A_85, %dma_start3A_86] : memref<5120x768xf32, #tpu.memory_space<hbm>> -> memref<5120x768xf32, #tpu.memory_space<hbm>>
    %dma_start3A_88 = tpu.memref_slice %arg8[%dma_start3A_78] : memref<4x!tpu.dma_semaphore, #tpu.memory_space<semaphore_mem>> -> memref<1x!tpu.dma_semaphore, #tpu.memory_space<semaphore_mem>>
    %dma_start3A_89 = tpu.memref_squeeze %dma_start3A_88 : memref<1x!tpu.dma_semaphore, #tpu.memory_space<semaphore_mem>> -> memref<!tpu.dma_semaphore, #tpu.memory_space<semaphore_mem>>
    tpu.enqueue_indirect_dma source(%dma_start3A_81 : memref<32x768xf32, #tpu.memory_space<vmem>>) target(%dma_start3A_87 : memref<5120x768xf32, #tpu.memory_space<hbm>>) offsets(%dma_start3A_84 : memref<32xi32, #tpu.memory_space<vmem>>) semaphore(%dma_start3A_89 : memref<!tpu.dma_semaphore, #tpu.memory_space<semaphore_mem>>)
    %dma_wait3A_90 = arith.constant 1 : i32
    %dma_wait3A_91 = arith.constant 32 : i32
    %dma_wait3A_92 = arith.constant 0 : i32
    %dma_wait3A_93 = tpu.memref_slice %arg6[%dma_wait3A_91, %dma_wait3A_92] : memref<128x768xf32, #tpu.memory_space<vmem>> -> memref<32x768xf32, #tpu.memory_space<vmem>>
    %dma_wait3A_94 = arith.constant 0 : i32
    %dma_wait3A_95 = tpu.memref_slice %arg2[%add3A_21, %dma_wait3A_94] : memref<4096x768xf32, #tpu.memory_space<hbm>> -> memref<32x768xf32, #tpu.memory_space<hbm>>
    %dma_wait3A_96 = tpu.memref_slice %arg7[%dma_wait3A_90] : memref<4x!tpu.dma_semaphore, #tpu.memory_space<semaphore_mem>> -> memref<1x!tpu.dma_semaphore, #tpu.memory_space<semaphore_mem>>
    %dma_wait3A_97 = tpu.memref_squeeze %dma_wait3A_96 : memref<1x!tpu.dma_semaphore, #tpu.memory_space<semaphore_mem>> -> memref<!tpu.dma_semaphore, #tpu.memory_space<semaphore_mem>>
    %dma_wait3A_98 = arith.constant 32 : i32
    %dma_wait3A_99 = arith.constant 0 : i32
    %dma_wait3A_100 = tpu.memref_slice %arg6[%dma_wait3A_98, %dma_wait3A_99] : memref<128x768xf32, #tpu.memory_space<vmem>> -> memref<32x768xf32, #tpu.memory_space<vmem>>
    %dma_wait3A_101 = arith.constant 0 : i32
    %dma_wait3A_102 = tpu.memref_slice %arg2[%add3A_21, %dma_wait3A_101] : memref<4096x768xf32, #tpu.memory_space<hbm>> -> memref<32x768xf32, #tpu.memory_space<hbm>>
    tpu.wait_dma2 semaphore(%dma_wait3A_97 : memref<!tpu.dma_semaphore, #tpu.memory_space<semaphore_mem>>) src(%dma_wait3A_102 : memref<32x768xf32, #tpu.memory_space<hbm>>) dst(%dma_wait3A_100 : memref<32x768xf32, #tpu.memory_space<vmem>>)
    %dma_start3A_103 = arith.constant 1 : i32
    %dma_start3A_104 = arith.constant 1 : i32
    %dma_start3A_105 = arith.constant 32 : i32
    %dma_start3A_106 = arith.constant 0 : i32
    %dma_start3A_107 = tpu.memref_slice %arg6[%dma_start3A_105, %dma_start3A_106] : memref<128x768xf32, #tpu.memory_space<vmem>> -> memref<32x768xf32, #tpu.memory_space<vmem>>
    %dma_start3A_108 = arith.constant 0 : i32
    %dma_start3A_109 = tpu.memref_slice %arg5[%dma_start3A_103, %dma_start3A_108] : memref<4x32xi32, #tpu.memory_space<vmem>> -> memref<1x32xi32, #tpu.memory_space<vmem>>
    %dma_start3A_110 = tpu.memref_squeeze %dma_start3A_109 : memref<1x32xi32, #tpu.memory_space<vmem>> -> memref<32xi32, #tpu.memory_space<vmem>>
    %dma_start3A_111 = arith.constant 0 : i32
    %dma_start3A_112 = arith.constant 0 : i32
    %dma_start3A_113 = tpu.memref_slice %arg4[%dma_start3A_111, %dma_start3A_112] : memref<5120x768xf32, #tpu.memory_space<hbm>> -> memref<5120x768xf32, #tpu.memory_space<hbm>>
    %dma_start3A_114 = tpu.memref_slice %arg8[%dma_start3A_104] : memref<4x!tpu.dma_semaphore, #tpu.memory_space<semaphore_mem>> -> memref<1x!tpu.dma_semaphore, #tpu.memory_space<semaphore_mem>>
    %dma_start3A_115 = tpu.memref_squeeze %dma_start3A_114 : memref<1x!tpu.dma_semaphore, #tpu.memory_space<semaphore_mem>> -> memref<!tpu.dma_semaphore, #tpu.memory_space<semaphore_mem>>
    tpu.enqueue_indirect_dma source(%dma_start3A_107 : memref<32x768xf32, #tpu.memory_space<vmem>>) target(%dma_start3A_113 : memref<5120x768xf32, #tpu.memory_space<hbm>>) offsets(%dma_start3A_110 : memref<32xi32, #tpu.memory_space<vmem>>) semaphore(%dma_start3A_115 : memref<!tpu.dma_semaphore, #tpu.memory_space<semaphore_mem>>)
    %dma_wait3A_116 = arith.constant 2 : i32
    %dma_wait3A_117 = arith.constant 64 : i32
    %dma_wait3A_118 = arith.constant 0 : i32
    %dma_wait3A_119 = tpu.memref_slice %arg6[%dma_wait3A_117, %dma_wait3A_118] : memref<128x768xf32, #tpu.memory_space<vmem>> -> memref<32x768xf32, #tpu.memory_space<vmem>>
    %dma_wait3A_120 = arith.constant 0 : i32
    %dma_wait3A_121 = tpu.memref_slice %arg2[%add3A_36, %dma_wait3A_120] : memref<4096x768xf32, #tpu.memory_space<hbm>> -> memref<32x768xf32, #tpu.memory_space<hbm>>
    %dma_wait3A_122 = tpu.memref_slice %arg7[%dma_wait3A_116] : memref<4x!tpu.dma_semaphore, #tpu.memory_space<semaphore_mem>> -> memref<1x!tpu.dma_semaphore, #tpu.memory_space<semaphore_mem>>
    %dma_wait3A_123 = tpu.memref_squeeze %dma_wait3A_122 : memref<1x!tpu.dma_semaphore, #tpu.memory_space<semaphore_mem>> -> memref<!tpu.dma_semaphore, #tpu.memory_space<semaphore_mem>>
    %dma_wait3A_124 = arith.constant 64 : i32
    %dma_wait3A_125 = arith.constant 0 : i32
    %dma_wait3A_126 = tpu.memref_slice %arg6[%dma_wait3A_124, %dma_wait3A_125] : memref<128x768xf32, #tpu.memory_space<vmem>> -> memref<32x768xf32, #tpu.memory_space<vmem>>
    %dma_wait3A_127 = arith.constant 0 : i32
    %dma_wait3A_128 = tpu.memref_slice %arg2[%add3A_36, %dma_wait3A_127] : memref<4096x768xf32, #tpu.memory_space<hbm>> -> memref<32x768xf32, #tpu.memory_space<hbm>>
    tpu.wait_dma2 semaphore(%dma_wait3A_123 : memref<!tpu.dma_semaphore, #tpu.memory_space<semaphore_mem>>) src(%dma_wait3A_128 : memref<32x768xf32, #tpu.memory_space<hbm>>) dst(%dma_wait3A_126 : memref<32x768xf32, #tpu.memory_space<vmem>>)
    %dma_start3A_129 = arith.constant 2 : i32
    %dma_start3A_130 = arith.constant 2 : i32
    %dma_start3A_131 = arith.constant 64 : i32
    %dma_start3A_132 = arith.constant 0 : i32
    %dma_start3A_133 = tpu.memref_slice %arg6[%dma_start3A_131, %dma_start3A_132] : memref<128x768xf32, #tpu.memory_space<vmem>> -> memref<32x768xf32, #tpu.memory_space<vmem>>
    %dma_start3A_134 = arith.constant 0 : i32
    %dma_start3A_135 = tpu.memref_slice %arg5[%dma_start3A_129, %dma_start3A_134] : memref<4x32xi32, #tpu.memory_space<vmem>> -> memref<1x32xi32, #tpu.memory_space<vmem>>
    %dma_start3A_136 = tpu.memref_squeeze %dma_start3A_135 : memref<1x32xi32, #tpu.memory_space<vmem>> -> memref<32xi32, #tpu.memory_space<vmem>>
    %dma_start3A_137 = arith.constant 0 : i32
    %dma_start3A_138 = arith.constant 0 : i32
    %dma_start3A_139 = tpu.memref_slice %arg4[%dma_start3A_137, %dma_start3A_138] : memref<5120x768xf32, #tpu.memory_space<hbm>> -> memref<5120x768xf32, #tpu.memory_space<hbm>>
    %dma_start3A_140 = tpu.memref_slice %arg8[%dma_start3A_130] : memref<4x!tpu.dma_semaphore, #tpu.memory_space<semaphore_mem>> -> memref<1x!tpu.dma_semaphore, #tpu.memory_space<semaphore_mem>>
    %dma_start3A_141 = tpu.memref_squeeze %dma_start3A_140 : memref<1x!tpu.dma_semaphore, #tpu.memory_space<semaphore_mem>> -> memref<!tpu.dma_semaphore, #tpu.memory_space<semaphore_mem>>
    tpu.enqueue_indirect_dma source(%dma_start3A_133 : memref<32x768xf32, #tpu.memory_space<vmem>>) target(%dma_start3A_139 : memref<5120x768xf32, #tpu.memory_space<hbm>>) offsets(%dma_start3A_136 : memref<32xi32, #tpu.memory_space<vmem>>) semaphore(%dma_start3A_141 : memref<!tpu.dma_semaphore, #tpu.memory_space<semaphore_mem>>)
    %dma_wait3A_142 = arith.constant 3 : i32
    %dma_wait3A_143 = arith.constant 96 : i32
    %dma_wait3A_144 = arith.constant 0 : i32
    %dma_wait3A_145 = tpu.memref_slice %arg6[%dma_wait3A_143, %dma_wait3A_144] : memref<128x768xf32, #tpu.memory_space<vmem>> -> memref<32x768xf32, #tpu.memory_space<vmem>>
    %dma_wait3A_146 = arith.constant 0 : i32
    %dma_wait3A_147 = tpu.memref_slice %arg2[%add3A_51, %dma_wait3A_146] : memref<4096x768xf32, #tpu.memory_space<hbm>> -> memref<32x768xf32, #tpu.memory_space<hbm>>
    %dma_wait3A_148 = tpu.memref_slice %arg7[%dma_wait3A_142] : memref<4x!tpu.dma_semaphore, #tpu.memory_space<semaphore_mem>> -> memref<1x!tpu.dma_semaphore, #tpu.memory_space<semaphore_mem>>
    %dma_wait3A_149 = tpu.memref_squeeze %dma_wait3A_148 : memref<1x!tpu.dma_semaphore, #tpu.memory_space<semaphore_mem>> -> memref<!tpu.dma_semaphore, #tpu.memory_space<semaphore_mem>>
    %dma_wait3A_150 = arith.constant 96 : i32
    %dma_wait3A_151 = arith.constant 0 : i32
    %dma_wait3A_152 = tpu.memref_slice %arg6[%dma_wait3A_150, %dma_wait3A_151] : memref<128x768xf32, #tpu.memory_space<vmem>> -> memref<32x768xf32, #tpu.memory_space<vmem>>
    %dma_wait3A_153 = arith.constant 0 : i32
    %dma_wait3A_154 = tpu.memref_slice %arg2[%add3A_51, %dma_wait3A_153] : memref<4096x768xf32, #tpu.memory_space<hbm>> -> memref<32x768xf32, #tpu.memory_space<hbm>>
    tpu.wait_dma2 semaphore(%dma_wait3A_149 : memref<!tpu.dma_semaphore, #tpu.memory_space<semaphore_mem>>) src(%dma_wait3A_154 : memref<32x768xf32, #tpu.memory_space<hbm>>) dst(%dma_wait3A_152 : memref<32x768xf32, #tpu.memory_space<vmem>>)
    %dma_start3A_155 = arith.constant 3 : i32
    %dma_start3A_156 = arith.constant 3 : i32
    %dma_start3A_157 = arith.constant 96 : i32
    %dma_start3A_158 = arith.constant 0 : i32
    %dma_start3A_159 = tpu.memref_slice %arg6[%dma_start3A_157, %dma_start3A_158] : memref<128x768xf32, #tpu.memory_space<vmem>> -> memref<32x768xf32, #tpu.memory_space<vmem>>
    %dma_start3A_160 = arith.constant 0 : i32
    %dma_start3A_161 = tpu.memref_slice %arg5[%dma_start3A_155, %dma_start3A_160] : memref<4x32xi32, #tpu.memory_space<vmem>> -> memref<1x32xi32, #tpu.memory_space<vmem>>
    %dma_start3A_162 = tpu.memref_squeeze %dma_start3A_161 : memref<1x32xi32, #tpu.memory_space<vmem>> -> memref<32xi32, #tpu.memory_space<vmem>>
    %dma_start3A_163 = arith.constant 0 : i32
    %dma_start3A_164 = arith.constant 0 : i32
    %dma_start3A_165 = tpu.memref_slice %arg4[%dma_start3A_163, %dma_start3A_164] : memref<5120x768xf32, #tpu.memory_space<hbm>> -> memref<5120x768xf32, #tpu.memory_space<hbm>>
    %dma_start3A_166 = tpu.memref_slice %arg8[%dma_start3A_156] : memref<4x!tpu.dma_semaphore, #tpu.memory_space<semaphore_mem>> -> memref<1x!tpu.dma_semaphore, #tpu.memory_space<semaphore_mem>>
    %dma_start3A_167 = tpu.memref_squeeze %dma_start3A_166 : memref<1x!tpu.dma_semaphore, #tpu.memory_space<semaphore_mem>> -> memref<!tpu.dma_semaphore, #tpu.memory_space<semaphore_mem>>
    tpu.enqueue_indirect_dma source(%dma_start3A_159 : memref<32x768xf32, #tpu.memory_space<vmem>>) target(%dma_start3A_165 : memref<5120x768xf32, #tpu.memory_space<hbm>>) offsets(%dma_start3A_162 : memref<32xi32, #tpu.memory_space<vmem>>) semaphore(%dma_start3A_167 : memref<!tpu.dma_semaphore, #tpu.memory_space<semaphore_mem>>)
    %dma_wait3A_168 = arith.constant 0 : i32
    %dma_wait3A_169 = arith.constant 0 : i32
    %dma_wait3A_170 = arith.constant 0 : i32
    %dma_wait3A_171 = arith.constant 0 : i32
    %dma_wait3A_172 = tpu.memref_slice %arg6[%dma_wait3A_170, %dma_wait3A_171] : memref<128x768xf32, #tpu.memory_space<vmem>> -> memref<32x768xf32, #tpu.memory_space<vmem>>
    %dma_wait3A_173 = arith.constant 0 : i32
    %dma_wait3A_174 = tpu.memref_slice %arg5[%dma_wait3A_168, %dma_wait3A_173] : memref<4x32xi32, #tpu.memory_space<vmem>> -> memref<1x32xi32, #tpu.memory_space<vmem>>
    %dma_wait3A_175 = tpu.memref_squeeze %dma_wait3A_174 : memref<1x32xi32, #tpu.memory_space<vmem>> -> memref<32xi32, #tpu.memory_space<vmem>>
    %dma_wait3A_176 = arith.constant 0 : i32
    %dma_wait3A_177 = arith.constant 0 : i32
    %dma_wait3A_178 = tpu.memref_slice %arg4[%dma_wait3A_176, %dma_wait3A_177] : memref<5120x768xf32, #tpu.memory_space<hbm>> -> memref<5120x768xf32, #tpu.memory_space<hbm>>
    %dma_wait3A_179 = tpu.memref_slice %arg8[%dma_wait3A_169] : memref<4x!tpu.dma_semaphore, #tpu.memory_space<semaphore_mem>> -> memref<1x!tpu.dma_semaphore, #tpu.memory_space<semaphore_mem>>
    %dma_wait3A_180 = tpu.memref_squeeze %dma_wait3A_179 : memref<1x!tpu.dma_semaphore, #tpu.memory_space<semaphore_mem>> -> memref<!tpu.dma_semaphore, #tpu.memory_space<semaphore_mem>>
    tpu.wait_indirect_dma semaphore(%dma_wait3A_180 : memref<!tpu.dma_semaphore, #tpu.memory_space<semaphore_mem>>) src(%dma_wait3A_172 : memref<32x768xf32, #tpu.memory_space<vmem>>) dst(%dma_wait3A_178 : memref<5120x768xf32, #tpu.memory_space<hbm>>)
    %dma_wait3A_181 = arith.constant 1 : i32
    %dma_wait3A_182 = arith.constant 1 : i32
    %dma_wait3A_183 = arith.constant 32 : i32
    %dma_wait3A_184 = arith.constant 0 : i32
    %dma_wait3A_185 = tpu.memref_slice %arg6[%dma_wait3A_183, %dma_wait3A_184] : memref<128x768xf32, #tpu.memory_space<vmem>> -> memref<32x768xf32, #tpu.memory_space<vmem>>
    %dma_wait3A_186 = arith.constant 0 : i32
    %dma_wait3A_187 = tpu.memref_slice %arg5[%dma_wait3A_181, %dma_wait3A_186] : memref<4x32xi32, #tpu.memory_space<vmem>> -> memref<1x32xi32, #tpu.memory_space<vmem>>
    %dma_wait3A_188 = tpu.memref_squeeze %dma_wait3A_187 : memref<1x32xi32, #tpu.memory_space<vmem>> -> memref<32xi32, #tpu.memory_space<vmem>>
    %dma_wait3A_189 = arith.constant 0 : i32
    %dma_wait3A_190 = arith.constant 0 : i32
    %dma_wait3A_191 = tpu.memref_slice %arg4[%dma_wait3A_189, %dma_wait3A_190] : memref<5120x768xf32, #tpu.memory_space<hbm>> -> memref<5120x768xf32, #tpu.memory_space<hbm>>
    %dma_wait3A_192 = tpu.memref_slice %arg8[%dma_wait3A_182] : memref<4x!tpu.dma_semaphore, #tpu.memory_space<semaphore_mem>> -> memref<1x!tpu.dma_semaphore, #tpu.memory_space<semaphore_mem>>
    %dma_wait3A_193 = tpu.memref_squeeze %dma_wait3A_192 : memref<1x!tpu.dma_semaphore, #tpu.memory_space<semaphore_mem>> -> memref<!tpu.dma_semaphore, #tpu.memory_space<semaphore_mem>>
    tpu.wait_indirect_dma semaphore(%dma_wait3A_193 : memref<!tpu.dma_semaphore, #tpu.memory_space<semaphore_mem>>) src(%dma_wait3A_185 : memref<32x768xf32, #tpu.memory_space<vmem>>) dst(%dma_wait3A_191 : memref<5120x768xf32, #tpu.memory_space<hbm>>)
    %dma_wait3A_194 = arith.constant 2 : i32
    %dma_wait3A_195 = arith.constant 2 : i32
    %dma_wait3A_196 = arith.constant 64 : i32
    %dma_wait3A_197 = arith.constant 0 : i32
    %dma_wait3A_198 = tpu.memref_slice %arg6[%dma_wait3A_196, %dma_wait3A_197] : memref<128x768xf32, #tpu.memory_space<vmem>> -> memref<32x768xf32, #tpu.memory_space<vmem>>
    %dma_wait3A_199 = arith.constant 0 : i32
    %dma_wait3A_200 = tpu.memref_slice %arg5[%dma_wait3A_194, %dma_wait3A_199] : memref<4x32xi32, #tpu.memory_space<vmem>> -> memref<1x32xi32, #tpu.memory_space<vmem>>
    %dma_wait3A_201 = tpu.memref_squeeze %dma_wait3A_200 : memref<1x32xi32, #tpu.memory_space<vmem>> -> memref<32xi32, #tpu.memory_space<vmem>>
    %dma_wait3A_202 = arith.constant 0 : i32
    %dma_wait3A_203 = arith.constant 0 : i32
    %dma_wait3A_204 = tpu.memref_slice %arg4[%dma_wait3A_202, %dma_wait3A_203] : memref<5120x768xf32, #tpu.memory_space<hbm>> -> memref<5120x768xf32, #tpu.memory_space<hbm>>
    %dma_wait3A_205 = tpu.memref_slice %arg8[%dma_wait3A_195] : memref<4x!tpu.dma_semaphore, #tpu.memory_space<semaphore_mem>> -> memref<1x!tpu.dma_semaphore, #tpu.memory_space<semaphore_mem>>
    %dma_wait3A_206 = tpu.memref_squeeze %dma_wait3A_205 : memref<1x!tpu.dma_semaphore, #tpu.memory_space<semaphore_mem>> -> memref<!tpu.dma_semaphore, #tpu.memory_space<semaphore_mem>>
    tpu.wait_indirect_dma semaphore(%dma_wait3A_206 : memref<!tpu.dma_semaphore, #tpu.memory_space<semaphore_mem>>) src(%dma_wait3A_198 : memref<32x768xf32, #tpu.memory_space<vmem>>) dst(%dma_wait3A_204 : memref<5120x768xf32, #tpu.memory_space<hbm>>)
    %dma_wait3A_207 = arith.constant 3 : i32
    %dma_wait3A_208 = arith.constant 3 : i32
    %dma_wait3A_209 = arith.constant 96 : i32
    %dma_wait3A_210 = arith.constant 0 : i32
    %dma_wait3A_211 = tpu.memref_slice %arg6[%dma_wait3A_209, %dma_wait3A_210] : memref<128x768xf32, #tpu.memory_space<vmem>> -> memref<32x768xf32, #tpu.memory_space<vmem>>
    %dma_wait3A_212 = arith.constant 0 : i32
    %dma_wait3A_213 = tpu.memref_slice %arg5[%dma_wait3A_207, %dma_wait3A_212] : memref<4x32xi32, #tpu.memory_space<vmem>> -> memref<1x32xi32, #tpu.memory_space<vmem>>
    %dma_wait3A_214 = tpu.memref_squeeze %dma_wait3A_213 : memref<1x32xi32, #tpu.memory_space<vmem>> -> memref<32xi32, #tpu.memory_space<vmem>>
    %dma_wait3A_215 = arith.constant 0 : i32
    %dma_wait3A_216 = arith.constant 0 : i32
    %dma_wait3A_217 = tpu.memref_slice %arg4[%dma_wait3A_215, %dma_wait3A_216] : memref<5120x768xf32, #tpu.memory_space<hbm>> -> memref<5120x768xf32, #tpu.memory_space<hbm>>
    %dma_wait3A_218 = tpu.memref_slice %arg8[%dma_wait3A_208] : memref<4x!tpu.dma_semaphore, #tpu.memory_space<semaphore_mem>> -> memref<1x!tpu.dma_semaphore, #tpu.memory_space<semaphore_mem>>
    %dma_wait3A_219 = tpu.memref_squeeze %dma_wait3A_218 : memref<1x!tpu.dma_semaphore, #tpu.memory_space<semaphore_mem>> -> memref<!tpu.dma_semaphore, #tpu.memory_space<semaphore_mem>>
    tpu.wait_indirect_dma semaphore(%dma_wait3A_219 : memref<!tpu.dma_semaphore, #tpu.memory_space<semaphore_mem>>) src(%dma_wait3A_211 : memref<32x768xf32, #tpu.memory_space<vmem>>) dst(%dma_wait3A_217 : memref<5120x768xf32, #tpu.memory_space<hbm>>)
    return
  }
}

module attributes {stable_mosaic.version = 14 : i64} {
  func.func @_gate_body(%arg0: i32, %arg1: memref<512x768xf32, #tpu.memory_space<vmem>>, %arg2: memref<8x768xf32, #tpu.memory_space<vmem>>, %arg3: memref<32x128xi32, #tpu.memory_space<vmem>>, %arg4: memref<8x40xi32, #tpu.memory_space<vmem>>, %arg5: memref<1x1xf32, #tpu.memory_space<vmem>>, %arg6: memref<4096x8xf32, #tpu.memory_space<vmem>>) attributes {dimension_semantics = [#tpu.dimension_semantics<arbitrary>], iteration_bounds = array<i64: 8>, scalar_prefetch = 0 : i64, scratch_operands = 1 : i64, tpu.core_type = #tpu.core_type<tc>, window_params = [{transform_indices = @transform_0, window_bounds = array<i64: 512, 768>}, {pipeline_mode = #tpu.pipeline_mode<synchronous>, transform_indices = @transform_1, window_bounds = array<i64: 8, 768>}, {pipeline_mode = #tpu.pipeline_mode<synchronous>, transform_indices = @transform_2, window_bounds = array<i64: 32, 128>}, {pipeline_mode = #tpu.pipeline_mode<synchronous>, transform_indices = @transform_3, window_bounds = array<i64: 8, 40>}, {pipeline_mode = #tpu.pipeline_mode<synchronous>, transform_indices = @transform_4, window_bounds = array<i64: 1, 1>}]} {
    %get3A = arith.constant 0 : index
    %get3A_0 = arith.constant 0 : index
    %get3A_1 = vector.load %arg1[%get3A, %get3A_0] : memref<512x768xf32, #tpu.memory_space<vmem>>, vector<512x768xf32>
    %get3A_2 = arith.constant 0 : index
    %get3A_3 = arith.constant 0 : index
    %get3A_4 = vector.load %arg2[%get3A_2, %get3A_3] : memref<8x768xf32, #tpu.memory_space<vmem>>, vector<8x768xf32>
    %dot_general3A = arith.constant dense<0.000000e+00> : vector<512x8xf32>
    %dot_general3A_5 = tpu.matmul %get3A_1, %get3A_4, %dot_general3A {dimension_numbers = #tpu.dot_dimension_numbers<[1], [1], [0], [0], [0, 0, 1, 0], [], []>, transpose_lhs_hint = false} : vector<512x768xf32>, vector<8x768xf32>, vector<512x8xf32> -> vector<512x8xf32>
    %mul3A = arith.constant 512 : i32
    %mul3A_6 = arith.muli %arg0, %mul3A : i32
    %swap3A = arith.index_cast %mul3A_6 : i32 to index
    %swap3A_7 = arith.constant 0 : index
    %swap3A_8 = vector.load %arg6[%swap3A, %swap3A_7] : memref<4096x8xf32, #tpu.memory_space<vmem>>, vector<512x8xf32>
    tpu.vector_store %arg6[%swap3A, %swap3A_7], %dot_general3A_5 {strides = array<i32>} : memref<4096x8xf32, #tpu.memory_space<vmem>>, vector<512x8xf32>,
    %eq3A = arith.constant 7 : i32
    %eq3A_9 = arith.cmpi eq, %arg0, %eq3A : i32
    %convert_element_type3A = arith.extui %eq3A_9 : i1 to i32
    %cond3A = arith.constant 0 : i32
    %cond3A_10 = arith.cmpi ne, %convert_element_type3A, %cond3A : i32
    scf.if %cond3A_10 {
      %get3A_11 = arith.constant 0 : index
      %get3A_12 = arith.constant 0 : index
      %get3A_13 = vector.load %arg6[%get3A_11, %get3A_12] : memref<4096x8xf32, #tpu.memory_space<vmem>>, vector<4096x8xf32>
      %reduce_max3A = arith.constant dense<0xFF800000> : vector<4096xf32>
      %reduce_max3A_14 = vector.multi_reduction <maximumf>, %get3A_13, %reduce_max3A [1] : vector<4096x8xf32> to vector<4096xf32>
      %broadcast_in_dim3A = vector.shape_cast %reduce_max3A_14 : vector<4096xf32> to vector<4096x1xf32>
      %sub3A = vector.broadcast %broadcast_in_dim3A : vector<4096x1xf32> to vector<4096x8xf32>
      %sub3A_15 = arith.subf %get3A_13, %sub3A : vector<4096x8xf32>
      %exp3A = math.exp %sub3A_15 : vector<4096x8xf32>
      %reduce_sum3A = arith.constant dense<0.000000e+00> : vector<4096xf32>
      %reduce_sum3A_16 = vector.multi_reduction <add>, %exp3A, %reduce_sum3A [1] : vector<4096x8xf32> to vector<4096xf32>
      %broadcast_in_dim3A_17 = vector.shape_cast %reduce_sum3A_16 : vector<4096xf32> to vector<4096x1xf32>
      %div3A = vector.broadcast %broadcast_in_dim3A_17 : vector<4096x1xf32> to vector<4096x8xf32>
      %div3A_18 = arith.divf %exp3A, %div3A : vector<4096x8xf32>
      %reduce_max3A_19 = arith.constant dense<0xFF800000> : vector<4096xf32>
      %reduce_max3A_20 = vector.multi_reduction <maximumf>, %div3A_18, %reduce_max3A_19 [1] : vector<4096x8xf32> to vector<4096xf32>
      %broadcast_in_dim3A_21 = vector.shape_cast %reduce_max3A_20 : vector<4096xf32> to vector<4096x1xf32>
      %iota3A = tpu.iota {dimensions = array<i32: 1>} : vector<4096x8xi32>
      %eq3A_22 = vector.broadcast %broadcast_in_dim3A_21 : vector<4096x1xf32> to vector<4096x8xf32>
      %eq3A_23 = arith.cmpf oeq, %div3A_18, %eq3A_22 : vector<4096x8xf32>
      %jit3A = arith.constant 8 : i32
      %broadcast_in_dim3A_24 = vector.broadcast %jit3A : i32 to vector<4096x8xi32>
      %select_n3A = arith.select %eq3A_23, %iota3A, %broadcast_in_dim3A_24 : vector<4096x8xi1>, vector<4096x8xi32>
      %reduce_min3A = arith.constant dense<2147483647> : vector<4096xi32>
      %reduce_min3A_25 = vector.multi_reduction <minsi>, %select_n3A, %reduce_min3A [1] : vector<4096x8xi32> to vector<4096xi32>
      %broadcast_in_dim3A_26 = vector.shape_cast %reduce_min3A_25 : vector<4096xi32> to vector<4096x1xi32>
      %eq3A_27 = vector.broadcast %broadcast_in_dim3A_26 : vector<4096x1xi32> to vector<4096x8xi32>
      %eq3A_28 = arith.cmpi eq, %iota3A, %eq3A_27 : vector<4096x8xi32>
      %convert_element_type3A_29 = arith.extui %eq3A_28 : vector<4096x8xi1> to vector<4096x8xi32>
      %convert_element_type3A_30 = arith.sitofp %convert_element_type3A_29 : vector<4096x8xi32> to vector<4096x8xf32>
      %iota3A_31 = tpu.iota {dimensions = array<i32: 1>} : vector<512x512xi32>
      %iota3A_32 = tpu.iota {dimensions = array<i32: 0>} : vector<512x512xi32>
      %le3A = arith.cmpi sle, %iota3A_31, %iota3A_32 : vector<512x512xi32>
      %convert_element_type3A_33 = arith.extui %le3A : vector<512x512xi1> to vector<512x512xi32>
      %convert_element_type3A_34 = arith.sitofp %convert_element_type3A_33 : vector<512x512xi32> to vector<512x512xf32>
      %slice3A = vector.extract_strided_slice %convert_element_type3A_30 {offsets = [0, 0], sizes = [512, 8], strides = [1, 1]} : vector<4096x8xf32> to vector<512x8xf32>
      %dot_general3A_35 = arith.constant dense<0.000000e+00> : vector<512x8xf32>
      %dot_general3A_36 = tpu.matmul %convert_element_type3A_34, %slice3A, %dot_general3A_35 {dimension_numbers = #tpu.dot_dimension_numbers<[1], [0], [0], [1], [0, 0, 1, 1], [], []>, transpose_lhs_hint = false} : vector<512x512xf32>, vector<512x8xf32>, vector<512x8xf32> -> vector<512x8xf32>
      %slice3A_37 = vector.extract_strided_slice %convert_element_type3A_30 {offsets = [512, 0], sizes = [512, 8], strides = [1, 1]} : vector<4096x8xf32> to vector<512x8xf32>
      %dot_general3A_38 = arith.constant dense<0.000000e+00> : vector<512x8xf32>
      %dot_general3A_39 = tpu.matmul %convert_element_type3A_34, %slice3A_37, %dot_general3A_38 {dimension_numbers = #tpu.dot_dimension_numbers<[1], [0], [0], [1], [0, 0, 1, 1], [], []>, transpose_lhs_hint = false} : vector<512x512xf32>, vector<512x8xf32>, vector<512x8xf32> -> vector<512x8xf32>
      %slice3A_40 = vector.extract_strided_slice %convert_element_type3A_30 {offsets = [1024, 0], sizes = [512, 8], strides = [1, 1]} : vector<4096x8xf32> to vector<512x8xf32>
      %dot_general3A_41 = arith.constant dense<0.000000e+00> : vector<512x8xf32>
      %dot_general3A_42 = tpu.matmul %convert_element_type3A_34, %slice3A_40, %dot_general3A_41 {dimension_numbers = #tpu.dot_dimension_numbers<[1], [0], [0], [1], [0, 0, 1, 1], [], []>, transpose_lhs_hint = false} : vector<512x512xf32>, vector<512x8xf32>, vector<512x8xf32> -> vector<512x8xf32>
      %slice3A_43 = vector.extract_strided_slice %convert_element_type3A_30 {offsets = [1536, 0], sizes = [512, 8], strides = [1, 1]} : vector<4096x8xf32> to vector<512x8xf32>
      %dot_general3A_44 = arith.constant dense<0.000000e+00> : vector<512x8xf32>
      %dot_general3A_45 = tpu.matmul %convert_element_type3A_34, %slice3A_43, %dot_general3A_44 {dimension_numbers = #tpu.dot_dimension_numbers<[1], [0], [0], [1], [0, 0, 1, 1], [], []>, transpose_lhs_hint = false} : vector<512x512xf32>, vector<512x8xf32>, vector<512x8xf32> -> vector<512x8xf32>
      %slice3A_46 = vector.extract_strided_slice %convert_element_type3A_30 {offsets = [2048, 0], sizes = [512, 8], strides = [1, 1]} : vector<4096x8xf32> to vector<512x8xf32>
      %dot_general3A_47 = arith.constant dense<0.000000e+00> : vector<512x8xf32>
      %dot_general3A_48 = tpu.matmul %convert_element_type3A_34, %slice3A_46, %dot_general3A_47 {dimension_numbers = #tpu.dot_dimension_numbers<[1], [0], [0], [1], [0, 0, 1, 1], [], []>, transpose_lhs_hint = false} : vector<512x512xf32>, vector<512x8xf32>, vector<512x8xf32> -> vector<512x8xf32>
      %slice3A_49 = vector.extract_strided_slice %convert_element_type3A_30 {offsets = [2560, 0], sizes = [512, 8], strides = [1, 1]} : vector<4096x8xf32> to vector<512x8xf32>
      %dot_general3A_50 = arith.constant dense<0.000000e+00> : vector<512x8xf32>
      %dot_general3A_51 = tpu.matmul %convert_element_type3A_34, %slice3A_49, %dot_general3A_50 {dimension_numbers = #tpu.dot_dimension_numbers<[1], [0], [0], [1], [0, 0, 1, 1], [], []>, transpose_lhs_hint = false} : vector<512x512xf32>, vector<512x8xf32>, vector<512x8xf32> -> vector<512x8xf32>
      %slice3A_52 = vector.extract_strided_slice %convert_element_type3A_30 {offsets = [3072, 0], sizes = [512, 8], strides = [1, 1]} : vector<4096x8xf32> to vector<512x8xf32>
      %dot_general3A_53 = arith.constant dense<0.000000e+00> : vector<512x8xf32>
      %dot_general3A_54 = tpu.matmul %convert_element_type3A_34, %slice3A_52, %dot_general3A_53 {dimension_numbers = #tpu.dot_dimension_numbers<[1], [0], [0], [1], [0, 0, 1, 1], [], []>, transpose_lhs_hint = false} : vector<512x512xf32>, vector<512x8xf32>, vector<512x8xf32> -> vector<512x8xf32>
      %slice3A_55 = vector.extract_strided_slice %convert_element_type3A_30 {offsets = [3584, 0], sizes = [512, 8], strides = [1, 1]} : vector<4096x8xf32> to vector<512x8xf32>
      %dot_general3A_56 = arith.constant dense<0.000000e+00> : vector<512x8xf32>
      %dot_general3A_57 = tpu.matmul %convert_element_type3A_34, %slice3A_55, %dot_general3A_56 {dimension_numbers = #tpu.dot_dimension_numbers<[1], [0], [0], [1], [0, 0, 1, 1], [], []>, transpose_lhs_hint = false} : vector<512x512xf32>, vector<512x8xf32>, vector<512x8xf32> -> vector<512x8xf32>
      %broadcast_in_dim3A_58 = arith.constant 0.000000e+00 : f32
      %broadcast_in_dim3A_59 = vector.broadcast %broadcast_in_dim3A_58 : f32 to vector<1x8xf32>
      %add3A = vector.broadcast %broadcast_in_dim3A_59 : vector<1x8xf32> to vector<512x8xf32>
      %add3A_60 = arith.addf %dot_general3A_36, %add3A : vector<512x8xf32>
      %slice3A_61 = vector.extract_strided_slice %dot_general3A_36 {offsets = [511, 0], sizes = [1, 8], strides = [1, 1]} : vector<512x8xf32> to vector<1x8xf32>
      %add3A_62 = arith.addf %broadcast_in_dim3A_59, %slice3A_61 : vector<1x8xf32>
      %add3A_63 = vector.broadcast %add3A_62 : vector<1x8xf32> to vector<512x8xf32>
      %add3A_64 = arith.addf %dot_general3A_39, %add3A_63 : vector<512x8xf32>
      %slice3A_65 = vector.extract_strided_slice %dot_general3A_39 {offsets = [511, 0], sizes = [1, 8], strides = [1, 1]} : vector<512x8xf32> to vector<1x8xf32>
      %add3A_66 = arith.addf %add3A_62, %slice3A_65 : vector<1x8xf32>
      %add3A_67 = vector.broadcast %add3A_66 : vector<1x8xf32> to vector<512x8xf32>
      %add3A_68 = arith.addf %dot_general3A_42, %add3A_67 : vector<512x8xf32>
      %slice3A_69 = vector.extract_strided_slice %dot_general3A_42 {offsets = [511, 0], sizes = [1, 8], strides = [1, 1]} : vector<512x8xf32> to vector<1x8xf32>
      %add3A_70 = arith.addf %add3A_66, %slice3A_69 : vector<1x8xf32>
      %add3A_71 = vector.broadcast %add3A_70 : vector<1x8xf32> to vector<512x8xf32>
      %add3A_72 = arith.addf %dot_general3A_45, %add3A_71 : vector<512x8xf32>
      %slice3A_73 = vector.extract_strided_slice %dot_general3A_45 {offsets = [511, 0], sizes = [1, 8], strides = [1, 1]} : vector<512x8xf32> to vector<1x8xf32>
      %add3A_74 = arith.addf %add3A_70, %slice3A_73 : vector<1x8xf32>
      %add3A_75 = vector.broadcast %add3A_74 : vector<1x8xf32> to vector<512x8xf32>
      %add3A_76 = arith.addf %dot_general3A_48, %add3A_75 : vector<512x8xf32>
      %slice3A_77 = vector.extract_strided_slice %dot_general3A_48 {offsets = [511, 0], sizes = [1, 8], strides = [1, 1]} : vector<512x8xf32> to vector<1x8xf32>
      %add3A_78 = arith.addf %add3A_74, %slice3A_77 : vector<1x8xf32>
      %add3A_79 = vector.broadcast %add3A_78 : vector<1x8xf32> to vector<512x8xf32>
      %add3A_80 = arith.addf %dot_general3A_51, %add3A_79 : vector<512x8xf32>
      %slice3A_81 = vector.extract_strided_slice %dot_general3A_51 {offsets = [511, 0], sizes = [1, 8], strides = [1, 1]} : vector<512x8xf32> to vector<1x8xf32>
      %add3A_82 = arith.addf %add3A_78, %slice3A_81 : vector<1x8xf32>
      %add3A_83 = vector.broadcast %add3A_82 : vector<1x8xf32> to vector<512x8xf32>
      %add3A_84 = arith.addf %dot_general3A_54, %add3A_83 : vector<512x8xf32>
      %slice3A_85 = vector.extract_strided_slice %dot_general3A_54 {offsets = [511, 0], sizes = [1, 8], strides = [1, 1]} : vector<512x8xf32> to vector<1x8xf32>
      %add3A_86 = arith.addf %add3A_82, %slice3A_85 : vector<1x8xf32>
      %add3A_87 = vector.broadcast %add3A_86 : vector<1x8xf32> to vector<512x8xf32>
      %add3A_88 = arith.addf %dot_general3A_57, %add3A_87 : vector<512x8xf32>
      %concatenate3A = tpu.concatenate %add3A_60, %add3A_64, %add3A_68, %add3A_72, %add3A_76, %add3A_80, %add3A_84, %add3A_88 in 0 : vector<512x8xf32>, vector<512x8xf32>, vector<512x8xf32>, vector<512x8xf32>, vector<512x8xf32>, vector<512x8xf32>, vector<512x8xf32>, vector<512x8xf32> -> vector<4096x8xf32>
      %convert_element_type3A_89 = arith.fptosi %concatenate3A : vector<4096x8xf32> to vector<4096x8xi32>
      %sub3A_90 = arith.subi %convert_element_type3A_89, %convert_element_type3A_29 : vector<4096x8xi32>
      %slice3A_91 = vector.extract_strided_slice %convert_element_type3A_89 {offsets = [4095, 0], sizes = [1, 8], strides = [1, 1]} : vector<4096x8xi32> to vector<1x8xi32>
      %add3A_92 = arith.constant 128 : i32
      %add3A_93 = vector.broadcast %add3A_92 : i32 to vector<1x8xi32>
      %add3A_94 = arith.addi %slice3A_91, %add3A_93 : vector<1x8xi32>
      %sub3A_95 = arith.constant 1 : i32
      %sub3A_96 = vector.broadcast %sub3A_95 : i32 to vector<1x8xi32>
      %sub3A_97 = arith.subi %add3A_94, %sub3A_96 : vector<1x8xi32>
      %jit3A_98 = arith.constant 128 : i32
      %div3A_99 = vector.broadcast %jit3A_98 : i32 to vector<1x8xi32>
      %div3A_100 = arith.divsi %sub3A_97, %div3A_99 : vector<1x8xi32>
      %sign3A = arith.constant 0 : i32
      %sign3A_101 = vector.broadcast %sign3A : i32 to vector<1x8xi32>
      %sign3A_102 = arith.cmpi sgt, %sub3A_97, %sign3A_101 : vector<1x8xi32>
      %sign3A_103 = arith.extui %sign3A_102 : vector<1x8xi1> to vector<1x8xi32>
      %sign3A_104 = arith.constant 0 : i32
      %sign3A_105 = vector.broadcast %sign3A_104 : i32 to vector<1x8xi32>
      %sign3A_106 = arith.cmpi slt, %sub3A_97, %sign3A_105 : vector<1x8xi32>
      %sign3A_107 = arith.extui %sign3A_106 : vector<1x8xi1> to vector<1x8xi32>
      %sign3A_108 = arith.subi %sign3A_103, %sign3A_107 : vector<1x8xi32>
      %sign3A_109 = arith.constant 0 : i32
      %sign3A_110 = arith.cmpi sgt, %jit3A_98, %sign3A_109 : i32
      %sign3A_111 = arith.extui %sign3A_110 : i1 to i32
      %sign3A_112 = arith.constant 0 : i32
      %sign3A_113 = arith.cmpi slt, %jit3A_98, %sign3A_112 : i32
      %sign3A_114 = arith.extui %sign3A_113 : i1 to i32
      %sign3A_115 = arith.subi %sign3A_111, %sign3A_114 : i32
      %ne3A = vector.broadcast %sign3A_115 : i32 to vector<1x8xi32>
      %ne3A_116 = arith.cmpi ne, %sign3A_108, %ne3A : vector<1x8xi32>
      %rem3A = vector.broadcast %jit3A_98 : i32 to vector<1x8xi32>
      %rem3A_117 = arith.remsi %sub3A_97, %rem3A : vector<1x8xi32>
      %ne3A_118 = arith.constant 0 : i32
      %ne3A_119 = vector.broadcast %ne3A_118 : i32 to vector<1x8xi32>
      %ne3A_120 = arith.cmpi ne, %rem3A_117, %ne3A_119 : vector<1x8xi32>
      %and3A = arith.andi %ne3A_116, %ne3A_120 : vector<1x8xi1>
      %sub3A_121 = arith.constant 1 : i32
      %sub3A_122 = vector.broadcast %sub3A_121 : i32 to vector<1x8xi32>
      %sub3A_123 = arith.subi %div3A_100, %sub3A_122 : vector<1x8xi32>
      %select_n3A_124 = arith.select %and3A, %sub3A_123, %div3A_100 : vector<1x8xi1>, vector<1x8xi32>
      %mul3A_125 = arith.constant 128 : i32
      %mul3A_126 = vector.broadcast %mul3A_125 : i32 to vector<1x8xi32>
      %mul3A_127 = arith.muli %select_n3A_124, %mul3A_126 : vector<1x8xi32>
      %iota3A_128 = tpu.iota {dimensions = array<i32: 0>} : vector<8x8xi32>
      %iota3A_129 = tpu.iota {dimensions = array<i32: 1>} : vector<8x8xi32>
      %lt3A = arith.cmpi slt, %iota3A_128, %iota3A_129 : vector<8x8xi32>
      %convert_element_type3A_130 = arith.extui %lt3A : vector<8x8xi1> to vector<8x8xi32>
      %convert_element_type3A_131 = arith.sitofp %convert_element_type3A_130 : vector<8x8xi32> to vector<8x8xf32>
      %convert_element_type3A_132 = arith.sitofp %mul3A_127 : vector<1x8xi32> to vector<1x8xf32>
      %dot_general3A_133 = arith.constant dense<0.000000e+00> : vector<1x8xf32>
      %dot_general3A_134 = tpu.matmul %convert_element_type3A_132, %convert_element_type3A_131, %dot_general3A_133 {dimension_numbers = #tpu.dot_dimension_numbers<[1], [0], [0], [1], [0, 0, 1, 1], [], []>, transpose_lhs_hint = false} : vector<1x8xf32>, vector<8x8xf32>, vector<1x8xf32> -> vector<1x8xf32>
      %convert_element_type3A_135 = arith.fptosi %dot_general3A_134 : vector<1x8xf32> to vector<1x8xi32>
      %add3A_136 = vector.broadcast %convert_element_type3A_135 : vector<1x8xi32> to vector<4096x8xi32>
      %add3A_137 = arith.addi %add3A_136, %sub3A_90 : vector<4096x8xi32>
      %mul3A_138 = arith.muli %convert_element_type3A_29, %add3A_137 : vector<4096x8xi32>
      %reduce_sum3A_139 = arith.constant dense<0> : vector<4096xi32>
      %reduce_sum3A_140 = vector.multi_reduction <add>, %mul3A_138, %reduce_sum3A_139 [1] : vector<4096x8xi32> to vector<4096xi32>
      %reshape3A = vector.shape_cast %reduce_sum3A_140 : vector<4096xi32> to vector<32x128xi32>
      %swap3A_141 = arith.constant 0 : index
      %swap3A_142 = arith.constant 0 : index
      %swap3A_143 = vector.load %arg3[%swap3A_141, %swap3A_142] : memref<32x128xi32, #tpu.memory_space<vmem>>, vector<32x128xi32>
      tpu.vector_store %arg3[%swap3A_141, %swap3A_142], %reshape3A {strides = array<i32>} : memref<32x128xi32, #tpu.memory_space<vmem>>, vector<32x128xi32>,
      %iota3A_144 = tpu.iota {dimensions = array<i32: 0>} : vector<8x8xi32>
      %iota3A_145 = tpu.iota {dimensions = array<i32: 1>} : vector<8x8xi32>
      %eq3A_146 = arith.cmpi eq, %iota3A_144, %iota3A_145 : vector<8x8xi32>
      %convert_element_type3A_147 = arith.extui %eq3A_146 : vector<8x8xi1> to vector<8x8xi32>
      %convert_element_type3A_148 = arith.sitofp %convert_element_type3A_147 : vector<8x8xi32> to vector<8x8xf32>
      %convert_element_type3A_149 = arith.sitofp %slice3A_91 : vector<1x8xi32> to vector<1x8xf32>
      %dot_general3A_150 = arith.constant dense<0.000000e+00> : vector<8x1xf32>
      %dot_general3A_151 = tpu.matmul %convert_element_type3A_148, %convert_element_type3A_149, %dot_general3A_150 {dimension_numbers = #tpu.dot_dimension_numbers<[1], [1], [0], [0], [0, 0, 1, 0], [], []>, transpose_lhs_hint = false} : vector<8x8xf32>, vector<1x8xf32>, vector<8x1xf32> -> vector<8x1xf32>
      %convert_element_type3A_152 = arith.fptosi %dot_general3A_151 : vector<8x1xf32> to vector<8x1xi32>
      %add3A_153 = arith.constant 128 : i32
      %add3A_154 = vector.broadcast %add3A_153 : i32 to vector<8x1xi32>
      %add3A_155 = arith.addi %convert_element_type3A_152, %add3A_154 : vector<8x1xi32>
      %sub3A_156 = arith.constant 1 : i32
      %sub3A_157 = vector.broadcast %sub3A_156 : i32 to vector<8x1xi32>
      %sub3A_158 = arith.subi %add3A_155, %sub3A_157 : vector<8x1xi32>
      %jit3A_159 = arith.constant 128 : i32
      %div3A_160 = vector.broadcast %jit3A_159 : i32 to vector<8x1xi32>
      %div3A_161 = arith.divsi %sub3A_158, %div3A_160 : vector<8x1xi32>
      %sign3A_162 = arith.constant 0 : i32
      %sign3A_163 = vector.broadcast %sign3A_162 : i32 to vector<8x1xi32>
      %sign3A_164 = arith.cmpi sgt, %sub3A_158, %sign3A_163 : vector<8x1xi32>
      %sign3A_165 = arith.extui %sign3A_164 : vector<8x1xi1> to vector<8x1xi32>
      %sign3A_166 = arith.constant 0 : i32
      %sign3A_167 = vector.broadcast %sign3A_166 : i32 to vector<8x1xi32>
      %sign3A_168 = arith.cmpi slt, %sub3A_158, %sign3A_167 : vector<8x1xi32>
      %sign3A_169 = arith.extui %sign3A_168 : vector<8x1xi1> to vector<8x1xi32>
      %sign3A_170 = arith.subi %sign3A_165, %sign3A_169 : vector<8x1xi32>
      %sign3A_171 = arith.constant 0 : i32
      %sign3A_172 = arith.cmpi sgt, %jit3A_159, %sign3A_171 : i32
      %sign3A_173 = arith.extui %sign3A_172 : i1 to i32
      %sign3A_174 = arith.constant 0 : i32
      %sign3A_175 = arith.cmpi slt, %jit3A_159, %sign3A_174 : i32
      %sign3A_176 = arith.extui %sign3A_175 : i1 to i32
      %sign3A_177 = arith.subi %sign3A_173, %sign3A_176 : i32
      %ne3A_178 = vector.broadcast %sign3A_177 : i32 to vector<8x1xi32>
      %ne3A_179 = arith.cmpi ne, %sign3A_170, %ne3A_178 : vector<8x1xi32>
      %rem3A_180 = vector.broadcast %jit3A_159 : i32 to vector<8x1xi32>
      %rem3A_181 = arith.remsi %sub3A_158, %rem3A_180 : vector<8x1xi32>
      %ne3A_182 = arith.constant 0 : i32
      %ne3A_183 = vector.broadcast %ne3A_182 : i32 to vector<8x1xi32>
      %ne3A_184 = arith.cmpi ne, %rem3A_181, %ne3A_183 : vector<8x1xi32>
      %and3A_185 = arith.andi %ne3A_179, %ne3A_184 : vector<8x1xi1>
      %sub3A_186 = arith.constant 1 : i32
      %sub3A_187 = vector.broadcast %sub3A_186 : i32 to vector<8x1xi32>
      %sub3A_188 = arith.subi %div3A_161, %sub3A_187 : vector<8x1xi32>
      %select_n3A_189 = arith.select %and3A_185, %sub3A_188, %div3A_161 : vector<8x1xi1>, vector<8x1xi32>
      %mul3A_190 = arith.constant 128 : i32
      %mul3A_191 = vector.broadcast %mul3A_190 : i32 to vector<8x1xi32>
      %mul3A_192 = arith.muli %select_n3A_189, %mul3A_191 : vector<8x1xi32>
      %iota3A_193 = tpu.iota {dimensions = array<i32: 1>} : vector<8x8xi32>
      %iota3A_194 = tpu.iota {dimensions = array<i32: 0>} : vector<8x8xi32>
      %lt3A_195 = arith.cmpi slt, %iota3A_193, %iota3A_194 : vector<8x8xi32>
      %convert_element_type3A_196 = arith.extui %lt3A_195 : vector<8x8xi1> to vector<8x8xi32>
      %convert_element_type3A_197 = arith.sitofp %convert_element_type3A_196 : vector<8x8xi32> to vector<8x8xf32>
      %convert_element_type3A_198 = arith.sitofp %mul3A_192 : vector<8x1xi32> to vector<8x1xf32>
      %dot_general3A_199 = arith.constant dense<0.000000e+00> : vector<8x1xf32>
      %dot_general3A_200 = tpu.matmul %convert_element_type3A_197, %convert_element_type3A_198, %dot_general3A_199 {dimension_numbers = #tpu.dot_dimension_numbers<[1], [0], [0], [1], [0, 0, 1, 1], [], []>, transpose_lhs_hint = false} : vector<8x8xf32>, vector<8x1xf32>, vector<8x1xf32> -> vector<8x1xf32>
      %convert_element_type3A_201 = arith.fptosi %dot_general3A_200 : vector<8x1xf32> to vector<8x1xi32>
      %jit3A_202 = arith.constant 128 : i32
      %div3A_203 = vector.broadcast %jit3A_202 : i32 to vector<8x1xi32>
      %div3A_204 = arith.divsi %convert_element_type3A_201, %div3A_203 : vector<8x1xi32>
      %sign3A_205 = arith.constant 0 : i32
      %sign3A_206 = vector.broadcast %sign3A_205 : i32 to vector<8x1xi32>
      %sign3A_207 = arith.cmpi sgt, %convert_element_type3A_201, %sign3A_206 : vector<8x1xi32>
      %sign3A_208 = arith.extui %sign3A_207 : vector<8x1xi1> to vector<8x1xi32>
      %sign3A_209 = arith.constant 0 : i32
      %sign3A_210 = vector.broadcast %sign3A_209 : i32 to vector<8x1xi32>
      %sign3A_211 = arith.cmpi slt, %convert_element_type3A_201, %sign3A_210 : vector<8x1xi32>
      %sign3A_212 = arith.extui %sign3A_211 : vector<8x1xi1> to vector<8x1xi32>
      %sign3A_213 = arith.subi %sign3A_208, %sign3A_212 : vector<8x1xi32>
      %sign3A_214 = arith.constant 0 : i32
      %sign3A_215 = arith.cmpi sgt, %jit3A_202, %sign3A_214 : i32
      %sign3A_216 = arith.extui %sign3A_215 : i1 to i32
      %sign3A_217 = arith.constant 0 : i32
      %sign3A_218 = arith.cmpi slt, %jit3A_202, %sign3A_217 : i32
      %sign3A_219 = arith.extui %sign3A_218 : i1 to i32
      %sign3A_220 = arith.subi %sign3A_216, %sign3A_219 : i32
      %ne3A_221 = vector.broadcast %sign3A_220 : i32 to vector<8x1xi32>
      %ne3A_222 = arith.cmpi ne, %sign3A_213, %ne3A_221 : vector<8x1xi32>
      %rem3A_223 = vector.broadcast %jit3A_202 : i32 to vector<8x1xi32>
      %rem3A_224 = arith.remsi %convert_element_type3A_201, %rem3A_223 : vector<8x1xi32>
      %ne3A_225 = arith.constant 0 : i32
      %ne3A_226 = vector.broadcast %ne3A_225 : i32 to vector<8x1xi32>
      %ne3A_227 = arith.cmpi ne, %rem3A_224, %ne3A_226 : vector<8x1xi32>
      %and3A_228 = arith.andi %ne3A_222, %ne3A_227 : vector<8x1xi1>
      %sub3A_229 = arith.constant 1 : i32
      %sub3A_230 = vector.broadcast %sub3A_229 : i32 to vector<8x1xi32>
      %sub3A_231 = arith.subi %div3A_204, %sub3A_230 : vector<8x1xi32>
      %select_n3A_232 = arith.select %and3A_228, %sub3A_231, %div3A_204 : vector<8x1xi1>, vector<8x1xi32>
      %iota3A_233 = tpu.iota {dimensions = array<i32: 1>} : vector<8x40xi32>
      %iota3A_234 = tpu.iota {dimensions = array<i32: 0>} : vector<8x40xi32>
      %iota3A_235 = tpu.iota {dimensions = array<i32: 0>} : vector<8x1xi32>
      %ge3A = vector.broadcast %select_n3A_232 : vector<8x1xi32> to vector<8x40xi32>
      %ge3A_236 = arith.cmpi sge, %iota3A_233, %ge3A : vector<8x40xi32>
      %convert_element_type3A_237 = arith.extui %ge3A_236 : vector<8x40xi1> to vector<8x40xi32>
      %reduce_sum3A_238 = arith.constant dense<0> : vector<40xi32>
      %reduce_sum3A_239 = vector.multi_reduction <add>, %convert_element_type3A_237, %reduce_sum3A_238 [0] : vector<8x40xi32> to vector<40xi32>
      %broadcast_in_dim3A_240 = vector.shape_cast %reduce_sum3A_239 : vector<40xi32> to vector<1x40xi32>
      %sub3A_241 = arith.constant 1 : i32
      %sub3A_242 = vector.broadcast %sub3A_241 : i32 to vector<1x40xi32>
      %sub3A_243 = arith.subi %broadcast_in_dim3A_240, %sub3A_242 : vector<1x40xi32>
      %gt3A = arith.constant 5.000000e-01 : f32
      %gt3A_244 = vector.broadcast %gt3A : f32 to vector<8x1xf32>
      %gt3A_245 = arith.cmpf ogt, %dot_general3A_151, %gt3A_244 : vector<8x1xf32>
      %jit3A_246 = arith.constant -1 : i32
      %broadcast_in_dim3A_247 = vector.broadcast %jit3A_246 : i32 to vector<8x1xi32>
      %select_n3A_248 = arith.select %gt3A_245, %iota3A_235, %broadcast_in_dim3A_247 : vector<8x1xi1>, vector<8x1xi32>
      %reduce_max3A_249 = arith.constant dense<-2147483648> : vector<1xi32>
      %reduce_max3A_250 = vector.multi_reduction <maxsi>, %select_n3A_248, %reduce_max3A_249 [0] : vector<8x1xi32> to vector<1xi32>
      %broadcast_in_dim3A_251 = vector.shape_cast %reduce_max3A_250 : vector<1xi32> to vector<1x1xi32>
      %min3A = vector.broadcast %broadcast_in_dim3A_251 : vector<1x1xi32> to vector<1x40xi32>
      %min3A_252 = arith.minsi %sub3A_243, %min3A : vector<1x40xi32>
      %gt3A_253 = vector.broadcast %min3A_252 : vector<1x40xi32> to vector<8x40xi32>
      %gt3A_254 = arith.cmpi sgt, %iota3A_234, %gt3A_253 : vector<8x40xi32>
      %and3A_255 = vector.broadcast %gt3A_245 : vector<8x1xi1> to vector<8x40xi1>
      %and3A_256 = arith.andi %gt3A_254, %and3A_255 : vector<8x40xi1>
      %jit3A_257 = arith.constant 8 : i32
      %broadcast_in_dim3A_258 = vector.broadcast %jit3A_257 : i32 to vector<8x40xi32>
      %select_n3A_259 = arith.select %and3A_256, %iota3A_234, %broadcast_in_dim3A_258 : vector<8x40xi1>, vector<8x40xi32>
      %reduce_min3A_260 = arith.constant dense<2147483647> : vector<40xi32>
      %reduce_min3A_261 = vector.multi_reduction <minsi>, %select_n3A_259, %reduce_min3A_260 [0] : vector<8x40xi32> to vector<40xi32>
      %broadcast_in_dim3A_262 = vector.shape_cast %reduce_min3A_261 : vector<40xi32> to vector<1x40xi32>
      %gt3A_263 = vector.broadcast %broadcast_in_dim3A_262 : vector<1x40xi32> to vector<8x40xi32>
      %gt3A_264 = arith.cmpi sgt, %iota3A_234, %gt3A_263 : vector<8x40xi32>
      %and3A_265 = vector.broadcast %gt3A_245 : vector<8x1xi1> to vector<8x40xi1>
      %and3A_266 = arith.andi %gt3A_264, %and3A_265 : vector<8x40xi1>
      %jit3A_267 = arith.constant 8 : i32
      %broadcast_in_dim3A_268 = vector.broadcast %jit3A_267 : i32 to vector<8x40xi32>
      %select_n3A_269 = arith.select %and3A_266, %iota3A_234, %broadcast_in_dim3A_268 : vector<8x40xi1>, vector<8x40xi32>
      %reduce_min3A_270 = arith.constant dense<2147483647> : vector<40xi32>
      %reduce_min3A_271 = vector.multi_reduction <minsi>, %select_n3A_269, %reduce_min3A_270 [0] : vector<8x40xi32> to vector<40xi32>
      %broadcast_in_dim3A_272 = vector.shape_cast %reduce_min3A_271 : vector<40xi32> to vector<1x40xi32>
      %le3A_273 = vector.broadcast %min3A_252 : vector<1x40xi32> to vector<8x40xi32>
      %le3A_274 = arith.cmpi sle, %iota3A_234, %le3A_273 : vector<8x40xi32>
      %and3A_275 = vector.broadcast %gt3A_245 : vector<8x1xi1> to vector<8x40xi1>
      %and3A_276 = arith.andi %and3A_275, %le3A_274 : vector<8x40xi1>
      %convert_element_type3A_277 = arith.extui %and3A_276 : vector<8x40xi1> to vector<8x40xi32>
      %reduce_sum3A_278 = arith.constant dense<0> : vector<40xi32>
      %reduce_sum3A_279 = vector.multi_reduction <add>, %convert_element_type3A_277, %reduce_sum3A_278 [0] : vector<8x40xi32> to vector<40xi32>
      %broadcast_in_dim3A_280 = vector.shape_cast %reduce_sum3A_279 : vector<40xi32> to vector<1x40xi32>
      %jit3A_281 = arith.constant 3 : i32
      %eq3A_282 = arith.constant 0 : i32
      %eq3A_283 = arith.cmpi eq, %jit3A_281, %eq3A_282 : i32
      %jit3A_284 = arith.constant 1 : i32
      %select_n3A_285 = arith.select %eq3A_283, %jit3A_284, %jit3A_281 : i32
      %rem3A_286 = vector.broadcast %select_n3A_285 : i32 to vector<1x40xi32>
      %rem3A_287 = arith.remsi %broadcast_in_dim3A_280, %rem3A_286 : vector<1x40xi32>
      %ne3A_288 = arith.constant 0 : i32
      %ne3A_289 = vector.broadcast %ne3A_288 : i32 to vector<1x40xi32>
      %ne3A_290 = arith.cmpi ne, %rem3A_287, %ne3A_289 : vector<1x40xi32>
      %lt3A_291 = arith.constant 0 : i32
      %lt3A_292 = vector.broadcast %lt3A_291 : i32 to vector<1x40xi32>
      %lt3A_293 = arith.cmpi slt, %rem3A_287, %lt3A_292 : vector<1x40xi32>
      %lt3A_294 = arith.constant 0 : i32
      %lt3A_295 = arith.cmpi slt, %select_n3A_285, %lt3A_294 : i32
      %ne3A_296 = vector.broadcast %lt3A_295 : i1 to vector<1x40xi1>
      %ne3A_297 = vector.broadcast %ne3A_296 : vector<1x40xi1> to vector<1x40xi1>
      %ne3A_298 = arith.xori %lt3A_293, %ne3A_297 : vector<1x40xi1>
      %and3A_299 = arith.andi %ne3A_298, %ne3A_290 : vector<1x40xi1>
      %add3A_300 = vector.broadcast %select_n3A_285 : i32 to vector<1x40xi32>
      %add3A_301 = arith.addi %rem3A_287, %add3A_300 : vector<1x40xi32>
      %select_n3A_302 = arith.select %and3A_299, %add3A_301, %rem3A_287 : vector<1x40xi1>, vector<1x40xi32>
      %broadcast_in_dim3A_303 = arith.constant 0 : i32
      %broadcast_in_dim3A_304 = vector.broadcast %broadcast_in_dim3A_303 : i32 to vector<4x40xi32>
      %concatenate3A_305 = tpu.concatenate %min3A_252, %broadcast_in_dim3A_262, %broadcast_in_dim3A_272, %select_n3A_302, %broadcast_in_dim3A_304 in 0 : vector<1x40xi32>, vector<1x40xi32>, vector<1x40xi32>, vector<1x40xi32>, vector<4x40xi32> -> vector<8x40xi32>
      %swap3A_306 = arith.constant 0 : index
      %swap3A_307 = arith.constant 0 : index
      %swap3A_308 = vector.load %arg4[%swap3A_306, %swap3A_307] : memref<8x40xi32, #tpu.memory_space<vmem>>, vector<8x40xi32>
      tpu.vector_store %arg4[%swap3A_306, %swap3A_307], %concatenate3A_305 {strides = array<i32>} : memref<8x40xi32, #tpu.memory_space<vmem>>, vector<8x40xi32>,
      %convert_element_type3A_309 = arith.sitofp %slice3A_91 : vector<1x8xi32> to vector<1x8xf32>
      %div3A_310 = arith.constant 4.096000e+03 : f32
      %div3A_311 = vector.broadcast %div3A_310 : f32 to vector<1x8xf32>
      %div3A_312 = arith.divf %convert_element_type3A_309, %div3A_311 : vector<1x8xf32>
      %reduce_sum3A_313 = arith.constant dense<0.000000e+00> : vector<8xf32>
      %reduce_sum3A_314 = vector.multi_reduction <add>, %div3A_18, %reduce_sum3A_313 [0] : vector<4096x8xf32> to vector<8xf32>
      %broadcast_in_dim3A_315 = vector.shape_cast %reduce_sum3A_314 : vector<8xf32> to vector<1x8xf32>
      %div3A_316 = arith.constant 4.096000e+03 : f32
      %div3A_317 = vector.broadcast %div3A_316 : f32 to vector<1x8xf32>
      %div3A_318 = arith.divf %broadcast_in_dim3A_315, %div3A_317 : vector<1x8xf32>
      %mul3A_319 = arith.mulf %div3A_312, %div3A_318 : vector<1x8xf32>
      %reduce_sum3A_320 = vector.shape_cast %mul3A_319 : vector<1x8xf32> to vector<1x1x8xf32>
      %reduce_sum3A_321 = arith.constant dense<0.000000e+00> : vector<1xf32>
      %reduce_sum3A_322 = vector.multi_reduction <add>, %reduce_sum3A_320, %reduce_sum3A_321 [1, 2] : vector<1x1x8xf32> to vector<1xf32>
      %reduce_sum3A_323 = vector.shape_cast %reduce_sum3A_322 : vector<1xf32> to vector<1x1x1xf32>
      %reduce_sum3A_324 = vector.extract %reduce_sum3A_323[0, 0, 0] : f32 from vector<1x1x1xf32>
      %mul3A_325 = arith.constant 8.000000e-02 : f32
      %mul3A_326 = arith.mulf %mul3A_325, %reduce_sum3A_324 : f32
      %log3A = math.log %broadcast_in_dim3A_17 : vector<4096x1xf32>
      %add3A_327 = arith.addf %broadcast_in_dim3A, %log3A : vector<4096x1xf32>
      %mul3A_328 = arith.mulf %add3A_327, %add3A_327 : vector<4096x1xf32>
      %reduce_sum3A_329 = vector.shape_cast %mul3A_328 : vector<4096x1xf32> to vector<1x4096x1xf32>
      %reduce_sum3A_330 = arith.constant dense<0.000000e+00> : vector<1xf32>
      %reduce_sum3A_331 = vector.multi_reduction <add>, %reduce_sum3A_329, %reduce_sum3A_330 [1, 2] : vector<1x4096x1xf32> to vector<1xf32>
      %reduce_sum3A_332 = vector.shape_cast %reduce_sum3A_331 : vector<1xf32> to vector<1x1x1xf32>
      %reduce_sum3A_333 = vector.extract %reduce_sum3A_332[0, 0, 0] : f32 from vector<1x1x1xf32>
      %mul3A_334 = arith.constant 9.99999974E-5 : f32
      %mul3A_335 = arith.mulf %mul3A_334, %reduce_sum3A_333 : f32
      %div3A_336 = arith.constant 4.096000e+03 : f32
      %div3A_337 = arith.divf %mul3A_335, %div3A_336 : f32
      %add3A_338 = arith.addf %mul3A_326, %div3A_337 : f32
      %broadcast_in_dim3A_339 = vector.broadcast %add3A_338 : f32 to vector<1x1xf32>
      %swap3A_340 = arith.constant 0 : index
      %swap3A_341 = arith.constant 0 : index
      %swap3A_342 = vector.load %arg5[%swap3A_340, %swap3A_341] : memref<1x1xf32, #tpu.memory_space<vmem>>, vector<1x1xf32>
      tpu.vector_store %arg5[%swap3A_340, %swap3A_341], %broadcast_in_dim3A_339 {strides = array<i32>} : memref<1x1xf32, #tpu.memory_space<vmem>>, vector<1x1xf32>,
    } else {
    }
    return
  }
  func.func @transform_0(%arg0: i32) -> (i32, i32) {
    %c0_i32 = arith.constant 0 : i32
    %c0_i32_0 = arith.constant 0 : i32
    return %arg0, %c0_i32 : i32, i32
  }
  func.func @transform_1(%arg0: i32) -> (i32, i32) {
    %c0_i32 = arith.constant 0 : i32
    %c0_i32_0 = arith.constant 0 : i32
    %c0_i32_1 = arith.constant 0 : i32
    return %c0_i32, %c0_i32_0 : i32, i32
  }
  func.func @transform_2(%arg0: i32) -> (i32, i32) {
    %c0_i32 = arith.constant 0 : i32
    %c0_i32_0 = arith.constant 0 : i32
    %c0_i32_1 = arith.constant 0 : i32
    return %c0_i32, %c0_i32_0 : i32, i32
  }
  func.func @transform_3(%arg0: i32) -> (i32, i32) {
    %c0_i32 = arith.constant 0 : i32
    %c0_i32_0 = arith.constant 0 : i32
    %c0_i32_1 = arith.constant 0 : i32
    return %c0_i32, %c0_i32_0 : i32, i32
  }
  func.func @transform_4(%arg0: i32) -> (i32, i32) {
    %c0_i32 = arith.constant 0 : i32
    %c0_i32_0 = arith.constant 0 : i32
    %c0_i32_1 = arith.constant 0 : i32
    return %c0_i32, %c0_i32_0 : i32, i32
  }
}

module attributes {stable_mosaic.version = 14 : i64} {
  func.func @_ffn_body(%arg0: i32, %arg1: memref<8x40xi32, #tpu.memory_space<smem>>, %arg2: memref<128x768xf32, #tpu.memory_space<vmem>>, %arg3: memref<8x768x768xf32, #tpu.memory_space<any>>, %arg4: memref<8x768xf32, #tpu.memory_space<vmem>>, %arg5: memref<8x768x768xf32, #tpu.memory_space<any>>, %arg6: memref<8x768xf32, #tpu.memory_space<vmem>>, %arg7: memref<128x768xf32, #tpu.memory_space<vmem>>, %arg8: memref<3x768x768xf32, #tpu.memory_space<vmem>>, %arg9: memref<3x768x768xf32, #tpu.memory_space<vmem>>, %arg10: memref<3x!tpu.dma_semaphore, #tpu.memory_space<semaphore_mem>>, %arg11: memref<3x!tpu.dma_semaphore, #tpu.memory_space<semaphore_mem>>) attributes {dimension_semantics = [#tpu.dimension_semantics<arbitrary>], iteration_bounds = array<i64: 40>, scalar_prefetch = 0 : i64, scratch_operands = 4 : i64, tpu.core_type = #tpu.core_type<tc>, window_params = [{transform_indices = @transform_0, window_bounds = array<i64: 8, 40>}, {transform_indices = @transform_1, window_bounds = array<i64: 128, 768>}, {}, {pipeline_mode = #tpu.pipeline_mode<synchronous>, transform_indices = @transform_3, window_bounds = array<i64: 8, 768>}, {}, {pipeline_mode = #tpu.pipeline_mode<synchronous>, transform_indices = @transform_5, window_bounds = array<i64: 8, 768>}, {transform_indices = @transform_6, window_bounds = array<i64: 128, 768>}]} {
    %get3A = arith.constant 0 : index
    %get3A_0 = arith.index_cast %arg0 : i32 to index
    %get3A_1 = memref.load %arg1[%get3A, %get3A_0] : memref<8x40xi32, #tpu.memory_space<smem>>
    %get3A_2 = arith.constant 1 : index
    %get3A_3 = arith.index_cast %arg0 : i32 to index
    %get3A_4 = memref.load %arg1[%get3A_2, %get3A_3] : memref<8x40xi32, #tpu.memory_space<smem>>
    %get3A_5 = arith.constant 2 : index
    %get3A_6 = arith.index_cast %arg0 : i32 to index
    %get3A_7 = memref.load %arg1[%get3A_5, %get3A_6] : memref<8x40xi32, #tpu.memory_space<smem>>
    %get3A_8 = arith.constant 3 : index
    %get3A_9 = arith.index_cast %arg0 : i32 to index
    %get3A_10 = memref.load %arg1[%get3A_8, %get3A_9] : memref<8x40xi32, #tpu.memory_space<smem>>
    %eq3A = arith.constant 0 : i32
    %eq3A_11 = arith.cmpi eq, %arg0, %eq3A : i32
    %convert_element_type3A = arith.extui %eq3A_11 : i1 to i32
    %cond3A = arith.constant 0 : i32
    %cond3A_12 = arith.cmpi ne, %convert_element_type3A, %cond3A : i32
    scf.if %cond3A_12 {
      %dma_start3A = tpu.memref_slice %arg10[%get3A_10] : memref<3x!tpu.dma_semaphore, #tpu.memory_space<semaphore_mem>> -> memref<1x!tpu.dma_semaphore, #tpu.memory_space<semaphore_mem>>
      %dma_start3A_53 = tpu.memref_squeeze %dma_start3A : memref<1x!tpu.dma_semaphore, #tpu.memory_space<semaphore_mem>> -> memref<!tpu.dma_semaphore, #tpu.memory_space<semaphore_mem>>
      %dma_start3A_54 = arith.constant 0 : i32
      %dma_start3A_55 = arith.constant 0 : i32
      %dma_start3A_56 = tpu.memref_slice %arg8[%get3A_10, %dma_start3A_54, %dma_start3A_55] : memref<3x768x768xf32, #tpu.memory_space<vmem>> -> memref<1x768x768xf32, #tpu.memory_space<vmem>>
      %dma_start3A_57 = tpu.memref_squeeze %dma_start3A_56 : memref<1x768x768xf32, #tpu.memory_space<vmem>> -> memref<768x768xf32, #tpu.memory_space<vmem>>
      %dma_start3A_58 = arith.constant 0 : i32
      %dma_start3A_59 = arith.constant 0 : i32
      %dma_start3A_60 = tpu.memref_slice %arg3[%get3A_1, %dma_start3A_58, %dma_start3A_59] : memref<8x768x768xf32, #tpu.memory_space<any>> -> memref<1x768x768xf32, #tpu.memory_space<any>>
      %dma_start3A_61 = tpu.memref_squeeze %dma_start3A_60 : memref<1x768x768xf32, #tpu.memory_space<any>> -> memref<768x768xf32, #tpu.memory_space<any>>
      tpu.enqueue_dma source(%dma_start3A_61 : memref<768x768xf32, #tpu.memory_space<any>>) target(%dma_start3A_57 : memref<768x768xf32, #tpu.memory_space<vmem>>) target_semaphore(%dma_start3A_53 : memref<!tpu.dma_semaphore, #tpu.memory_space<semaphore_mem>>)
      %dma_start3A_62 = tpu.memref_slice %arg11[%get3A_10] : memref<3x!tpu.dma_semaphore, #tpu.memory_space<semaphore_mem>> -> memref<1x!tpu.dma_semaphore, #tpu.memory_space<semaphore_mem>>
      %dma_start3A_63 = tpu.memref_squeeze %dma_start3A_62 : memref<1x!tpu.dma_semaphore, #tpu.memory_space<semaphore_mem>> -> memref<!tpu.dma_semaphore, #tpu.memory_space<semaphore_mem>>
      %dma_start3A_64 = arith.constant 0 : i32
      %dma_start3A_65 = arith.constant 0 : i32
      %dma_start3A_66 = tpu.memref_slice %arg9[%get3A_10, %dma_start3A_64, %dma_start3A_65] : memref<3x768x768xf32, #tpu.memory_space<vmem>> -> memref<1x768x768xf32, #tpu.memory_space<vmem>>
      %dma_start3A_67 = tpu.memref_squeeze %dma_start3A_66 : memref<1x768x768xf32, #tpu.memory_space<vmem>> -> memref<768x768xf32, #tpu.memory_space<vmem>>
      %dma_start3A_68 = arith.constant 0 : i32
      %dma_start3A_69 = arith.constant 0 : i32
      %dma_start3A_70 = tpu.memref_slice %arg5[%get3A_1, %dma_start3A_68, %dma_start3A_69] : memref<8x768x768xf32, #tpu.memory_space<any>> -> memref<1x768x768xf32, #tpu.memory_space<any>>
      %dma_start3A_71 = tpu.memref_squeeze %dma_start3A_70 : memref<1x768x768xf32, #tpu.memory_space<any>> -> memref<768x768xf32, #tpu.memory_space<any>>
      tpu.enqueue_dma source(%dma_start3A_71 : memref<768x768xf32, #tpu.memory_space<any>>) target(%dma_start3A_67 : memref<768x768xf32, #tpu.memory_space<vmem>>) target_semaphore(%dma_start3A_63 : memref<!tpu.dma_semaphore, #tpu.memory_space<semaphore_mem>>)
      %lt3A = arith.constant 8 : i32
      %lt3A_72 = arith.cmpi slt, %get3A_4, %lt3A : i32
      %convert_element_type3A_73 = arith.extui %lt3A_72 : i1 to i32
      %cond3A_74 = arith.constant 0 : i32
      %cond3A_75 = arith.cmpi ne, %convert_element_type3A_73, %cond3A_74 : i32
      scf.if %cond3A_75 {
        %add3A_76 = arith.constant 1 : i32
        %add3A_77 = arith.addi %get3A_10, %add3A_76 : i32
        %jit3A = arith.constant 3 : i32
        %eq3A_78 = arith.constant 0 : i32
        %eq3A_79 = arith.cmpi eq, %jit3A, %eq3A_78 : i32
        %jit3A_80 = arith.constant 1 : i32
        %select_n3A = arith.select %eq3A_79, %jit3A_80, %jit3A : i32
        %rem3A = arith.remsi %add3A_77, %select_n3A : i32
        %ne3A_81 = arith.constant 0 : i32
        %ne3A_82 = arith.cmpi ne, %rem3A, %ne3A_81 : i32
        %lt3A_83 = arith.constant 0 : i32
        %lt3A_84 = arith.cmpi slt, %rem3A, %lt3A_83 : i32
        %lt3A_85 = arith.constant 0 : i32
        %lt3A_86 = arith.cmpi slt, %select_n3A, %lt3A_85 : i32
        %ne3A_87 = arith.xori %lt3A_84, %lt3A_86 : i1
        %and3A = arith.andi %ne3A_87, %ne3A_82 : i1
        %add3A_88 = arith.addi %rem3A, %select_n3A : i32
        %select_n3A_89 = arith.select %and3A, %add3A_88, %rem3A : i32
        %dma_start3A_90 = tpu.memref_slice %arg10[%select_n3A_89] : memref<3x!tpu.dma_semaphore, #tpu.memory_space<semaphore_mem>> -> memref<1x!tpu.dma_semaphore, #tpu.memory_space<semaphore_mem>>
        %dma_start3A_91 = tpu.memref_squeeze %dma_start3A_90 : memref<1x!tpu.dma_semaphore, #tpu.memory_space<semaphore_mem>> -> memref<!tpu.dma_semaphore, #tpu.memory_space<semaphore_mem>>
        %dma_start3A_92 = arith.constant 0 : i32
        %dma_start3A_93 = arith.constant 0 : i32
        %dma_start3A_94 = tpu.memref_slice %arg8[%select_n3A_89, %dma_start3A_92, %dma_start3A_93] : memref<3x768x768xf32, #tpu.memory_space<vmem>> -> memref<1x768x768xf32, #tpu.memory_space<vmem>>
        %dma_start3A_95 = tpu.memref_squeeze %dma_start3A_94 : memref<1x768x768xf32, #tpu.memory_space<vmem>> -> memref<768x768xf32, #tpu.memory_space<vmem>>
        %dma_start3A_96 = arith.constant 0 : i32
        %dma_start3A_97 = arith.constant 0 : i32
        %dma_start3A_98 = tpu.memref_slice %arg3[%get3A_4, %dma_start3A_96, %dma_start3A_97] : memref<8x768x768xf32, #tpu.memory_space<any>> -> memref<1x768x768xf32, #tpu.memory_space<any>>
        %dma_start3A_99 = tpu.memref_squeeze %dma_start3A_98 : memref<1x768x768xf32, #tpu.memory_space<any>> -> memref<768x768xf32, #tpu.memory_space<any>>
        tpu.enqueue_dma source(%dma_start3A_99 : memref<768x768xf32, #tpu.memory_space<any>>) target(%dma_start3A_95 : memref<768x768xf32, #tpu.memory_space<vmem>>) target_semaphore(%dma_start3A_91 : memref<!tpu.dma_semaphore, #tpu.memory_space<semaphore_mem>>)
        %dma_start3A_100 = tpu.memref_slice %arg11[%select_n3A_89] : memref<3x!tpu.dma_semaphore, #tpu.memory_space<semaphore_mem>> -> memref<1x!tpu.dma_semaphore, #tpu.memory_space<semaphore_mem>>
        %dma_start3A_101 = tpu.memref_squeeze %dma_start3A_100 : memref<1x!tpu.dma_semaphore, #tpu.memory_space<semaphore_mem>> -> memref<!tpu.dma_semaphore, #tpu.memory_space<semaphore_mem>>
        %dma_start3A_102 = arith.constant 0 : i32
        %dma_start3A_103 = arith.constant 0 : i32
        %dma_start3A_104 = tpu.memref_slice %arg9[%select_n3A_89, %dma_start3A_102, %dma_start3A_103] : memref<3x768x768xf32, #tpu.memory_space<vmem>> -> memref<1x768x768xf32, #tpu.memory_space<vmem>>
        %dma_start3A_105 = tpu.memref_squeeze %dma_start3A_104 : memref<1x768x768xf32, #tpu.memory_space<vmem>> -> memref<768x768xf32, #tpu.memory_space<vmem>>
        %dma_start3A_106 = arith.constant 0 : i32
        %dma_start3A_107 = arith.constant 0 : i32
        %dma_start3A_108 = tpu.memref_slice %arg5[%get3A_4, %dma_start3A_106, %dma_start3A_107] : memref<8x768x768xf32, #tpu.memory_space<any>> -> memref<1x768x768xf32, #tpu.memory_space<any>>
        %dma_start3A_109 = tpu.memref_squeeze %dma_start3A_108 : memref<1x768x768xf32, #tpu.memory_space<any>> -> memref<768x768xf32, #tpu.memory_space<any>>
        tpu.enqueue_dma source(%dma_start3A_109 : memref<768x768xf32, #tpu.memory_space<any>>) target(%dma_start3A_105 : memref<768x768xf32, #tpu.memory_space<vmem>>) target_semaphore(%dma_start3A_101 : memref<!tpu.dma_semaphore, #tpu.memory_space<semaphore_mem>>)
      } else {
      }
    } else {
    }
    %sub3A = arith.constant 1 : i32
    %sub3A_13 = arith.subi %arg0, %sub3A : i32
    %max3A = arith.constant 0 : i32
    %max3A_14 = arith.maxsi %sub3A_13, %max3A : i32
    %get3A_15 = arith.constant 0 : index
    %get3A_16 = arith.index_cast %max3A_14 : i32 to index
    %get3A_17 = memref.load %arg1[%get3A_15, %get3A_16] : memref<8x40xi32, #tpu.memory_space<smem>>
    %eq3A_18 = arith.constant 0 : i32
    %eq3A_19 = arith.cmpi eq, %arg0, %eq3A_18 : i32
    %ne3A = arith.cmpi ne, %get3A_1, %get3A_17 : i32
    %or3A = arith.ori %eq3A_19, %ne3A : i1
    %convert_element_type3A_20 = arith.extui %or3A : i1 to i32
    %cond3A_21 = arith.constant 0 : i32
    %cond3A_22 = arith.cmpi ne, %convert_element_type3A_20, %cond3A_21 : i32
    scf.if %cond3A_22 {
      %dma_wait3A = tpu.memref_slice %arg10[%get3A_10] : memref<3x!tpu.dma_semaphore, #tpu.memory_space<semaphore_mem>> -> memref<1x!tpu.dma_semaphore, #tpu.memory_space<semaphore_mem>>
      %dma_wait3A_53 = tpu.memref_squeeze %dma_wait3A : memref<1x!tpu.dma_semaphore, #tpu.memory_space<semaphore_mem>> -> memref<!tpu.dma_semaphore, #tpu.memory_space<semaphore_mem>>
      %dma_wait3A_54 = arith.constant 0 : i32
      %dma_wait3A_55 = arith.constant 0 : i32
      %dma_wait3A_56 = tpu.memref_slice %arg8[%get3A_10, %dma_wait3A_54, %dma_wait3A_55] : memref<3x768x768xf32, #tpu.memory_space<vmem>> -> memref<1x768x768xf32, #tpu.memory_space<vmem>>
      %dma_wait3A_57 = tpu.memref_squeeze %dma_wait3A_56 : memref<1x768x768xf32, #tpu.memory_space<vmem>> -> memref<768x768xf32, #tpu.memory_space<vmem>>
      %dma_wait3A_58 = arith.constant 0 : i32
      %dma_wait3A_59 = arith.constant 0 : i32
      %dma_wait3A_60 = tpu.memref_slice %arg3[%get3A_1, %dma_wait3A_58, %dma_wait3A_59] : memref<8x768x768xf32, #tpu.memory_space<any>> -> memref<1x768x768xf32, #tpu.memory_space<any>>
      %dma_wait3A_61 = tpu.memref_squeeze %dma_wait3A_60 : memref<1x768x768xf32, #tpu.memory_space<any>> -> memref<768x768xf32, #tpu.memory_space<any>>
      tpu.wait_dma2 semaphore(%dma_wait3A_53 : memref<!tpu.dma_semaphore, #tpu.memory_space<semaphore_mem>>) src(%dma_wait3A_61 : memref<768x768xf32, #tpu.memory_space<any>>) dst(%dma_wait3A_57 : memref<768x768xf32, #tpu.memory_space<vmem>>)
      %dma_wait3A_62 = tpu.memref_slice %arg11[%get3A_10] : memref<3x!tpu.dma_semaphore, #tpu.memory_space<semaphore_mem>> -> memref<1x!tpu.dma_semaphore, #tpu.memory_space<semaphore_mem>>
      %dma_wait3A_63 = tpu.memref_squeeze %dma_wait3A_62 : memref<1x!tpu.dma_semaphore, #tpu.memory_space<semaphore_mem>> -> memref<!tpu.dma_semaphore, #tpu.memory_space<semaphore_mem>>
      %dma_wait3A_64 = arith.constant 0 : i32
      %dma_wait3A_65 = arith.constant 0 : i32
      %dma_wait3A_66 = tpu.memref_slice %arg9[%get3A_10, %dma_wait3A_64, %dma_wait3A_65] : memref<3x768x768xf32, #tpu.memory_space<vmem>> -> memref<1x768x768xf32, #tpu.memory_space<vmem>>
      %dma_wait3A_67 = tpu.memref_squeeze %dma_wait3A_66 : memref<1x768x768xf32, #tpu.memory_space<vmem>> -> memref<768x768xf32, #tpu.memory_space<vmem>>
      %dma_wait3A_68 = arith.constant 0 : i32
      %dma_wait3A_69 = arith.constant 0 : i32
      %dma_wait3A_70 = tpu.memref_slice %arg5[%get3A_1, %dma_wait3A_68, %dma_wait3A_69] : memref<8x768x768xf32, #tpu.memory_space<any>> -> memref<1x768x768xf32, #tpu.memory_space<any>>
      %dma_wait3A_71 = tpu.memref_squeeze %dma_wait3A_70 : memref<1x768x768xf32, #tpu.memory_space<any>> -> memref<768x768xf32, #tpu.memory_space<any>>
      tpu.wait_dma2 semaphore(%dma_wait3A_63 : memref<!tpu.dma_semaphore, #tpu.memory_space<semaphore_mem>>) src(%dma_wait3A_71 : memref<768x768xf32, #tpu.memory_space<any>>) dst(%dma_wait3A_67 : memref<768x768xf32, #tpu.memory_space<vmem>>)
      %lt3A = arith.constant 8 : i32
      %lt3A_72 = arith.cmpi slt, %get3A_7, %lt3A : i32
      %convert_element_type3A_73 = arith.extui %lt3A_72 : i1 to i32
      %cond3A_74 = arith.constant 0 : i32
      %cond3A_75 = arith.cmpi ne, %convert_element_type3A_73, %cond3A_74 : i32
      scf.if %cond3A_75 {
        %add3A_76 = arith.constant 2 : i32
        %add3A_77 = arith.addi %get3A_10, %add3A_76 : i32
        %jit3A = arith.constant 3 : i32
        %eq3A_78 = arith.constant 0 : i32
        %eq3A_79 = arith.cmpi eq, %jit3A, %eq3A_78 : i32
        %jit3A_80 = arith.constant 1 : i32
        %select_n3A = arith.select %eq3A_79, %jit3A_80, %jit3A : i32
        %rem3A = arith.remsi %add3A_77, %select_n3A : i32
        %ne3A_81 = arith.constant 0 : i32
        %ne3A_82 = arith.cmpi ne, %rem3A, %ne3A_81 : i32
        %lt3A_83 = arith.constant 0 : i32
        %lt3A_84 = arith.cmpi slt, %rem3A, %lt3A_83 : i32
        %lt3A_85 = arith.constant 0 : i32
        %lt3A_86 = arith.cmpi slt, %select_n3A, %lt3A_85 : i32
        %ne3A_87 = arith.xori %lt3A_84, %lt3A_86 : i1
        %and3A = arith.andi %ne3A_87, %ne3A_82 : i1
        %add3A_88 = arith.addi %rem3A, %select_n3A : i32
        %select_n3A_89 = arith.select %and3A, %add3A_88, %rem3A : i32
        %dma_start3A = tpu.memref_slice %arg10[%select_n3A_89] : memref<3x!tpu.dma_semaphore, #tpu.memory_space<semaphore_mem>> -> memref<1x!tpu.dma_semaphore, #tpu.memory_space<semaphore_mem>>
        %dma_start3A_90 = tpu.memref_squeeze %dma_start3A : memref<1x!tpu.dma_semaphore, #tpu.memory_space<semaphore_mem>> -> memref<!tpu.dma_semaphore, #tpu.memory_space<semaphore_mem>>
        %dma_start3A_91 = arith.constant 0 : i32
        %dma_start3A_92 = arith.constant 0 : i32
        %dma_start3A_93 = tpu.memref_slice %arg8[%select_n3A_89, %dma_start3A_91, %dma_start3A_92] : memref<3x768x768xf32, #tpu.memory_space<vmem>> -> memref<1x768x768xf32, #tpu.memory_space<vmem>>
        %dma_start3A_94 = tpu.memref_squeeze %dma_start3A_93 : memref<1x768x768xf32, #tpu.memory_space<vmem>> -> memref<768x768xf32, #tpu.memory_space<vmem>>
        %dma_start3A_95 = arith.constant 0 : i32
        %dma_start3A_96 = arith.constant 0 : i32
        %dma_start3A_97 = tpu.memref_slice %arg3[%get3A_7, %dma_start3A_95, %dma_start3A_96] : memref<8x768x768xf32, #tpu.memory_space<any>> -> memref<1x768x768xf32, #tpu.memory_space<any>>
        %dma_start3A_98 = tpu.memref_squeeze %dma_start3A_97 : memref<1x768x768xf32, #tpu.memory_space<any>> -> memref<768x768xf32, #tpu.memory_space<any>>
        tpu.enqueue_dma source(%dma_start3A_98 : memref<768x768xf32, #tpu.memory_space<any>>) target(%dma_start3A_94 : memref<768x768xf32, #tpu.memory_space<vmem>>) target_semaphore(%dma_start3A_90 : memref<!tpu.dma_semaphore, #tpu.memory_space<semaphore_mem>>)
        %dma_start3A_99 = tpu.memref_slice %arg11[%select_n3A_89] : memref<3x!tpu.dma_semaphore, #tpu.memory_space<semaphore_mem>> -> memref<1x!tpu.dma_semaphore, #tpu.memory_space<semaphore_mem>>
        %dma_start3A_100 = tpu.memref_squeeze %dma_start3A_99 : memref<1x!tpu.dma_semaphore, #tpu.memory_space<semaphore_mem>> -> memref<!tpu.dma_semaphore, #tpu.memory_space<semaphore_mem>>
        %dma_start3A_101 = arith.constant 0 : i32
        %dma_start3A_102 = arith.constant 0 : i32
        %dma_start3A_103 = tpu.memref_slice %arg9[%select_n3A_89, %dma_start3A_101, %dma_start3A_102] : memref<3x768x768xf32, #tpu.memory_space<vmem>> -> memref<1x768x768xf32, #tpu.memory_space<vmem>>
        %dma_start3A_104 = tpu.memref_squeeze %dma_start3A_103 : memref<1x768x768xf32, #tpu.memory_space<vmem>> -> memref<768x768xf32, #tpu.memory_space<vmem>>
        %dma_start3A_105 = arith.constant 0 : i32
        %dma_start3A_106 = arith.constant 0 : i32
        %dma_start3A_107 = tpu.memref_slice %arg5[%get3A_7, %dma_start3A_105, %dma_start3A_106] : memref<8x768x768xf32, #tpu.memory_space<any>> -> memref<1x768x768xf32, #tpu.memory_space<any>>
        %dma_start3A_108 = tpu.memref_squeeze %dma_start3A_107 : memref<1x768x768xf32, #tpu.memory_space<any>> -> memref<768x768xf32, #tpu.memory_space<any>>
        tpu.enqueue_dma source(%dma_start3A_108 : memref<768x768xf32, #tpu.memory_space<any>>) target(%dma_start3A_104 : memref<768x768xf32, #tpu.memory_space<vmem>>) target_semaphore(%dma_start3A_100 : memref<!tpu.dma_semaphore, #tpu.memory_space<semaphore_mem>>)
      } else {
      }
    } else {
    }
    %get3A_23 = arith.constant 0 : index
    %get3A_24 = arith.constant 0 : index
    %get3A_25 = vector.load %arg2[%get3A_23, %get3A_24] : memref<128x768xf32, #tpu.memory_space<vmem>>, vector<128x768xf32>
    %get3A_26 = arith.index_cast %get3A_10 : i32 to index
    %get3A_27 = arith.constant 0 : index
    %get3A_28 = arith.constant 0 : index
    %get3A_29 = vector.load %arg8[%get3A_26, %get3A_27, %get3A_28] : memref<3x768x768xf32, #tpu.memory_space<vmem>>, vector<1x768x768xf32>
    %get3A_30 = vector.shape_cast %get3A_29 : vector<1x768x768xf32> to vector<768x768xf32>
    %dot_general3A = arith.constant dense<0.000000e+00> : vector<128x768xf32>
    %dot_general3A_31 = tpu.matmul %get3A_25, %get3A_30, %dot_general3A {dimension_numbers = #tpu.dot_dimension_numbers<[1], [0], [0], [1], [0, 0, 1, 1], [], []>, transpose_lhs_hint = false} : vector<128x768xf32>, vector<768x768xf32>, vector<128x768xf32> -> vector<128x768xf32>
    %get3A_32 = arith.index_cast %get3A_1 : i32 to index
    %get3A_33 = arith.constant 0 : index
    %get3A_34 = vector.load %arg4[%get3A_32, %get3A_33] : memref<8x768xf32, #tpu.memory_space<vmem>>, vector<1x768xf32>
    %add3A = vector.broadcast %get3A_34 : vector<1x768xf32> to vector<128x768xf32>
    %add3A_35 = arith.addf %dot_general3A_31, %add3A : vector<128x768xf32>
    %max3A_36 = arith.constant 0.000000e+00 : f32
    %max3A_37 = vector.broadcast %max3A_36 : f32 to vector<128x768xf32>
    %max3A_38 = arith.maximumf %add3A_35, %max3A_37 : vector<128x768xf32>
    %get3A_39 = arith.index_cast %get3A_10 : i32 to index
    %get3A_40 = arith.constant 0 : index
    %get3A_41 = arith.constant 0 : index
    %get3A_42 = vector.load %arg9[%get3A_39, %get3A_40, %get3A_41] : memref<3x768x768xf32, #tpu.memory_space<vmem>>, vector<1x768x768xf32>
    %get3A_43 = vector.shape_cast %get3A_42 : vector<1x768x768xf32> to vector<768x768xf32>
    %dot_general3A_44 = arith.constant dense<0.000000e+00> : vector<128x768xf32>
    %dot_general3A_45 = tpu.matmul %max3A_38, %get3A_43, %dot_general3A_44 {dimension_numbers = #tpu.dot_dimension_numbers<[1], [0], [0], [1], [0, 0, 1, 1], [], []>, transpose_lhs_hint = false} : vector<128x768xf32>, vector<768x768xf32>, vector<128x768xf32> -> vector<128x768xf32>
    %get3A_46 = arith.index_cast %get3A_1 : i32 to index
    %get3A_47 = arith.constant 0 : index
    %get3A_48 = vector.load %arg6[%get3A_46, %get3A_47] : memref<8x768xf32, #tpu.memory_space<vmem>>, vector<1x768xf32>
    %add3A_49 = vector.broadcast %get3A_48 : vector<1x768xf32> to vector<128x768xf32>
    %add3A_50 = arith.addf %dot_general3A_45, %add3A_49 : vector<128x768xf32>
    %swap3A = arith.constant 0 : index
    %swap3A_51 = arith.constant 0 : index
    %swap3A_52 = vector.load %arg7[%swap3A, %swap3A_51] : memref<128x768xf32, #tpu.memory_space<vmem>>, vector<128x768xf32>
    tpu.vector_store %arg7[%swap3A, %swap3A_51], %add3A_50 {strides = array<i32>} : memref<128x768xf32, #tpu.memory_space<vmem>>, vector<128x768xf32>,
    return
  }
  func.func @transform_0(%arg0: i32) -> (i32, i32) {
    %c0_i32 = arith.constant 0 : i32
    %c0_i32_0 = arith.constant 0 : i32
    %c0_i32_1 = arith.constant 0 : i32
    return %c0_i32, %c0_i32_0 : i32, i32
  }
  func.func @transform_1(%arg0: i32) -> (i32, i32) {
    %c0_i32 = arith.constant 0 : i32
    %c0_i32_0 = arith.constant 0 : i32
    return %arg0, %c0_i32 : i32, i32
  }
  func.func @transform_3(%arg0: i32) -> (i32, i32) {
    %c0_i32 = arith.constant 0 : i32
    %c0_i32_0 = arith.constant 0 : i32
    %c0_i32_1 = arith.constant 0 : i32
    return %c0_i32, %c0_i32_0 : i32, i32
  }
  func.func @transform_5(%arg0: i32) -> (i32, i32) {
    %c0_i32 = arith.constant 0 : i32
    %c0_i32_0 = arith.constant 0 : i32
    %c0_i32_1 = arith.constant 0 : i32
    return %c0_i32, %c0_i32_0 : i32, i32
  }
  func.func @transform_6(%arg0: i32) -> (i32, i32) {
    %c0_i32 = arith.constant 0 : i32
    %c0_i32_0 = arith.constant 0 : i32
    return %arg0, %c0_i32 : i32, i32
  }
}

</mosaic_0001>

<sc_bundles>
// kernel: kernel.6.cloned.1.call-start
scs
__scs_entry_jumppad:
0x0: {  	(pc) =	sbr.rel $0x88, $3  }
0x1: {  	(tag) =	ssettag $0x0;
	lr =	simm.s32 $0x1  }
0x2: {  	[smem:$0x3F9B] =	sst lr;
	_ =	strace $0xD0000000  }
0x3: {  	_ = 	snop  }
0x4: {  	_ = 	snop  }
0x5: {  	_ = 	snop  }
0x6: {  	_ = 	snop  }
0x7: {  	_ = 	snop  }
__scs_overlays_trampoline_lowered:
0x8: {  	[smem:$0x3FAA] =	sst s0  }
0x9: {  	[smem:$0x3FAB] =	sst s1  }
0xa: {  	[smem:$0x3FAC] =	sst s2  }
0xb: {  	[smem:$0x3FAD] =	sst s3  }
0xc: {  	[smem:$0x3FAE] =	sst s4  }
0xd: {  	[smem:$0x3FAF] =	sst s5  }
0xe: {  	[smem:$0x3FB0] =	sst s6  }
0xf: {  	[smem:$0x3FB1] =	sst s7  }
0x10: {  	[smem:$0x3FB2] =	sst s8  }
0x11: {  	[smem:$0x3FB3] =	sst s9;
	s0 =	simm.s32 @!p0 $0x0  }
0x12: {  	s1 =	sld [smem:$0x3F99];
	s0 =	simm.s32 @p0 $0x1  }
0x13: {  	[smem:$0x3FB4] =	sst s0;
	s0 =	simm.s32 @!p1 $0x0  }
0x14: {  	s2 =	sld [smem:$0x3F98];
	s0 =	simm.s32 @p1 $0x1  }
0x15: {  	[smem:$0x3FB5] =	sst s0;
	s0 =	simm.s32 @!p2 $0x0  }
0x16: {  	s3 =	sld [smem:$0x3FDB];
	s0 =	simm.s32 @p2 $0x1  }
0x17: {  	s4 =	simm.s32 $0x1BF5;
	[smem:$0x3FB7] =	sst s0  }
0x18: {  	s0 =	sld [smem:$0x3F9A];
	_ =	swait.ge [sflag:s4], $0x0  }
0x19: {  	s7 =	sld [smem:$0x3F9B]  }
0x1a: {  	s8 =	sadd.s32 $0xFFFFE003, lr  }
0x1b: {  	s9 =	sadd.s32 $0xFFFFFEF7, lr;
	s5 =	simm.s32 $0xFFFFFFFF;
	p2 =	slt.u32 s8, $0xFFFFF086  }
0x1c: {  	p1 =	slt.u32 s9, $0xF7A;
	s5 =	simm.s32 @!p2 $0x0  }
0x1d: {  	s5 =	simm.s32 @p1 $0x1;
	p0 =	seq.s32 s7, s2  }
0x1e: {  	s7 =	smul.u32 @!p0 $0xF7A, s2;
	p2 =	seq.s32 @!p0 s5, $0x0  }
0x1f: {  	s9 =	smul.u32 $0xF7A, s1;
	s8 =	simm.s32 @!p0 $0x1BF5;
	p2 =	por !p2, p0  }
0x20: {  	[sflag:s8] =	ssyncset.s32 @!p0 $0xFFFFF086;
	s6 =	sadd.s32 @!p0 s3, s7;
	s7 =	simm.s32 @!p0 $0x108  }
0x21: {  	s3 =	sadd.s32 s3, s9;
	s6 =	sadd.s32 @!p0 $0x88, s6;
	s7 =	simm.s32 @p2 $0x1082  }
0x22: {  	[simem:s7], [sflag:s8] =	dma.local @!p0 [hbm:s6], $0xF7A  }
0x23: {  	s9 =	sor.u32 $0xD0000000, s2;
	s6 =	simm.s32 $0x108;
	_ =	swait.ge @!p0 [sflag:s8], $0x0  }
0x24: {  	s3 =	sadd.s32 $0x88, s3;
	s6 =	simm.s32 @!p1 $0x1082;
	[sflag:s4] =	ssyncset.s32 $0xFFFFF086  }
0x25: {  	[simem:s6], [sflag:s4] =	dma.local [hbm:s3], $0xF7A  }
0x26: {  	[smem:$0x3F9B] =	sst s1;
	(tag) =	ssettag s2;
	_ =	strace s9  }
0x27: {  	s1 =	sld [smem:$0x3FAB]  }
0x28: {  	s2 =	sld [smem:$0x3FAC]  }
0x29: {  	s4 =	sld [smem:$0x3FAE]  }
0x2a: {  	p0 =	seq.s32 s5, $0x0;
	s5 =	sld [smem:$0x3FAF]  }
0x2b: {  	s6 =	sld [smem:$0x3FB0]  }
0x2c: {  	s7 =	sld [smem:$0x3FB1]  }
0x2d: {  	s3 =	simm.s32 $0x108;
	s8 =	sld [smem:$0x3FB2]  }
0x2e: {  	s3 =	simm.s32 @!p0 $0x1082;
	s9 =	sld [smem:$0x3FB3]  }
0x2f: {  	lr =	sadd.s32 s0, s3;
	s0 =	sld [smem:$0x3FAA]  }
0x30: {  	s3 =	sld [smem:$0x3FAD]  }
0x31: {  	[smem:$0x3FB6] =	sst s10  }
0x32: {  	s10 =	sld [smem:$0x3FB4];
	_ =	sdelay $0x3  }
0x33: {  	p0 =	seq.s32 s10, $0x1;
	s10 =	sld [smem:$0x3FB6];
	_ =	sdelay $0x3  }
0x34: {  	[smem:$0x3FB6] =	sst s10  }
0x35: {  	s10 =	sld [smem:$0x3FB5];
	_ =	sdelay $0x3  }
0x36: {  	p1 =	seq.s32 s10, $0x1;
	s10 =	sld [smem:$0x3FB6];
	_ =	sdelay $0x3  }
0x37: {  	[smem:$0x3FB6] =	sst s10  }
0x38: {  	s10 =	sld [smem:$0x3FB7]  }
0x39: {  	_ = 	snop;
	(pc) =	sbr.ind lr, $3  }
0x3a: {  	_ = 	snop  }
0x3b: {  	_ = 	snop  }
0x3c: {  	p2 =	seq.s32 s10, $0x1;
	s10 =	sld [smem:$0x3FB6]  }
0x3d: {  	_ =	shalt  }
0x3e: {  	_ =	shalt  }
0x3f: {  	_ =	shalt  }
0x40: {  	_ =	shalt  }
0x41: {  	_ =	shalt  }
0x42: {  	_ =	shalt  }
0x43: {  	_ =	shalt  }
0x44: {  	_ =	shalt  }
0x45: {  	_ =	shalt  }
0x46: {  	_ =	shalt  }
0x47: {  	_ =	shalt  }
0x48: {  	_ =	shalt  }
0x49: {  	_ =	shalt  }
0x4a: {  	_ =	shalt  }
0x4b: {  	_ =	shalt  }
0x4c: {  	_ =	shalt  }
0x4d: {  	_ =	shalt  }
0x4e: {  	_ =	shalt  }
0x4f: {  	_ =	shalt  }
0x50: {  	_ =	shalt  }
0x51: {  	_ =	shalt  }
0x52: {  	_ =	shalt  }
0x53: {  	_ =	shalt  }
0x54: {  	_ =	shalt  }
0x55: {  	_ =	shalt  }
0x56: {  	_ =	shalt  }
0x57: {  	_ =	shalt  }
0x58: {  	_ =	shalt  }
0x59: {  	_ =	shalt  }
0x5a: {  	_ =	shalt  }
0x5b: {  	_ =	shalt  }
0x5c: {  	_ =	shalt  }
0x5d: {  	_ =	shalt  }
0x5e: {  	_ =	shalt  }
0x5f: {  	_ =	shalt  }
0x60: {  	_ =	shalt  }
0x61: {  	_ =	shalt  }
0x62: {  	_ =	shalt  }
0x63: {  	_ =	shalt  }
0x64: {  	_ =	shalt  }
0x65: {  	_ =	shalt  }
0x66: {  	_ =	shalt  }
0x67: {  	_ =	shalt  }
0x68: {  	_ =	shalt  }
0x69: {  	_ =	shalt  }
0x6a: {  	_ =	shalt  }
0x6b: {  	_ =	shalt  }
0x6c: {  	_ =	shalt  }
0x6d: {  	_ =	shalt  }
0x6e: {  	_ =	shalt  }
0x6f: {  	_ =	shalt  }
0x70: {  	_ =	shalt  }
0x71: {  	_ =	shalt  }
0x72: {  	_ =	shalt  }
0x73: {  	_ =	shalt  }
0x74: {  	_ =	shalt  }
0x75: {  	_ =	shalt  }
0x76: {  	_ =	shalt  }
0x77: {  	_ =	shalt  }
0x78: {  	_ =	shalt  }
0x79: {  	_ =	shalt  }
0x7a: {  	_ =	shalt  }
0x7b: {  	_ =	shalt  }
0x7c: {  	_ =	shalt  }
0x7d: {  	_ =	shalt  }
0x7e: {  	_ =	shalt  }
0x7f: {  	_ =	shalt  }
0x80: {  	_ =	shalt  }
0x81: {  	_ =	shalt  }
0x82: {  	_ =	shalt  }
0x83: {  	_ =	shalt  }
0x84: {  	_ =	shalt  }
0x85: {  	_ =	shalt  }
0x86: {  	_ =	shalt  }
0x87: {  	_ =	shalt  }
.Lfunc_end0:
.L_simem_size_0:
called_computation_lowered:
.L_overlay_start_0:
0x88: {  	s2 =	sld [smem:$0x3FD9]  }
0x89: {  	s3 =	sld [smem:$0x3FFE];
	_ =	sdelay $0x1  }
0x8a: {  	s1 =	srdreg.scid  }
0x8b: {  	s0 =	sand.u32 $0x1, s1  }
0x8c: {  	s17 =	sshll.u32 s0, $0xA;
	s2 =	sadd.s32 s3, s2  }
0x8d: {  	s2 =	sadd.s32 s2, s17  }
0x8e: {  	[smem:$0x3FC2] =	sst s2  }
0x8f: {  	_ = 	snop  }
0x90: {  	s2 =	sld [smem:$0x3FC9];
	(tm) =	ssettm $0x1  }
0x91: {  	s18 =	sld [smem:$0x3FFB];
	_ =	sdelay $0x3  }
0x92: {  	_ =	strace s18  }
0x93: {  	s3 =	sld [smem:$0x3FFC];
	_ =	sdelay $0x3  }
0x94: {  	_ =	strace s3  }
0x95: {  	s3 =	sld [smem:$0x3FFD];
	_ =	sdelay $0x3  }
0x96: {  	_ =	strace s3  }
0x97: {  	_ =	strace $0x8FFFFFFF  }
0x98: {  	s19 =	sld [smem:$0x3FDB];
	_ =	sdelay $0x1  }
0x99: {  	s4 =	simm.s32 $_scs_section_size  }
0x9a: {  	s5 =	simm.s32 $_size__tile_overlayer_lowered;
	s6 =	simm.s32 $_tile_overlayer_lowered  }
0x9b: {  	s22 =	simm.s32 $0x1BFF;
	s21 =	sshll.u32 s6, $0x1;
	s3 =	sadd.s32 s4, s19  }
0x9c: {  	s7 =	simm.s32 $0x0;
	s20 =	sshll.u32 s5, $0x1;
	s5 =	sadd.s32 s21, s3  }
0x9d: {  	[timem:s7], [sflag:s22] =	dma.local [hbm:s5], s20  }
0x9e: {  	_ =	swait.ge [sflag:s22], s20  }
0x9f: {  	s4 =	ssub.s32 $0x0, s20;
	[sflag:s22] =	ssyncset.done $0x0  }
0xa0: {  	[sflag:s22] =	ssyncadd.s32 s4;
	_ =	sdelay $0x1  }
0xa1: {  	s23 =	simm.s32 $0x1B8B  }
0xa2: {  	_ =	swait.ge [sflag:s23], $0x1  }
0xa3: {  	[sflag:s23] =	ssyncset.done $0x0  }
0xa4: {  	s25 =	simm.s32 $0x1B8E;
	s24 =	sld [smem:$0x3FFE];
	[sflag:s23] =	ssyncadd.s32 $0xFFFFFFFF  }
0xa5: {  	s26 =	simm.s32 $execute0_lowered;
	[smem:$0x3FD2] =	sst s25  }
0xa6: {  	s5 =	sshll.u32 s26, $0x1;
	_ =	strace $0x80000046;
	[dreg:$0x1] =	wrdreg $0xFFFFFFFF  }
0xa7: {  	s28 =	simm.s32 $_size_execute0_lowered;
	s3 =	sadd.s32 s3, s5;
	[dreg:$0x0] =	wrdreg $0x0  }
0xa8: {  	s5 =	sshll.u32 s28, $0x1;
	[dreg:$0x2] =	wrdreg s3  }
0xa9: {  	[dreg:$0x3] =	wrdreg s5  }
0xaa: {  	[dreg:$0x4] =	wrdreg $0xC0  }
0xab: {  	_ =	task [dreg:s7], $0x5FFFF  }
0xac: {  	[dreg:$0x1] =	wrdreg $0xFFFFFFFF  }
0xad: {  	[dreg:$0x0] =	wrdreg $0x60  }
0xae: {  	[dreg:$0x2] =	wrdreg s2  }
0xaf: {  	[dreg:$0x3] =	wrdreg s24  }
0xb0: {  	[dreg:$0x4] =	wrdreg $0x9  }
0xb1: {  	_ =	task.clear_ibuf [dreg:s7], $0x5FFFF;
	_ =	strace $0x90000046  }
0xb2: {  	s29 =	simm.s32 $0x9;
	_ =	strace $0x80000048  }
0xb3: {  	_ =	swait.ge [sflag:s29], $0x1  }
0xb4: {  	[sflag:s29] =	ssyncadd.s32 $0xFFFFFFFF  }
0xb5: {  	_ =	strace $0x90000048  }
0xb6: {  	_ =	sfence  }
0xb7: {  	s30 =	sld [smem:$0x0];
	_ =	sdelay $0x2  }
0xb8: {  	s31 =	sshll.u32 s1, $0xD;
	s1 =	sshrl.u32 s1, $0x2  }
0xb9: {  	s3 =	sand.u32 $0x4000, s31;
	s1 =	sadd.s32 s1, s30  }
0xba: {  	s0 =	sor.u32 s3, s0;
	s1 =	sshll.u32 s1, $0x11  }
0xbb: {  	s0 =	sor.u32 s1, s0  }
0xbc: {  	s0 =	sadd.s32 $0x8F2B, s0  }
0xbd: {  	[sflag:s0] =	ssyncadd.remote.s32 $0x1  }
0xbe: {  	_ =	sfence.sel $0xFFFF  }
0xbf: {  	[dreg:$0x0] =	wrdreg $0xFFFFFFFF;
	(pc) =	sbr.abs _section_cstart, $3  }
0xc0: {  	[dreg:$0x1] =	wrdreg $0xFFFFFFFF  }
0xc1: {  	_ =	task.clear_ibuf [dreg:s7], $0x2FFFF;
	_ =	strace $0x9FFFFFFF  }
0xc2: {  	(tm) =	ssettm $0x7FFFFFFF  }
0xc3: {  	_ =	shalt  }
tec
execute0_lowered:
.L_overlay_start_1:
0x0: {  	(tag) =	ssettag $0x1  }
0x1: {  	s1 =	srdreg.scid;
	s0 =	stileid.u32  }
0x2: {  	s4 =	rddreg [dreg:$0x0];
	s5 =	sand.u32 $0x1, s1;
	s2 =	sshll.u32 s0, $0x1  }
0x3: {  	s1 =	rddreg [dreg:$0x1];
	s3 =	sor.u32 s5, s2;
	s2 =	simm.s32 $0x0  }
0x4: {  	s12 =	simm.s32 $0x80;
	[smem:$0x7FF] =	sst s2  }
0x5: {  	s13 =	simm.s32 $0x100;
	_ =	strace $0x80000047;
	[dreg:$0xa] =	wrdreg s12  }
0x6: {  	s14 =	simm.s32 $0x180;
	[dreg:$0xb] =	wrdreg s13  }
0x7: {  	s15 =	simm.s32 $0xA00;
	[dreg:$0xc] =	wrdreg s14  }
0x8: {  	s16 =	simm.s32 $0x1200;
	[dreg:$0xd] =	wrdreg s15  }
0x9: {  	s17 =	simm.s32 $0x1A00;
	[dreg:$0xe] =	wrdreg s16  }
0xa: {  	s18 =	simm.s32 $0x2200;
	[dreg:$0xf] =	wrdreg s17  }
0xb: {  	s19 =	simm.s32 $0x2A00;
	[dreg:$0x10] =	wrdreg s18  }
0xc: {  	s20 =	simm.s32 $0x3200;
	[dreg:$0x11] =	wrdreg s19  }
0xd: {  	s21 =	simm.s32 $0x3A00;
	[dreg:$0x12] =	wrdreg s20  }
0xe: {  	s22 =	simm.s32 $0x4200;
	[dreg:$0x13] =	wrdreg s21  }
0xf: {  	s23 =	simm.s32 $0x4A00;
	s24 =	simm.s32 $0x5200;
	[dreg:$0x14] =	wrdreg s22  }
0x10: {  	s25 =	simm.s32 $0x5A00;
	s28 =	simm.s32 $0x17A00;
	[dreg:$0x15] =	wrdreg s23  }
0x11: {  	s29 =	simm.s32 $0x5;
	s30 =	simm.s32 $0x6;
	[dreg:$0x16] =	wrdreg s24  }
0x12: {  	s31 =	simm.s32 $0x7;
	[dreg:$0x17] =	wrdreg s25;
	s12 =	simm.s32 $0xAA00  }
0x13: {  	s5 =	ssub.s32 $0x2, s5;
	s13 =	simm.s32 $0xB200;
	[smem:$0x7F0] =	sst s12  }
0x14: {  	s6 =	sshll.u32 s3, $0x4;
	s15 =	simm.s32 $0xBA00;
	[smem:$0x7F1] =	sst s13  }
0x15: {  	s8 =	smul.u32 $0x3000, s3;
	s16 =	simm.s32 $0xCA00;
	[smem:$0x7F2] =	sst s15  }
0x16: {  	s9 =	smul.u32 $0x18000, s3;
	s17 =	simm.s32 $0xD200;
	[smem:$0x7F3] =	sst s16  }
0x17: {  	s6 =	sadd.s32 s6, s1;
	s18 =	simm.s32 $0xDA00;
	[smem:$0x7F4] =	sst s17  }
0x18: {  	s14 =	sshrl.u32 s5, $0x1;
	s19 =	simm.s32 $0xE200;
	[smem:$0x7F5] =	sst s18  }
0x19: {  	s20 =	simm.s32 $0xEA00;
	s21 =	simm.s32 $0xF200;
	[smem:$0x7F6] =	sst s19  }
0x1a: {  	s22 =	simm.s32 $0xFA00;
	s23 =	simm.s32 $0x10200;
	[smem:$0x7F7] =	sst s20  }
0x1b: {  	s24 =	simm.s32 $0x10A00;
	s25 =	simm.s32 $0x11200;
	[smem:$0x7F8] =	sst s21  }
0x1c: {  	s7 =	sadd.s32 $0x1600, s6;
	s26 =	sadd.s32 $0x1604, s6;
	[smem:$0x7F9] =	sst s22  }
0x1d: {  	s0 =	sadd.s32 $0x1608, s6;
	s6 =	sadd.s32 $0x160C, s6;
	[smem:$0x7FA] =	sst s23  }
0x1e: {  	s3 =	sadd.s32 s4, s8;
	s9 =	sshrl.u32 s9, $0x3;
	[smem:$0x7FB] =	sst s24  }
0x1f: {  	s8 =	simm.s32 $0x8A00;
	s12 =	simm.s32 $0x12200;
	[smem:$0x7FC] =	sst s25  }
0x20: {  	s13 =	simm.s32 $0x1;
	s15 =	simm.s32 $0x3;
	[dreg:$0x3] =	wrdreg s7  }
0x21: {  	s16 =	simm.s32 $0x4;
	s18 =	simm.s32 $0x13200;
	[dreg:$0x4] =	wrdreg s26  }
0x22: {  	s19 =	simm.s32 $0x13A00;
	s20 =	simm.s32 $0x14200;
	[dreg:$0x5] =	wrdreg s0  }
0x23: {  	s21 =	simm.s32 $0x14A00;
	s22 =	simm.s32 $0x15200;
	[dreg:$0x6] =	wrdreg s6  }
0x24: {  	s23 =	simm.s32 $0x15A00;
	s10 =	sadd.s32 $0xC00, s3;
	[dreg:$0x1c] =	wrdreg s8  }
0x25: {  	s24 =	simm.s32 $0x16200;
	s26 =	simm.s32 $0x6A00;
	[dreg:$0x7] =	wrdreg s10  }
0x26: {  	s25 =	simm.s32 $0x16A00;
	s0 =	simm.s32 $0x7200;
	[dreg:$0x18] =	wrdreg s26  }
0x27: {  	s4 =	sadd.s32 s4, s9;
	s6 =	simm.s32 $0x7A00;
	[dreg:$0x19] =	wrdreg s0  }
0x28: {  	s7 =	simm.s32 $0x8200;
	s9 =	simm.s32 $0x9200;
	[dreg:$0x1a] =	wrdreg s6  }
0x29: {  	s8 =	simm.s32 $0x9;
	s11 =	sadd.s32 $0x1800, s4;
	[dreg:$0x1b] =	wrdreg s7  }
0x2a: {  	s4 =	sadd.s32 $0x2400, s4;
	[dreg:$0x1d] =	wrdreg s9;
	s10 =	simm.s32 $0x9A00  }
0x2b: {  	s7 =	ssub.s32 s5, s14;
	s5 =	sadd.s32 $0x1900, s1;
	[dreg:$0x8] =	wrdreg s11  }
0x2c: {  	s6 =	sadd.s32 $0x1A00, s1;
	s9 =	simm.s32 $0x200;
	[dreg:$0x9] =	wrdreg s4  }
0x2d: {  	s14 =	simm.s32 $0x2;
	s26 =	simm.s32 $0x11A00;
	[dreg:$0x1e] =	wrdreg s10  }
0x2e: {  	v2 =	vlaneseq.u32;
	s11 =	simm.s32 $0xA200;
	s4 =	sadd.s32 $0x1800, s1;
	s7 =	smax.u32 s7, $0x1  }
0x2f: {  	vm0 =	vmmov $0xffff;
	v1 =	vshrl.u32 v2, $0x3;
	s10 =	simm.s32 $0x6200;
	[smem:$0x7FD] =	sst s26;
	s26 =	simm.s32 $0x17200  }
0x30: {  	v0 =	vand.u32 $0x7, v2;
	v2 =	vor.u32 $0x8, v2;
	v1 =	vmul.u32 $0x8, v1;
	s1 =	simm.s32 $0x8;
	[dreg:$0x1f] =	wrdreg s11;
	s11 =	simm.s32 $0xC200  }
.LBB2_1:
0x31: {  	s0 =	rddreg [dreg:$0x3]  }
0x32: {  	[tilespmem:s2], [sflag:$0x9] =	stream.linear.gather [hbm4b:s0+s2], $0x20, $0x38;
	[tilespmem:$0x18200] =	vst v63  }
0x33: {  	_ =	swait.ge [sflag:s8], $0x20  }
0x34: {  	s0 =	rddreg [dreg:$0x4];
	[sflag:s8] =	ssyncset.done $0x0  }
0x35: {  	s17 =	rddreg [dreg:$0xa];
	[sflag:s8] =	ssyncadd.s32 $0xFFFFFFE0  }
0x36: {  	[tilespmem:s17], [sflag:$0x9] =	stream.linear.gather [hbm4b:s0+s2], $0x20, $0x38;
	[tilespmem:$0x18200] =	vst v63  }
0x37: {  	_ =	swait.ge [sflag:s8], $0x20  }
0x38: {  	s0 =	rddreg [dreg:$0x5];
	[sflag:s8] =	ssyncset.done $0x0  }
0x39: {  	s17 =	rddreg [dreg:$0xb];
	[sflag:s8] =	ssyncadd.s32 $0xFFFFFFE0  }
0x3a: {  	[tilespmem:s17], [sflag:$0x9] =	stream.linear.gather [hbm4b:s0+s2], $0x20, $0x38;
	[tilespmem:$0x18200] =	vst v63  }
0x3b: {  	_ =	swait.ge [sflag:s8], $0x20  }
0x3c: {  	s0 =	rddreg [dreg:$0x6];
	[sflag:s8] =	ssyncset.done $0x0  }
0x3d: {  	s17 =	rddreg [dreg:$0xc];
	[sflag:s8] =	ssyncadd.s32 $0xFFFFFFE0  }
0x3e: {  	[tilespmem:s17], [sflag:$0x9] =	stream.linear.gather [hbm4b:s0+s2], $0x20, $0x38;
	[tilespmem:$0x18200] =	vst v63  }
0x3f: {  	_ =	swait.ge [sflag:s8], $0x20  }
0x40: {  	[sflag:s8] =	ssyncset.done $0x0  }
0x41: {  	[sflag:s8] =	ssyncadd.s32 $0xFFFFFFE0  }
0x42: {  	[tilespmem:s9], [sflag:$0x1] =	stream.linear.gather [hbm4b:s3+s2], $0x6000, $0x38;
	[tilespmem:$0x18200] =	vst v63  }
0x43: {  	s0 =	rddreg [dreg:$0x7]  }
0x44: {  	[tilespmem:s10], [sflag:$0x2] =	stream.linear.gather [hbm4b:s0+s2], $0x6000, $0x38;
	[tilespmem:$0x18200] =	vst v63  }
0x45: {  	s17 =	rddreg [dreg:$0x8]  }
0x46: {  	[tilespmem:s11], [sflag:$0x3] =	stream.linear.gather [hbm4b:s17+s2], $0x6000, $0x38;
	[tilespmem:$0x18200] =	vst v63  }
0x47: {  	s0 =	rddreg [dreg:$0x9]  }
0x48: {  	[tilespmem:s12], [sflag:$0x4] =	stream.linear.gather [hbm4b:s0+s2], $0x6000, $0x38;
	[tilespmem:$0x18200] =	vst v63  }
0x49: {  	_ =	swait.ge [sflag:s13], $0x6000  }
0x4a: {  	[sflag:s13] =	ssyncset.done $0x0  }
0x4b: {  	[sflag:s13] =	ssyncadd.s32 $0xFFFFA000  }
0x4c: {  	v3 =	vld [tilespmem:$0x0];
	_ =	sdelay $0x4  }
0x4d: {  	v4 =	vshrl.u32 v3, $0x3  }
0x4e: {  	v4 =	vmul.u32 $0x30, v4  }
0x4f: {  	v3 =	vand.u32 $0x7, v3  }
0x50: {  	v3 =	vor.u32 v3, v4  }
0x51: {  	v4 =	vperm.xlane v3, v0;
	_ =	sdelay $0x1  }
0x52: {  	v4 =	vadd.s32 v1, v4;
	_ =	sdelay $0x3  }
0x53: {  	v3 =	vperm.xlane v3, v2  }
0x54: {  	[hbm4b:s4+s2] =	stream.indirect_vreg.scatter [tilespmem:s9], [sflag:$0x5], $0x80, v4, vm0, $0xb8;
	[tilespmem:$0x18200] =	vst v63  }
0x55: {  	s0 =	rddreg [dreg:$0xd];
	v3 =	vadd.s32 v1, v3  }
0x56: {  	[hbm4b:s5+s2] =	stream.indirect_vreg.scatter [tilespmem:s0], [sflag:$0x5], $0x80, v4, vm0, $0xb8;
	[tilespmem:$0x18200] =	vst v63  }
0x57: {  	s17 =	rddreg [dreg:$0xe]  }
0x58: {  	[hbm4b:s6+s2] =	stream.indirect_vreg.scatter [tilespmem:s17], [sflag:$0x5], $0x80, v4, vm0, $0xb8;
	[tilespmem:$0x18200] =	vst v63  }
0x59: {  	s0 =	rddreg [dreg:$0xf]  }
0x5a: {  	[hbm4b:s4+s2] =	stream.indirect_vreg.scatter [tilespmem:s0], [sflag:$0x5], $0x80, v3, vm0, $0xb8;
	[tilespmem:$0x18200] =	vst v63  }
0x5b: {  	s17 =	rddreg [dreg:$0x10]  }
0x5c: {  	[hbm4b:s5+s2] =	stream.indirect_vreg.scatter [tilespmem:s17], [sflag:$0x5], $0x80, v3, vm0, $0xb8;
	[tilespmem:$0x18200] =	vst v63  }
0x5d: {  	s0 =	rddreg [dreg:$0x11]  }
0x5e: {  	[hbm4b:s6+s2] =	stream.indirect_vreg.scatter [tilespmem:s0], [sflag:$0x5], $0x80, v3, vm0, $0xb8;
	[tilespmem:$0x18200] =	vst v63  }
0x5f: {  	v3 =	vld [tilespmem:$0x10];
	_ =	sdelay $0x4  }
0x60: {  	v57 =	vshrl.u32 v3, $0x3  }
0x61: {  	v4 =	vmul.u32 $0x30, v57  }
0x62: {  	v3 =	vand.u32 $0x7, v3  }
0x63: {  	v3 =	vor.u32 v3, v4  }
0x64: {  	v4 =	vperm.xlane v3, v0;
	_ =	sdelay $0x1  }
0x65: {  	v4 =	vadd.s32 v1, v4;
	_ =	sdelay $0x3  }
0x66: {  	s0 =	rddreg [dreg:$0x12];
	v3 =	vperm.xlane v3, v2  }
0x67: {  	[hbm4b:s4+s2] =	stream.indirect_vreg.scatter [tilespmem:s0], [sflag:$0x5], $0x80, v4, vm0, $0xb8;
	[tilespmem:$0x18200] =	vst v63  }
0x68: {  	s17 =	rddreg [dreg:$0x13];
	v3 =	vadd.s32 v1, v3  }
0x69: {  	[hbm4b:s5+s2] =	stream.indirect_vreg.scatter [tilespmem:s17], [sflag:$0x5], $0x80, v4, vm0, $0xb8;
	[tilespmem:$0x18200] =	vst v63  }
0x6a: {  	s0 =	rddreg [dreg:$0x14]  }
0x6b: {  	[hbm4b:s6+s2] =	stream.indirect_vreg.scatter [tilespmem:s0], [sflag:$0x5], $0x80, v4, vm0, $0xb8;
	[tilespmem:$0x18200] =	vst v63  }
0x6c: {  	s17 =	rddreg [dreg:$0x15]  }
0x6d: {  	[hbm4b:s4+s2] =	stream.indirect_vreg.scatter [tilespmem:s17], [sflag:$0x5], $0x80, v3, vm0, $0xb8;
	[tilespmem:$0x18200] =	vst v63  }
0x6e: {  	s0 =	rddreg [dreg:$0x16]  }
0x6f: {  	[hbm4b:s5+s2] =	stream.indirect_vreg.scatter [tilespmem:s0], [sflag:$0x5], $0x80, v3, vm0, $0xb8;
	[tilespmem:$0x18200] =	vst v63  }
0x70: {  	s17 =	rddreg [dreg:$0x17]  }
0x71: {  	[hbm4b:s6+s2] =	stream.indirect_vreg.scatter [tilespmem:s17], [sflag:$0x5], $0x80, v3, vm0, $0xb8;
	[tilespmem:$0x18200] =	vst v63  }
0x72: {  	_ =	swait.ge [sflag:s14], $0x6000  }
0x73: {  	[sflag:s14] =	ssyncset.done $0x0  }
0x74: {  	[sflag:s14] =	ssyncadd.s32 $0xFFFFA000  }
0x75: {  	v3 =	vld [tilespmem:$0x80];
	_ =	sdelay $0x4  }
0x76: {  	v58 =	vshrl.u32 v3, $0x3  }
0x77: {  	v4 =	vmul.u32 $0x30, v58  }
0x78: {  	v3 =	vand.u32 $0x7, v3  }
0x79: {  	v3 =	vor.u32 v3, v4  }
0x7a: {  	v4 =	vperm.xlane v3, v0;
	_ =	sdelay $0x1  }
0x7b: {  	v4 =	vadd.s32 v1, v4;
	_ =	sdelay $0x3  }
0x7c: {  	v3 =	vperm.xlane v3, v2  }
0x7d: {  	[hbm4b:s4+s2] =	stream.indirect_vreg.scatter [tilespmem:s10], [sflag:$0x6], $0x80, v4, vm0, $0xb8;
	[tilespmem:$0x18200] =	vst v63  }
0x7e: {  	s0 =	rddreg [dreg:$0x18];
	v3 =	vadd.s32 v1, v3  }
0x7f: {  	[hbm4b:s5+s2] =	stream.indirect_vreg.scatter [tilespmem:s0], [sflag:$0x6], $0x80, v4, vm0, $0xb8;
	[tilespmem:$0x18200] =	vst v63  }
0x80: {  	s17 =	rddreg [dreg:$0x19]  }
0x81: {  	[hbm4b:s6+s2] =	stream.indirect_vreg.scatter [tilespmem:s17], [sflag:$0x6], $0x80, v4, vm0, $0xb8;
	[tilespmem:$0x18200] =	vst v63  }
0x82: {  	s0 =	rddreg [dreg:$0x1a]  }
0x83: {  	[hbm4b:s4+s2] =	stream.indirect_vreg.scatter [tilespmem:s0], [sflag:$0x6], $0x80, v3, vm0, $0xb8;
	[tilespmem:$0x18200] =	vst v63  }
0x84: {  	s17 =	rddreg [dreg:$0x1b]  }
0x85: {  	[hbm4b:s5+s2] =	stream.indirect_vreg.scatter [tilespmem:s17], [sflag:$0x6], $0x80, v3, vm0, $0xb8;
	[tilespmem:$0x18200] =	vst v63  }
0x86: {  	s0 =	rddreg [dreg:$0x1c]  }
0x87: {  	[hbm4b:s6+s2] =	stream.indirect_vreg.scatter [tilespmem:s0], [sflag:$0x6], $0x80, v3, vm0, $0xb8;
	[tilespmem:$0x18200] =	vst v63  }
0x88: {  	v3 =	vld [tilespmem:$0x90];
	_ =	sdelay $0x4  }
0x89: {  	v59 =	vshrl.u32 v3, $0x3  }
0x8a: {  	v4 =	vmul.u32 $0x30, v59  }
0x8b: {  	v3 =	vand.u32 $0x7, v3  }
0x8c: {  	v3 =	vor.u32 v3, v4  }
0x8d: {  	v4 =	vperm.xlane v3, v0;
	_ =	sdelay $0x1  }
0x8e: {  	v4 =	vadd.s32 v1, v4;
	_ =	sdelay $0x2  }
0x8f: {  	s17 =	rddreg [dreg:$0x1e]  }
0x90: {  	s0 =	rddreg [dreg:$0x1d];
	v3 =	vperm.xlane v3, v2  }
0x91: {  	[hbm4b:s4+s2] =	stream.indirect_vreg.scatter [tilespmem:s0], [sflag:$0x6], $0x80, v4, vm0, $0xb8;
	[tilespmem:$0x18200] =	vst v63  }
0x92: {  	v3 =	vadd.s32 v1, v3;
	s0 =	rddreg [dreg:$0x1f]  }
0x93: {  	[hbm4b:s5+s2] =	stream.indirect_vreg.scatter [tilespmem:s17], [sflag:$0x6], $0x80, v4, vm0, $0xb8;
	[tilespmem:$0x18200] =	vst v63  }
0x94: {  	s17 =	sld [smem:$0x7F0]  }
0x95: {  	[hbm4b:s6+s2] =	stream.indirect_vreg.scatter [tilespmem:s0], [sflag:$0x6], $0x80, v4, vm0, $0xb8;
	[tilespmem:$0x18200] =	vst v63  }
0x96: {  	s0 =	sld [smem:$0x7F1]  }
0x97: {  	[hbm4b:s4+s2] =	stream.indirect_vreg.scatter [tilespmem:s17], [sflag:$0x6], $0x80, v3, vm0, $0xb8;
	[tilespmem:$0x18200] =	vst v63  }
0x98: {  	s17 =	sld [smem:$0x7F2]  }
0x99: {  	[hbm4b:s5+s2] =	stream.indirect_vreg.scatter [tilespmem:s0], [sflag:$0x6], $0x80, v3, vm0, $0xb8;
	[tilespmem:$0x18200] =	vst v63  }
0x9a: {  	_ = 	snop  }
0x9b: {  	[hbm4b:s6+s2] =	stream.indirect_vreg.scatter [tilespmem:s17], [sflag:$0x6], $0x80, v3, vm0, $0xb8;
	[tilespmem:$0x18200] =	vst v63  }
0x9c: {  	_ =	swait.ge [sflag:s15], $0x6000  }
0x9d: {  	[sflag:s15] =	ssyncset.done $0x0  }
0x9e: {  	[sflag:s15] =	ssyncadd.s32 $0xFFFFA000  }
0x9f: {  	v3 =	vld [tilespmem:$0x100];
	_ =	sdelay $0x4  }
0xa0: {  	v60 =	vshrl.u32 v3, $0x3  }
0xa1: {  	v4 =	vmul.u32 $0x30, v60  }
0xa2: {  	v3 =	vand.u32 $0x7, v3  }
0xa3: {  	v3 =	vor.u32 v3, v4  }
0xa4: {  	v4 =	vperm.xlane v3, v0;
	_ =	sdelay $0x1  }
0xa5: {  	v4 =	vadd.s32 v1, v4;
	_ =	sdelay $0x3  }
0xa6: {  	s0 =	sld [smem:$0x7F3];
	v3 =	vperm.xlane v3, v2  }
0xa7: {  	[hbm4b:s4+s2] =	stream.indirect_vreg.scatter [tilespmem:s11], [sflag:$0x7], $0x80, v4, vm0, $0xb8;
	[tilespmem:$0x18200] =	vst v63  }
0xa8: {  	s17 =	sld [smem:$0x7F4];
	v3 =	vadd.s32 v1, v3  }
0xa9: {  	[hbm4b:s5+s2] =	stream.indirect_vreg.scatter [tilespmem:s0], [sflag:$0x7], $0x80, v4, vm0, $0xb8;
	[tilespmem:$0x18200] =	vst v63  }
0xaa: {  	s0 =	sld [smem:$0x7F5]  }
0xab: {  	[hbm4b:s6+s2] =	stream.indirect_vreg.scatter [tilespmem:s17], [sflag:$0x7], $0x80, v4, vm0, $0xb8;
	[tilespmem:$0x18200] =	vst v63  }
0xac: {  	s17 =	sld [smem:$0x7F6]  }
0xad: {  	[hbm4b:s4+s2] =	stream.indirect_vreg.scatter [tilespmem:s0], [sflag:$0x7], $0x80, v3, vm0, $0xb8;
	[tilespmem:$0x18200] =	vst v63  }
0xae: {  	s0 =	sld [smem:$0x7F7]  }
0xaf: {  	[hbm4b:s5+s2] =	stream.indirect_vreg.scatter [tilespmem:s17], [sflag:$0x7], $0x80, v3, vm0, $0xb8;
	[tilespmem:$0x18200] =	vst v63  }
0xb0: {  	_ = 	snop  }
0xb1: {  	[hbm4b:s6+s2] =	stream.indirect_vreg.scatter [tilespmem:s0], [sflag:$0x7], $0x80, v3, vm0, $0xb8;
	[tilespmem:$0x18200] =	vst v63  }
0xb2: {  	v3 =	vld [tilespmem:$0x110];
	_ =	sdelay $0x4  }
0xb3: {  	v61 =	vshrl.u32 v3, $0x3  }
0xb4: {  	v4 =	vmul.u32 $0x30, v61  }
0xb5: {  	v3 =	vand.u32 $0x7, v3  }
0xb6: {  	v3 =	vor.u32 v3, v4  }
0xb7: {  	v4 =	vperm.xlane v3, v0;
	_ =	sdelay $0x1  }
0xb8: {  	v4 =	vadd.s32 v1, v4;
	_ =	sdelay $0x1  }
0xb9: {  	s0 =	sld [smem:$0x7F8];
	_ =	sdelay $0x1  }
0xba: {  	s17 =	sld [smem:$0x7F9];
	v3 =	vperm.xlane v3, v2  }
0xbb: {  	[hbm4b:s4+s2] =	stream.indirect_vreg.scatter [tilespmem:s0], [sflag:$0x7], $0x80, v4, vm0, $0xb8;
	[tilespmem:$0x18200] =	vst v63  }
0xbc: {  	v3 =	vadd.s32 v1, v3;
	s0 =	sld [smem:$0x7FA]  }
0xbd: {  	[hbm4b:s5+s2] =	stream.indirect_vreg.scatter [tilespmem:s17], [sflag:$0x7], $0x80, v4, vm0, $0xb8;
	[tilespmem:$0x18200] =	vst v63  }
0xbe: {  	s17 =	sld [smem:$0x7FB]  }
0xbf: {  	[hbm4b:s6+s2] =	stream.indirect_vreg.scatter [tilespmem:s0], [sflag:$0x7], $0x80, v4, vm0, $0xb8;
	[tilespmem:$0x18200] =	vst v63  }
0xc0: {  	s0 =	sld [smem:$0x7FC]  }
0xc1: {  	[hbm4b:s4+s2] =	stream.indirect_vreg.scatter [tilespmem:s17], [sflag:$0x7], $0x80, v3, vm0, $0xb8;
	[tilespmem:$0x18200] =	vst v63  }
0xc2: {  	s17 =	sld [smem:$0x7FD]  }
0xc3: {  	[hbm4b:s5+s2] =	stream.indirect_vreg.scatter [tilespmem:s0], [sflag:$0x7], $0x80, v3, vm0, $0xb8;
	[tilespmem:$0x18200] =	vst v63  }
0xc4: {  	_ = 	snop  }
0xc5: {  	[hbm4b:s6+s2] =	stream.indirect_vreg.scatter [tilespmem:s17], [sflag:$0x7], $0x80, v3, vm0, $0xb8;
	[tilespmem:$0x18200] =	vst v63  }
0xc6: {  	_ =	swait.ge [sflag:s16], $0x6000  }
0xc7: {  	[sflag:s16] =	ssyncset.done $0x0  }
0xc8: {  	[sflag:s16] =	ssyncadd.s32 $0xFFFFA000  }
0xc9: {  	v3 =	vld [tilespmem:$0x180];
	_ =	sdelay $0x4  }
0xca: {  	v62 =	vshrl.u32 v3, $0x3  }
0xcb: {  	v4 =	vmul.u32 $0x30, v62  }
0xcc: {  	v3 =	vand.u32 $0x7, v3  }
0xcd: {  	v3 =	vor.u32 v3, v4  }
0xce: {  	v4 =	vperm.xlane v3, v0;
	_ =	sdelay $0x1  }
0xcf: {  	v4 =	vadd.s32 v1, v4;
	_ =	sdelay $0x3  }
0xd0: {  	v3 =	vperm.xlane v3, v2  }
0xd1: {  	[hbm4b:s4+s2] =	stream.indirect_vreg.scatter [tilespmem:s12], [sflag:$0x8], $0x80, v4, vm0, $0xb8;
	[tilespmem:$0x18200] =	vst v63  }
0xd2: {  	s17 =	simm.s32 $0x12A00;
	v3 =	vadd.s32 v1, v3  }
0xd3: {  	[hbm4b:s5+s2] =	stream.indirect_vreg.scatter [tilespmem:s17], [sflag:$0x8], $0x80, v4, vm0, $0xb8;
	[tilespmem:$0x18200] =	vst v63  }
0xd4: {  	_ = 	snop  }
0xd5: {  	[hbm4b:s6+s2] =	stream.indirect_vreg.scatter [tilespmem:s18], [sflag:$0x8], $0x80, v4, vm0, $0xb8;
	[tilespmem:$0x18200] =	vst v63  }
0xd6: {  	_ = 	snop  }
0xd7: {  	[hbm4b:s4+s2] =	stream.indirect_vreg.scatter [tilespmem:s19], [sflag:$0x8], $0x80, v3, vm0, $0xb8;
	[tilespmem:$0x18200] =	vst v63  }
0xd8: {  	_ = 	snop  }
0xd9: {  	[hbm4b:s5+s2] =	stream.indirect_vreg.scatter [tilespmem:s20], [sflag:$0x8], $0x80, v3, vm0, $0xb8;
	[tilespmem:$0x18200] =	vst v63  }
0xda: {  	_ = 	snop  }
0xdb: {  	[hbm4b:s6+s2] =	stream.indirect_vreg.scatter [tilespmem:s21], [sflag:$0x8], $0x80, v3, vm0, $0xb8;
	[tilespmem:$0x18200] =	vst v63  }
0xdc: {  	v3 =	vld [tilespmem:$0x190];
	_ =	sdelay $0x4  }
0xdd: {  	v63 =	vshrl.u32 v3, $0x3  }
0xde: {  	v4 =	vmul.u32 $0x30, v63  }
0xdf: {  	v3 =	vand.u32 $0x7, v3  }
0xe0: {  	v3 =	vor.u32 v3, v4  }
0xe1: {  	v4 =	vperm.xlane v3, v0;
	_ =	sdelay $0x1  }
0xe2: {  	v4 =	vadd.s32 v1, v4;
	_ =	sdelay $0x3  }
0xe3: {  	v3 =	vperm.xlane v3, v2  }
0xe4: {  	[hbm4b:s4+s2] =	stream.indirect_vreg.scatter [tilespmem:s22], [sflag:$0x8], $0x80, v4, vm0, $0xb8;
	[tilespmem:$0x18200] =	vst v63  }
0xe5: {  	v3 =	vadd.s32 v1, v3  }
0xe6: {  	[hbm4b:s5+s2] =	stream.indirect_vreg.scatter [tilespmem:s23], [sflag:$0x8], $0x80, v4, vm0, $0xb8;
	[tilespmem:$0x18200] =	vst v63  }
0xe7: {  	_ = 	snop  }
0xe8: {  	[hbm4b:s6+s2] =	stream.indirect_vreg.scatter [tilespmem:s24], [sflag:$0x8], $0x80, v4, vm0, $0xb8;
	[tilespmem:$0x18200] =	vst v63  }
0xe9: {  	_ = 	snop  }
0xea: {  	[hbm4b:s4+s2] =	stream.indirect_vreg.scatter [tilespmem:s25], [sflag:$0x8], $0x80, v3, vm0, $0xb8;
	[tilespmem:$0x18200] =	vst v63  }
0xeb: {  	_ = 	snop  }
0xec: {  	[hbm4b:s5+s2] =	stream.indirect_vreg.scatter [tilespmem:s26], [sflag:$0x8], $0x80, v3, vm0, $0xb8;
	[tilespmem:$0x18200] =	vst v63  }
0xed: {  	_ = 	snop  }
0xee: {  	[hbm4b:s6+s2] =	stream.indirect_vreg.scatter [tilespmem:s28], [sflag:$0x8], $0x80, v3, vm0, $0xb8;
	[tilespmem:$0x18200] =	vst v63  }
0xef: {  	_ =	swait.ge [sflag:s29], $0x6000  }
0xf0: {  	[sflag:s29] =	ssyncset.done $0x0  }
0xf1: {  	[sflag:s29] =	ssyncadd.s32 $0xFFFFA000  }
0xf2: {  	_ =	swait.ge [sflag:s30], $0x6000  }
0xf3: {  	[sflag:s30] =	ssyncset.done $0x0  }
0xf4: {  	[sflag:s30] =	ssyncadd.s32 $0xFFFFA000  }
0xf5: {  	p0 =	sne.s32 s7, $0x1;
	_ =	swait.ge [sflag:s31], $0x6000  }
.Ltmp0:
0xf6: {  	[sflag:s31] =	ssyncset.done $0x0;
	(pc) =	sbr.rel @p0 .LBB2_1-.Ltmp0, $4  }
0xf7: {  	[sflag:s31] =	ssyncadd.s32 $0xFFFFA000  }
0xf8: {  	_ =	swait.ge [sflag:s1], $0x6000  }
0xf9: {  	[sflag:s1] =	ssyncset.done $0x0  }
0xfa: {  	s7 =	sadd.s32 $0xFFFFFFFF, s7;
	[sflag:s1] =	ssyncadd.s32 $0xFFFFA000  }
0xfb: {  	_ =	sfence.sel $0x180000  }
0xfc: {  	[bflag:$0x0] =	sbarrier.arrive $0xFFFF  }
0xfd: {  	_ =	strace $0x90000047  }
0xfe: {  	s0 =	stileid.u32;
	[bflag:$0x2] =	sbarrier.arrive $0xFFFF  }
0xff: {  	p0 =	sne.s32 s0, $0x0;
	s0 =	rddreg [dreg:$0x2]  }
0x100: {  	s0 =	sadd.s32 @!p0 $0x100000, s0  }
0x101: {  	[sflag:s0] =	ssyncadd.tile.s32 @!p0 $0x1;
	_ =	shalt  }
.Lfunc_end2:
_tile_overlayer_lowered:
.L_overlay_start_2:
0x102: {  	(tag) =	ssettag $0x2  }
0x103: {  	s0 =	rddreg [dreg:$0x0];
	s2 =	stileid.u32  }
0x104: {  	s1 =	rddreg [dreg:$0x1];
	p0 =	sne.s32 s2, $0x0  }
0x105: {  	s3 =	rddreg [dreg:$0x2];
	[bflag:$0x3] =	sbarrier.arrive $0xFFFF;
	s2 =	simm.s32 @!p0 $0x1C09  }
0x106: {  	[timem:s3], [sflag:s2] =	dma.local @!p0 [hbm:s0], s1  }
0x107: {  	s0 =	simm.s32 @!p0 $0x9  }
0x108: {  	_ =	swait.ge @!p0 [sflag:s0], s1  }
0x109: {  	s1 =	ssub.s32 @!p0 $0x0, s1;
	[sflag:s0] =	ssyncset.done @!p0 $0x0  }
0x10a: {  	[sflag:s0] =	ssyncadd.s32 @!p0 s1  }
0x10b: {  	[bflag:$0x3] =	sbarrier.arrive $0xFFFF  }
0x10c: {  	_ =	shalt  }

// kernel: kernel.9.cloned.1.call-start
scs
__scs_entry_jumppad:
0x0: {  	(pc) =	sbr.rel $0x88, $3  }
0x1: {  	(tag) =	ssettag $0x0;
	lr =	simm.s32 $0x1  }
0x2: {  	[smem:$0x3F9B] =	sst lr;
	_ =	strace $0xD0000000  }
0x3: {  	_ = 	snop  }
0x4: {  	_ = 	snop  }
0x5: {  	_ = 	snop  }
0x6: {  	_ = 	snop  }
0x7: {  	_ = 	snop  }
__scs_overlays_trampoline_lowered:
0x8: {  	[smem:$0x3FAA] =	sst s0  }
0x9: {  	[smem:$0x3FAB] =	sst s1  }
0xa: {  	[smem:$0x3FAC] =	sst s2  }
0xb: {  	[smem:$0x3FAD] =	sst s3  }
0xc: {  	[smem:$0x3FAE] =	sst s4  }
0xd: {  	[smem:$0x3FAF] =	sst s5  }
0xe: {  	[smem:$0x3FB0] =	sst s6  }
0xf: {  	[smem:$0x3FB1] =	sst s7  }
0x10: {  	[smem:$0x3FB2] =	sst s8  }
0x11: {  	[smem:$0x3FB3] =	sst s9;
	s0 =	simm.s32 @!p0 $0x0  }
0x12: {  	s1 =	sld [smem:$0x3F99];
	s0 =	simm.s32 @p0 $0x1  }
0x13: {  	[smem:$0x3FB4] =	sst s0;
	s0 =	simm.s32 @!p1 $0x0  }
0x14: {  	s2 =	sld [smem:$0x3F98];
	s0 =	simm.s32 @p1 $0x1  }
0x15: {  	[smem:$0x3FB5] =	sst s0;
	s0 =	simm.s32 @!p2 $0x0  }
0x16: {  	s3 =	sld [smem:$0x3FDB];
	s0 =	simm.s32 @p2 $0x1  }
0x17: {  	s4 =	simm.s32 $0x1BF5;
	[smem:$0x3FB7] =	sst s0  }
0x18: {  	s0 =	sld [smem:$0x3F9A];
	_ =	swait.ge [sflag:s4], $0x0  }
0x19: {  	s7 =	sld [smem:$0x3F9B]  }
0x1a: {  	s8 =	sadd.s32 $0xFFFFE003, lr  }
0x1b: {  	s9 =	sadd.s32 $0xFFFFFEF7, lr;
	s5 =	simm.s32 $0xFFFFFFFF;
	p2 =	slt.u32 s8, $0xFFFFF086  }
0x1c: {  	p1 =	slt.u32 s9, $0xF7A;
	s5 =	simm.s32 @!p2 $0x0  }
0x1d: {  	s5 =	simm.s32 @p1 $0x1;
	p0 =	seq.s32 s7, s2  }
0x1e: {  	s7 =	smul.u32 @!p0 $0xF7A, s2;
	p2 =	seq.s32 @!p0 s5, $0x0  }
0x1f: {  	s9 =	smul.u32 $0xF7A, s1;
	s8 =	simm.s32 @!p0 $0x1BF5;
	p2 =	por !p2, p0  }
0x20: {  	[sflag:s8] =	ssyncset.s32 @!p0 $0xFFFFF086;
	s6 =	sadd.s32 @!p0 s3, s7;
	s7 =	simm.s32 @!p0 $0x108  }
0x21: {  	s3 =	sadd.s32 s3, s9;
	s6 =	sadd.s32 @!p0 $0x88, s6;
	s7 =	simm.s32 @p2 $0x1082  }
0x22: {  	[simem:s7], [sflag:s8] =	dma.local @!p0 [hbm:s6], $0xF7A  }
0x23: {  	s9 =	sor.u32 $0xD0000000, s2;
	s6 =	simm.s32 $0x108;
	_ =	swait.ge @!p0 [sflag:s8], $0x0  }
0x24: {  	s3 =	sadd.s32 $0x88, s3;
	s6 =	simm.s32 @!p1 $0x1082;
	[sflag:s4] =	ssyncset.s32 $0xFFFFF086  }
0x25: {  	[simem:s6], [sflag:s4] =	dma.local [hbm:s3], $0xF7A  }
0x26: {  	[smem:$0x3F9B] =	sst s1;
	(tag) =	ssettag s2;
	_ =	strace s9  }
0x27: {  	s1 =	sld [smem:$0x3FAB]  }
0x28: {  	s2 =	sld [smem:$0x3FAC]  }
0x29: {  	s4 =	sld [smem:$0x3FAE]  }
0x2a: {  	p0 =	seq.s32 s5, $0x0;
	s5 =	sld [smem:$0x3FAF]  }
0x2b: {  	s6 =	sld [smem:$0x3FB0]  }
0x2c: {  	s7 =	sld [smem:$0x3FB1]  }
0x2d: {  	s3 =	simm.s32 $0x108;
	s8 =	sld [smem:$0x3FB2]  }
0x2e: {  	s3 =	simm.s32 @!p0 $0x1082;
	s9 =	sld [smem:$0x3FB3]  }
0x2f: {  	lr =	sadd.s32 s0, s3;
	s0 =	sld [smem:$0x3FAA]  }
0x30: {  	s3 =	sld [smem:$0x3FAD]  }
0x31: {  	[smem:$0x3FB6] =	sst s10  }
0x32: {  	s10 =	sld [smem:$0x3FB4];
	_ =	sdelay $0x3  }
0x33: {  	p0 =	seq.s32 s10, $0x1;
	s10 =	sld [smem:$0x3FB6];
	_ =	sdelay $0x3  }
0x34: {  	[smem:$0x3FB6] =	sst s10  }
0x35: {  	s10 =	sld [smem:$0x3FB5];
	_ =	sdelay $0x3  }
0x36: {  	p1 =	seq.s32 s10, $0x1;
	s10 =	sld [smem:$0x3FB6];
	_ =	sdelay $0x3  }
0x37: {  	[smem:$0x3FB6] =	sst s10  }
0x38: {  	s10 =	sld [smem:$0x3FB7]  }
0x39: {  	_ = 	snop;
	(pc) =	sbr.ind lr, $3  }
0x3a: {  	_ = 	snop  }
0x3b: {  	_ = 	snop  }
0x3c: {  	p2 =	seq.s32 s10, $0x1;
	s10 =	sld [smem:$0x3FB6]  }
0x3d: {  	_ =	shalt  }
0x3e: {  	_ =	shalt  }
0x3f: {  	_ =	shalt  }
0x40: {  	_ =	shalt  }
0x41: {  	_ =	shalt  }
0x42: {  	_ =	shalt  }
0x43: {  	_ =	shalt  }
0x44: {  	_ =	shalt  }
0x45: {  	_ =	shalt  }
0x46: {  	_ =	shalt  }
0x47: {  	_ =	shalt  }
0x48: {  	_ =	shalt  }
0x49: {  	_ =	shalt  }
0x4a: {  	_ =	shalt  }
0x4b: {  	_ =	shalt  }
0x4c: {  	_ =	shalt  }
0x4d: {  	_ =	shalt  }
0x4e: {  	_ =	shalt  }
0x4f: {  	_ =	shalt  }
0x50: {  	_ =	shalt  }
0x51: {  	_ =	shalt  }
0x52: {  	_ =	shalt  }
0x53: {  	_ =	shalt  }
0x54: {  	_ =	shalt  }
0x55: {  	_ =	shalt  }
0x56: {  	_ =	shalt  }
0x57: {  	_ =	shalt  }
0x58: {  	_ =	shalt  }
0x59: {  	_ =	shalt  }
0x5a: {  	_ =	shalt  }
0x5b: {  	_ =	shalt  }
0x5c: {  	_ =	shalt  }
0x5d: {  	_ =	shalt  }
0x5e: {  	_ =	shalt  }
0x5f: {  	_ =	shalt  }
0x60: {  	_ =	shalt  }
0x61: {  	_ =	shalt  }
0x62: {  	_ =	shalt  }
0x63: {  	_ =	shalt  }
0x64: {  	_ =	shalt  }
0x65: {  	_ =	shalt  }
0x66: {  	_ =	shalt  }
0x67: {  	_ =	shalt  }
0x68: {  	_ =	shalt  }
0x69: {  	_ =	shalt  }
0x6a: {  	_ =	shalt  }
0x6b: {  	_ =	shalt  }
0x6c: {  	_ =	shalt  }
0x6d: {  	_ =	shalt  }
0x6e: {  	_ =	shalt  }
0x6f: {  	_ =	shalt  }
0x70: {  	_ =	shalt  }
0x71: {  	_ =	shalt  }
0x72: {  	_ =	shalt  }
0x73: {  	_ =	shalt  }
0x74: {  	_ =	shalt  }
0x75: {  	_ =	shalt  }
0x76: {  	_ =	shalt  }
0x77: {  	_ =	shalt  }
0x78: {  	_ =	shalt  }
0x79: {  	_ =	shalt  }
0x7a: {  	_ =	shalt  }
0x7b: {  	_ =	shalt  }
0x7c: {  	_ =	shalt  }
0x7d: {  	_ =	shalt  }
0x7e: {  	_ =	shalt  }
0x7f: {  	_ =	shalt  }
0x80: {  	_ =	shalt  }
0x81: {  	_ =	shalt  }
0x82: {  	_ =	shalt  }
0x83: {  	_ =	shalt  }
0x84: {  	_ =	shalt  }
0x85: {  	_ =	shalt  }
0x86: {  	_ =	shalt  }
0x87: {  	_ =	shalt  }
.Lfunc_end0:
.L_simem_size_0:
called_computation.1_lowered:
.L_overlay_start_0:
0x88: {  	s2 =	sld [smem:$0x3FD9]  }
0x89: {  	s3 =	sld [smem:$0x3FFE];
	_ =	sdelay $0x1  }
0x8a: {  	s1 =	srdreg.scid  }
0x8b: {  	s0 =	sand.u32 $0x1, s1  }
0x8c: {  	s14 =	sshll.u32 s0, $0xA;
	s2 =	sadd.s32 s3, s2  }
0x8d: {  	s2 =	sadd.s32 s2, s14  }
0x8e: {  	[smem:$0x3FC2] =	sst s2  }
0x8f: {  	_ = 	snop  }
0x90: {  	s2 =	sld [smem:$0x3FD0];
	_ =	sdelay $0x2  }
0x91: {  	s15 =	simm.s32 $0xA;
	s4 =	simm.s32 $0x10  }
0x92: {  	[smem:s4], [sflag:s15] =	dma.local [hbm:s2], $0x1  }
0x93: {  	_ =	swait.eq [sflag:s15], $0x1  }
0x94: {  	[sflag:s15] =	ssyncset.done $0x0  }
0x95: {  	[sflag:s15] =	ssyncadd.s32 $0xFFFFFFFF  }
0x96: {  	s16 =	sld [smem:$0x10];
	(tm) =	ssettm $0x1  }
0x97: {  	s17 =	sld [smem:$0x3FFB];
	_ =	sdelay $0x3  }
0x98: {  	_ =	strace s17  }
0x99: {  	s3 =	sld [smem:$0x3FFC];
	_ =	sdelay $0x3  }
0x9a: {  	_ =	strace s3  }
0x9b: {  	s3 =	sld [smem:$0x3FFD];
	_ =	sdelay $0x3  }
0x9c: {  	_ =	strace s3  }
0x9d: {  	_ =	strace $0x8FFFFFFF  }
0x9e: {  	s18 =	sld [smem:$0x3FDB];
	_ =	sdelay $0x1  }
0x9f: {  	s19 =	simm.s32 $_scs_section_size  }
0xa0: {  	s5 =	simm.s32 $_size__tile_overlayer_lowered;
	s6 =	simm.s32 $_tile_overlayer_lowered  }
0xa1: {  	s22 =	simm.s32 $0x1BFF;
	s21 =	sshll.u32 s6, $0x1;
	s3 =	sadd.s32 s19, s18  }
0xa2: {  	s7 =	simm.s32 $0x0;
	s20 =	sshll.u32 s5, $0x1;
	s5 =	sadd.s32 s21, s3  }
0xa3: {  	[timem:s7], [sflag:s22] =	dma.local [hbm:s5], s20  }
0xa4: {  	_ =	swait.ge [sflag:s22], s20  }
0xa5: {  	s4 =	ssub.s32 $0x0, s20;
	[sflag:s22] =	ssyncset.done $0x0  }
0xa6: {  	[sflag:s22] =	ssyncadd.s32 s4;
	_ =	sdelay $0x1  }
0xa7: {  	s23 =	simm.s32 $0x1B8B  }
0xa8: {  	_ =	swait.ge [sflag:s23], $0x1  }
0xa9: {  	[sflag:s23] =	ssyncset.done $0x0  }
0xaa: {  	s25 =	simm.s32 $0x1B8E;
	s24 =	sld [smem:$0x3FFE];
	[sflag:s23] =	ssyncadd.s32 $0xFFFFFFFF  }
0xab: {  	s26 =	simm.s32 $execute0_lowered;
	[smem:$0x3FD2] =	sst s25  }
0xac: {  	s5 =	sshll.u32 s26, $0x1;
	_ =	strace $0x80000049;
	[dreg:$0x1] =	wrdreg $0xFFFFFFFF  }
0xad: {  	s28 =	simm.s32 $_size_execute0_lowered;
	s3 =	sadd.s32 s3, s5;
	[dreg:$0x0] =	wrdreg $0x0  }
0xae: {  	s5 =	sshll.u32 s28, $0x1;
	[dreg:$0x2] =	wrdreg s3  }
0xaf: {  	[dreg:$0x3] =	wrdreg s5  }
0xb0: {  	[dreg:$0x4] =	wrdreg $0xC0  }
0xb1: {  	_ =	task [dreg:s7], $0x5FFFF  }
0xb2: {  	[dreg:$0x1] =	wrdreg $0xFFFFFFFF  }
0xb3: {  	[dreg:$0x0] =	wrdreg $0x60  }
0xb4: {  	[dreg:$0x2] =	wrdreg s24  }
0xb5: {  	[dreg:$0x3] =	wrdreg s16  }
0xb6: {  	[dreg:$0x4] =	wrdreg $0x9  }
0xb7: {  	_ =	task.clear_ibuf [dreg:s7], $0x5FFFF;
	_ =	strace $0x90000049  }
0xb8: {  	s29 =	simm.s32 $0x9;
	_ =	strace $0x8000004B  }
0xb9: {  	_ =	swait.ge [sflag:s29], $0x1  }
0xba: {  	[sflag:s29] =	ssyncadd.s32 $0xFFFFFFFF  }
0xbb: {  	_ =	strace $0x9000004B  }
0xbc: {  	_ =	sfence  }
0xbd: {  	s30 =	sld [smem:$0x0];
	_ =	sdelay $0x2  }
0xbe: {  	s31 =	sshll.u32 s1, $0xD;
	s1 =	sshrl.u32 s1, $0x2  }
0xbf: {  	s3 =	sand.u32 $0x4000, s31;
	s1 =	sadd.s32 s1, s30  }
0xc0: {  	s0 =	sor.u32 s3, s0;
	s1 =	sshll.u32 s1, $0x11  }
0xc1: {  	s0 =	sor.u32 s1, s0  }
0xc2: {  	s0 =	sadd.s32 $0x8F2B, s0  }
0xc3: {  	[sflag:s0] =	ssyncadd.remote.s32 $0x1  }
0xc4: {  	_ =	sfence.sel $0xFFFF  }
0xc5: {  	[dreg:$0x0] =	wrdreg $0xFFFFFFFF;
	(pc) =	sbr.abs _section_cstart, $3  }
0xc6: {  	[dreg:$0x1] =	wrdreg $0xFFFFFFFF  }
0xc7: {  	_ =	task.clear_ibuf [dreg:s7], $0x2FFFF;
	_ =	strace $0x9FFFFFFF  }
0xc8: {  	(tm) =	ssettm $0x7FFFFFFF  }
0xc9: {  	_ =	shalt  }
tec
execute0_lowered:
.L_overlay_start_1:
0x0: {  	(tag) =	ssettag $0x1  }
0x1: {  	s2 =	srdreg.scid;
	s1 =	rddreg [dreg:$0x0]  }
0x2: {  	s4 =	rddreg [dreg:$0x1];
	s5 =	sand.u32 $0x1, s2;
	s2 =	simm.s32 $0x0  }
0x3: {  	s12 =	simm.s32 $0x80;
	[smem:$0x7FF] =	sst s2  }
0x4: {  	s13 =	simm.s32 $0x100;
	_ =	strace $0x8000004A;
	[dreg:$0xa] =	wrdreg s12  }
0x5: {  	s14 =	simm.s32 $0x180;
	[dreg:$0xb] =	wrdreg s13  }
0x6: {  	s15 =	simm.s32 $0xA00;
	[dreg:$0xc] =	wrdreg s14  }
0x7: {  	s16 =	simm.s32 $0x1200;
	[dreg:$0xd] =	wrdreg s15  }
0x8: {  	s17 =	simm.s32 $0x1A00;
	[dreg:$0xe] =	wrdreg s16  }
0x9: {  	s18 =	simm.s32 $0x2200;
	[dreg:$0xf] =	wrdreg s17  }
0xa: {  	s19 =	simm.s32 $0x2A00;
	[dreg:$0x10] =	wrdreg s18  }
0xb: {  	s20 =	simm.s32 $0x3200;
	[dreg:$0x11] =	wrdreg s19  }
0xc: {  	s21 =	simm.s32 $0x3A00;
	[dreg:$0x12] =	wrdreg s20  }
0xd: {  	s22 =	simm.s32 $0x4200;
	[dreg:$0x13] =	wrdreg s21  }
0xe: {  	s0 =	stileid.u32;
	s23 =	simm.s32 $0x4A00;
	[dreg:$0x14] =	wrdreg s22  }
0xf: {  	s24 =	simm.s32 $0x5200;
	s25 =	sshll.u32 s0, $0x1;
	[dreg:$0x15] =	wrdreg s23  }
0x10: {  	s3 =	sor.u32 s5, s25;
	s25 =	simm.s32 $0x5A00;
	[dreg:$0x16] =	wrdreg s24  }
0x11: {  	[dreg:$0x17] =	wrdreg s25;
	s12 =	simm.s32 $0xAA00  }
0x12: {  	s13 =	simm.s32 $0xB200;
	[smem:$0x7F0] =	sst s12  }
0x13: {  	s14 =	simm.s32 $0xBA00;
	[smem:$0x7F1] =	sst s13  }
0x14: {  	s28 =	simm.s32 $0x4;
	s15 =	simm.s32 $0xCA00;
	[smem:$0x7F2] =	sst s14  }
0x15: {  	s29 =	simm.s32 $0x5;
	s16 =	simm.s32 $0xD200;
	[smem:$0x7F3] =	sst s15  }
0x16: {  	s30 =	simm.s32 $0x6;
	s18 =	simm.s32 $0xDA00;
	[smem:$0x7F4] =	sst s16  }
0x17: {  	s31 =	simm.s32 $0x7;
	s19 =	simm.s32 $0xE200;
	[smem:$0x7F5] =	sst s18  }
0x18: {  	s5 =	ssub.s32 $0x2, s5;
	s20 =	simm.s32 $0xEA00;
	[smem:$0x7F6] =	sst s19  }
0x19: {  	s6 =	sshll.u32 s3, $0x4;
	s21 =	simm.s32 $0xF200;
	[smem:$0x7F7] =	sst s20  }
0x1a: {  	s8 =	smul.u32 $0x3000, s3;
	s22 =	simm.s32 $0xFA00;
	[smem:$0x7F8] =	sst s21  }
0x1b: {  	s9 =	smul.u32 $0x18000, s3;
	s23 =	simm.s32 $0x10200;
	[smem:$0x7F9] =	sst s22  }
0x1c: {  	s17 =	sshrl.u32 s5, $0x1;
	s24 =	simm.s32 $0x10A00;
	[smem:$0x7FA] =	sst s23  }
0x1d: {  	s25 =	simm.s32 $0x11200;
	s6 =	sadd.s32 s6, s1;
	[smem:$0x7FB] =	sst s24  }
0x1e: {  	[smem:$0x7FC] =	sst s25;
	s12 =	simm.s32 $0x12200;
	s14 =	simm.s32 $0x13200  }
0x1f: {  	s15 =	simm.s32 $0x13A00;
	s16 =	simm.s32 $0x14200;
	s18 =	simm.s32 $0x15200  }
0x20: {  	s19 =	simm.s32 $0x15A00;
	s20 =	simm.s32 $0x16200;
	s7 =	sadd.s32 $0x1600, s6  }
0x21: {  	s21 =	simm.s32 $0x16A00;
	s26 =	sadd.s32 $0x1604, s6;
	[dreg:$0x3] =	wrdreg s7  }
0x22: {  	s22 =	simm.s32 $0x17200;
	s0 =	sadd.s32 $0x1608, s6;
	[dreg:$0x4] =	wrdreg s26  }
0x23: {  	s23 =	simm.s32 $0x17A00;
	s6 =	sadd.s32 $0x160C, s6;
	[dreg:$0x5] =	wrdreg s0  }
0x24: {  	s3 =	sadd.s32 s4, s8;
	s8 =	simm.s32 $0x8A00;
	[dreg:$0x6] =	wrdreg s6  }
0x25: {  	s24 =	simm.s32 $0x1;
	s10 =	sadd.s32 $0xC00, s3;
	[dreg:$0x1c] =	wrdreg s8  }
0x26: {  	s25 =	simm.s32 $0x2;
	s26 =	simm.s32 $0x6A00;
	[dreg:$0x7] =	wrdreg s10  }
0x27: {  	s9 =	sshrl.u32 s9, $0x3;
	s0 =	simm.s32 $0x7200;
	[dreg:$0x18] =	wrdreg s26  }
0x28: {  	s4 =	sadd.s32 s4, s9;
	s6 =	simm.s32 $0x7A00;
	[dreg:$0x19] =	wrdreg s0  }
0x29: {  	s7 =	simm.s32 $0x8200;
	s9 =	simm.s32 $0x9200;
	[dreg:$0x1a] =	wrdreg s6  }
0x2a: {  	s8 =	simm.s32 $0x9;
	s11 =	sadd.s32 $0x1800, s4;
	[dreg:$0x1b] =	wrdreg s7  }
0x2b: {  	s4 =	sadd.s32 $0x2400, s4;
	[dreg:$0x1d] =	wrdreg s9;
	s10 =	simm.s32 $0x9A00  }
0x2c: {  	s7 =	ssub.s32 s5, s17;
	s5 =	sadd.s32 $0x1900, s1;
	[dreg:$0x8] =	wrdreg s11  }
0x2d: {  	s6 =	sadd.s32 $0x1A00, s1;
	s9 =	simm.s32 $0x200;
	[dreg:$0x9] =	wrdreg s4  }
0x2e: {  	s26 =	simm.s32 $0x11A00;
	s17 =	simm.s32 $0x14A00;
	[dreg:$0x1e] =	wrdreg s10  }
0x2f: {  	v2 =	vlaneseq.u32;
	s11 =	simm.s32 $0xA200;
	s4 =	sadd.s32 $0x1800, s1;
	s7 =	smax.u32 s7, $0x1  }
0x30: {  	vm0 =	vmmov $0xffff;
	v1 =	vshrl.u32 v2, $0x3;
	s10 =	simm.s32 $0x6200;
	[smem:$0x7FD] =	sst s26;
	s26 =	simm.s32 $0x3  }
0x31: {  	v0 =	vand.u32 $0x7, v2;
	v2 =	vor.u32 $0x8, v2;
	v1 =	vmul.u32 $0x8, v1;
	s1 =	simm.s32 $0x8;
	[dreg:$0x1f] =	wrdreg s11;
	s11 =	simm.s32 $0xC200  }
.LBB2_1:
0x32: {  	s0 =	rddreg [dreg:$0x3]  }
0x33: {  	[tilespmem:s2], [sflag:$0x9] =	stream.linear.gather [hbm4b:s0+s2], $0x20, $0x38;
	[tilespmem:$0x18200] =	vst v63  }
0x34: {  	_ =	swait.ge [sflag:s8], $0x20  }
0x35: {  	s0 =	rddreg [dreg:$0x4];
	[sflag:s8] =	ssyncset.done $0x0  }
0x36: {  	s13 =	rddreg [dreg:$0xa];
	[sflag:s8] =	ssyncadd.s32 $0xFFFFFFE0  }
0x37: {  	[tilespmem:s13], [sflag:$0x9] =	stream.linear.gather [hbm4b:s0+s2], $0x20, $0x38;
	[tilespmem:$0x18200] =	vst v63  }
0x38: {  	_ =	swait.ge [sflag:s8], $0x20  }
0x39: {  	s0 =	rddreg [dreg:$0x5];
	[sflag:s8] =	ssyncset.done $0x0  }
0x3a: {  	s13 =	rddreg [dreg:$0xb];
	[sflag:s8] =	ssyncadd.s32 $0xFFFFFFE0  }
0x3b: {  	[tilespmem:s13], [sflag:$0x9] =	stream.linear.gather [hbm4b:s0+s2], $0x20, $0x38;
	[tilespmem:$0x18200] =	vst v63  }
0x3c: {  	_ =	swait.ge [sflag:s8], $0x20  }
0x3d: {  	s0 =	rddreg [dreg:$0x6];
	[sflag:s8] =	ssyncset.done $0x0  }
0x3e: {  	s13 =	rddreg [dreg:$0xc];
	[sflag:s8] =	ssyncadd.s32 $0xFFFFFFE0  }
0x3f: {  	[tilespmem:s13], [sflag:$0x9] =	stream.linear.gather [hbm4b:s0+s2], $0x20, $0x38;
	[tilespmem:$0x18200] =	vst v63  }
0x40: {  	_ =	swait.ge [sflag:s8], $0x20  }
0x41: {  	[sflag:s8] =	ssyncset.done $0x0  }
0x42: {  	[sflag:s8] =	ssyncadd.s32 $0xFFFFFFE0  }
0x43: {  	v3 =	vld [tilespmem:$0x0];
	_ =	sdelay $0x4  }
0x44: {  	v4 =	vshrl.u32 v3, $0x3  }
0x45: {  	v4 =	vmul.u32 $0x30, v4  }
0x46: {  	v3 =	vand.u32 $0x7, v3  }
0x47: {  	v3 =	vor.u32 v3, v4  }
0x48: {  	v4 =	vperm.xlane v3, v0;
	_ =	sdelay $0x1  }
0x49: {  	v4 =	vadd.s32 v1, v4;
	_ =	sdelay $0x3  }
0x4a: {  	v3 =	vperm.xlane v3, v2  }
0x4b: {  	[tilespmem:s9], [sflag:$0x1] =	stream.indirect_vreg.gather [hbm4b:s4+s2], $0x80, v4, vm0, $0xb8;
	[tilespmem:$0x18200] =	vst v63  }
0x4c: {  	s0 =	rddreg [dreg:$0xd];
	v3 =	vadd.s32 v1, v3  }
0x4d: {  	[tilespmem:s0], [sflag:$0x1] =	stream.indirect_vreg.gather [hbm4b:s5+s2], $0x80, v4, vm0, $0xb8;
	[tilespmem:$0x18200] =	vst v63  }
0x4e: {  	s13 =	rddreg [dreg:$0xe]  }
0x4f: {  	[tilespmem:s13], [sflag:$0x1] =	stream.indirect_vreg.gather [hbm4b:s6+s2], $0x80, v4, vm0, $0xb8;
	[tilespmem:$0x18200] =	vst v63  }
0x50: {  	s0 =	rddreg [dreg:$0xf]  }
0x51: {  	[tilespmem:s0], [sflag:$0x1] =	stream.indirect_vreg.gather [hbm4b:s4+s2], $0x80, v3, vm0, $0xb8;
	[tilespmem:$0x18200] =	vst v63  }
0x52: {  	s13 =	rddreg [dreg:$0x10]  }
0x53: {  	[tilespmem:s13], [sflag:$0x1] =	stream.indirect_vreg.gather [hbm4b:s5+s2], $0x80, v3, vm0, $0xb8;
	[tilespmem:$0x18200] =	vst v63  }
0x54: {  	s0 =	rddreg [dreg:$0x11]  }
0x55: {  	[tilespmem:s0], [sflag:$0x1] =	stream.indirect_vreg.gather [hbm4b:s6+s2], $0x80, v3, vm0, $0xb8;
	[tilespmem:$0x18200] =	vst v63  }
0x56: {  	v3 =	vld [tilespmem:$0x10];
	_ =	sdelay $0x4  }
0x57: {  	v57 =	vshrl.u32 v3, $0x3  }
0x58: {  	v4 =	vmul.u32 $0x30, v57  }
0x59: {  	v3 =	vand.u32 $0x7, v3  }
0x5a: {  	v3 =	vor.u32 v3, v4  }
0x5b: {  	v4 =	vperm.xlane v3, v0;
	_ =	sdelay $0x1  }
0x5c: {  	v4 =	vadd.s32 v1, v4;
	_ =	sdelay $0x3  }
0x5d: {  	s0 =	rddreg [dreg:$0x12];
	v3 =	vperm.xlane v3, v2  }
0x5e: {  	[tilespmem:s0], [sflag:$0x1] =	stream.indirect_vreg.gather [hbm4b:s4+s2], $0x80, v4, vm0, $0xb8;
	[tilespmem:$0x18200] =	vst v63  }
0x5f: {  	s13 =	rddreg [dreg:$0x13];
	v3 =	vadd.s32 v1, v3  }
0x60: {  	[tilespmem:s13], [sflag:$0x1] =	stream.indirect_vreg.gather [hbm4b:s5+s2], $0x80, v4, vm0, $0xb8;
	[tilespmem:$0x18200] =	vst v63  }
0x61: {  	s0 =	rddreg [dreg:$0x14]  }
0x62: {  	[tilespmem:s0], [sflag:$0x1] =	stream.indirect_vreg.gather [hbm4b:s6+s2], $0x80, v4, vm0, $0xb8;
	[tilespmem:$0x18200] =	vst v63  }
0x63: {  	s13 =	rddreg [dreg:$0x15]  }
0x64: {  	[tilespmem:s13], [sflag:$0x1] =	stream.indirect_vreg.gather [hbm4b:s4+s2], $0x80, v3, vm0, $0xb8;
	[tilespmem:$0x18200] =	vst v63  }
0x65: {  	s0 =	rddreg [dreg:$0x16]  }
0x66: {  	[tilespmem:s0], [sflag:$0x1] =	stream.indirect_vreg.gather [hbm4b:s5+s2], $0x80, v3, vm0, $0xb8;
	[tilespmem:$0x18200] =	vst v63  }
0x67: {  	s13 =	rddreg [dreg:$0x17]  }
0x68: {  	[tilespmem:s13], [sflag:$0x1] =	stream.indirect_vreg.gather [hbm4b:s6+s2], $0x80, v3, vm0, $0xb8;
	[tilespmem:$0x18200] =	vst v63  }
0x69: {  	v3 =	vld [tilespmem:$0x80];
	_ =	sdelay $0x4  }
0x6a: {  	v58 =	vshrl.u32 v3, $0x3  }
0x6b: {  	v4 =	vmul.u32 $0x30, v58  }
0x6c: {  	v3 =	vand.u32 $0x7, v3  }
0x6d: {  	v3 =	vor.u32 v3, v4  }
0x6e: {  	v4 =	vperm.xlane v3, v0;
	_ =	sdelay $0x1  }
0x6f: {  	v4 =	vadd.s32 v1, v4;
	_ =	sdelay $0x3  }
0x70: {  	v3 =	vperm.xlane v3, v2  }
0x71: {  	[tilespmem:s10], [sflag:$0x2] =	stream.indirect_vreg.gather [hbm4b:s4+s2], $0x80, v4, vm0, $0xb8;
	[tilespmem:$0x18200] =	vst v63  }
0x72: {  	s0 =	rddreg [dreg:$0x18];
	v3 =	vadd.s32 v1, v3  }
0x73: {  	[tilespmem:s0], [sflag:$0x2] =	stream.indirect_vreg.gather [hbm4b:s5+s2], $0x80, v4, vm0, $0xb8;
	[tilespmem:$0x18200] =	vst v63  }
0x74: {  	s13 =	rddreg [dreg:$0x19]  }
0x75: {  	[tilespmem:s13], [sflag:$0x2] =	stream.indirect_vreg.gather [hbm4b:s6+s2], $0x80, v4, vm0, $0xb8;
	[tilespmem:$0x18200] =	vst v63  }
0x76: {  	s0 =	rddreg [dreg:$0x1a]  }
0x77: {  	[tilespmem:s0], [sflag:$0x2] =	stream.indirect_vreg.gather [hbm4b:s4+s2], $0x80, v3, vm0, $0xb8;
	[tilespmem:$0x18200] =	vst v63  }
0x78: {  	s13 =	rddreg [dreg:$0x1b]  }
0x79: {  	[tilespmem:s13], [sflag:$0x2] =	stream.indirect_vreg.gather [hbm4b:s5+s2], $0x80, v3, vm0, $0xb8;
	[tilespmem:$0x18200] =	vst v63  }
0x7a: {  	s0 =	rddreg [dreg:$0x1c]  }
0x7b: {  	[tilespmem:s0], [sflag:$0x2] =	stream.indirect_vreg.gather [hbm4b:s6+s2], $0x80, v3, vm0, $0xb8;
	[tilespmem:$0x18200] =	vst v63  }
0x7c: {  	v3 =	vld [tilespmem:$0x90];
	_ =	sdelay $0x4  }
0x7d: {  	v59 =	vshrl.u32 v3, $0x3  }
0x7e: {  	v4 =	vmul.u32 $0x30, v59  }
0x7f: {  	v3 =	vand.u32 $0x7, v3  }
0x80: {  	v3 =	vor.u32 v3, v4  }
0x81: {  	v4 =	vperm.xlane v3, v0;
	_ =	sdelay $0x1  }
0x82: {  	v4 =	vadd.s32 v1, v4;
	_ =	sdelay $0x2  }
0x83: {  	s13 =	rddreg [dreg:$0x1e]  }
0x84: {  	s0 =	rddreg [dreg:$0x1d];
	v3 =	vperm.xlane v3, v2  }
0x85: {  	[tilespmem:s0], [sflag:$0x2] =	stream.indirect_vreg.gather [hbm4b:s4+s2], $0x80, v4, vm0, $0xb8;
	[tilespmem:$0x18200] =	vst v63  }
0x86: {  	v3 =	vadd.s32 v1, v3;
	s0 =	rddreg [dreg:$0x1f]  }
0x87: {  	[tilespmem:s13], [sflag:$0x2] =	stream.indirect_vreg.gather [hbm4b:s5+s2], $0x80, v4, vm0, $0xb8;
	[tilespmem:$0x18200] =	vst v63  }
0x88: {  	s13 =	sld [smem:$0x7F0]  }
0x89: {  	[tilespmem:s0], [sflag:$0x2] =	stream.indirect_vreg.gather [hbm4b:s6+s2], $0x80, v4, vm0, $0xb8;
	[tilespmem:$0x18200] =	vst v63  }
0x8a: {  	s0 =	sld [smem:$0x7F1]  }
0x8b: {  	[tilespmem:s13], [sflag:$0x2] =	stream.indirect_vreg.gather [hbm4b:s4+s2], $0x80, v3, vm0, $0xb8;
	[tilespmem:$0x18200] =	vst v63  }
0x8c: {  	s13 =	sld [smem:$0x7F2]  }
0x8d: {  	[tilespmem:s0], [sflag:$0x2] =	stream.indirect_vreg.gather [hbm4b:s5+s2], $0x80, v3, vm0, $0xb8;
	[tilespmem:$0x18200] =	vst v63  }
0x8e: {  	_ = 	snop  }
0x8f: {  	[tilespmem:s13], [sflag:$0x2] =	stream.indirect_vreg.gather [hbm4b:s6+s2], $0x80, v3, vm0, $0xb8;
	[tilespmem:$0x18200] =	vst v63  }
0x90: {  	v3 =	vld [tilespmem:$0x100];
	_ =	sdelay $0x4  }
0x91: {  	v60 =	vshrl.u32 v3, $0x3  }
0x92: {  	v4 =	vmul.u32 $0x30, v60  }
0x93: {  	v3 =	vand.u32 $0x7, v3  }
0x94: {  	v3 =	vor.u32 v3, v4  }
0x95: {  	v4 =	vperm.xlane v3, v0;
	_ =	sdelay $0x1  }
0x96: {  	v4 =	vadd.s32 v1, v4;
	_ =	sdelay $0x3  }
0x97: {  	s0 =	sld [smem:$0x7F3];
	v3 =	vperm.xlane v3, v2  }
0x98: {  	[tilespmem:s11], [sflag:$0x3] =	stream.indirect_vreg.gather [hbm4b:s4+s2], $0x80, v4, vm0, $0xb8;
	[tilespmem:$0x18200] =	vst v63  }
0x99: {  	s13 =	sld [smem:$0x7F4];
	v3 =	vadd.s32 v1, v3  }
0x9a: {  	[tilespmem:s0], [sflag:$0x3] =	stream.indirect_vreg.gather [hbm4b:s5+s2], $0x80, v4, vm0, $0xb8;
	[tilespmem:$0x18200] =	vst v63  }
0x9b: {  	s0 =	sld [smem:$0x7F5]  }
0x9c: {  	[tilespmem:s13], [sflag:$0x3] =	stream.indirect_vreg.gather [hbm4b:s6+s2], $0x80, v4, vm0, $0xb8;
	[tilespmem:$0x18200] =	vst v63  }
0x9d: {  	s13 =	sld [smem:$0x7F6]  }
0x9e: {  	[tilespmem:s0], [sflag:$0x3] =	stream.indirect_vreg.gather [hbm4b:s4+s2], $0x80, v3, vm0, $0xb8;
	[tilespmem:$0x18200] =	vst v63  }
0x9f: {  	s0 =	sld [smem:$0x7F7]  }
0xa0: {  	[tilespmem:s13], [sflag:$0x3] =	stream.indirect_vreg.gather [hbm4b:s5+s2], $0x80, v3, vm0, $0xb8;
	[tilespmem:$0x18200] =	vst v63  }
0xa1: {  	_ = 	snop  }
0xa2: {  	[tilespmem:s0], [sflag:$0x3] =	stream.indirect_vreg.gather [hbm4b:s6+s2], $0x80, v3, vm0, $0xb8;
	[tilespmem:$0x18200] =	vst v63  }
0xa3: {  	v3 =	vld [tilespmem:$0x110];
	_ =	sdelay $0x4  }
0xa4: {  	v61 =	vshrl.u32 v3, $0x3  }
0xa5: {  	v4 =	vmul.u32 $0x30, v61  }
0xa6: {  	v3 =	vand.u32 $0x7, v3  }
0xa7: {  	v3 =	vor.u32 v3, v4  }
0xa8: {  	v4 =	vperm.xlane v3, v0;
	_ =	sdelay $0x1  }
0xa9: {  	v4 =	vadd.s32 v1, v4;
	_ =	sdelay $0x1  }
0xaa: {  	s0 =	sld [smem:$0x7F8];
	_ =	sdelay $0x1  }
0xab: {  	s13 =	sld [smem:$0x7F9];
	v3 =	vperm.xlane v3, v2  }
0xac: {  	[tilespmem:s0], [sflag:$0x3] =	stream.indirect_vreg.gather [hbm4b:s4+s2], $0x80, v4, vm0, $0xb8;
	[tilespmem:$0x18200] =	vst v63  }
0xad: {  	v3 =	vadd.s32 v1, v3;
	s0 =	sld [smem:$0x7FA]  }
0xae: {  	[tilespmem:s13], [sflag:$0x3] =	stream.indirect_vreg.gather [hbm4b:s5+s2], $0x80, v4, vm0, $0xb8;
	[tilespmem:$0x18200] =	vst v63  }
0xaf: {  	s13 =	sld [smem:$0x7FB]  }
0xb0: {  	[tilespmem:s0], [sflag:$0x3] =	stream.indirect_vreg.gather [hbm4b:s6+s2], $0x80, v4, vm0, $0xb8;
	[tilespmem:$0x18200] =	vst v63  }
0xb1: {  	s0 =	sld [smem:$0x7FC]  }
0xb2: {  	[tilespmem:s13], [sflag:$0x3] =	stream.indirect_vreg.gather [hbm4b:s4+s2], $0x80, v3, vm0, $0xb8;
	[tilespmem:$0x18200] =	vst v63  }
0xb3: {  	s13 =	sld [smem:$0x7FD]  }
0xb4: {  	[tilespmem:s0], [sflag:$0x3] =	stream.indirect_vreg.gather [hbm4b:s5+s2], $0x80, v3, vm0, $0xb8;
	[tilespmem:$0x18200] =	vst v63  }
0xb5: {  	_ = 	snop  }
0xb6: {  	[tilespmem:s13], [sflag:$0x3] =	stream.indirect_vreg.gather [hbm4b:s6+s2], $0x80, v3, vm0, $0xb8;
	[tilespmem:$0x18200] =	vst v63  }
0xb7: {  	v3 =	vld [tilespmem:$0x180];
	_ =	sdelay $0x4  }
0xb8: {  	v62 =	vshrl.u32 v3, $0x3  }
0xb9: {  	v4 =	vmul.u32 $0x30, v62  }
0xba: {  	v3 =	vand.u32 $0x7, v3  }
0xbb: {  	v3 =	vor.u32 v3, v4  }
0xbc: {  	v4 =	vperm.xlane v3, v0;
	_ =	sdelay $0x1  }
0xbd: {  	v4 =	vadd.s32 v1, v4;
	_ =	sdelay $0x3  }
0xbe: {  	v3 =	vperm.xlane v3, v2  }
0xbf: {  	[tilespmem:s12], [sflag:$0x4] =	stream.indirect_vreg.gather [hbm4b:s4+s2], $0x80, v4, vm0, $0xb8;
	[tilespmem:$0x18200] =	vst v63  }
0xc0: {  	s13 =	simm.s32 $0x12A00;
	v3 =	vadd.s32 v1, v3  }
0xc1: {  	[tilespmem:s13], [sflag:$0x4] =	stream.indirect_vreg.gather [hbm4b:s5+s2], $0x80, v4, vm0, $0xb8;
	[tilespmem:$0x18200] =	vst v63  }
0xc2: {  	_ = 	snop  }
0xc3: {  	[tilespmem:s14], [sflag:$0x4] =	stream.indirect_vreg.gather [hbm4b:s6+s2], $0x80, v4, vm0, $0xb8;
	[tilespmem:$0x18200] =	vst v63  }
0xc4: {  	_ = 	snop  }
0xc5: {  	[tilespmem:s15], [sflag:$0x4] =	stream.indirect_vreg.gather [hbm4b:s4+s2], $0x80, v3, vm0, $0xb8;
	[tilespmem:$0x18200] =	vst v63  }
0xc6: {  	_ = 	snop  }
0xc7: {  	[tilespmem:s16], [sflag:$0x4] =	stream.indirect_vreg.gather [hbm4b:s5+s2], $0x80, v3, vm0, $0xb8;
	[tilespmem:$0x18200] =	vst v63  }
0xc8: {  	_ = 	snop  }
0xc9: {  	[tilespmem:s17], [sflag:$0x4] =	stream.indirect_vreg.gather [hbm4b:s6+s2], $0x80, v3, vm0, $0xb8;
	[tilespmem:$0x18200] =	vst v63  }
0xca: {  	v3 =	vld [tilespmem:$0x190];
	_ =	sdelay $0x4  }
0xcb: {  	v63 =	vshrl.u32 v3, $0x3  }
0xcc: {  	v4 =	vmul.u32 $0x30, v63  }
0xcd: {  	v3 =	vand.u32 $0x7, v3  }
0xce: {  	v3 =	vor.u32 v3, v4  }
0xcf: {  	v4 =	vperm.xlane v3, v0;
	_ =	sdelay $0x1  }
0xd0: {  	v4 =	vadd.s32 v1, v4;
	_ =	sdelay $0x3  }
0xd1: {  	v3 =	vperm.xlane v3, v2  }
0xd2: {  	[tilespmem:s18], [sflag:$0x4] =	stream.indirect_vreg.gather [hbm4b:s4+s2], $0x80, v4, vm0, $0xb8;
	[tilespmem:$0x18200] =	vst v63  }
0xd3: {  	v3 =	vadd.s32 v1, v3  }
0xd4: {  	[tilespmem:s19], [sflag:$0x4] =	stream.indirect_vreg.gather [hbm4b:s5+s2], $0x80, v4, vm0, $0xb8;
	[tilespmem:$0x18200] =	vst v63  }
0xd5: {  	_ = 	snop  }
0xd6: {  	[tilespmem:s20], [sflag:$0x4] =	stream.indirect_vreg.gather [hbm4b:s6+s2], $0x80, v4, vm0, $0xb8;
	[tilespmem:$0x18200] =	vst v63  }
0xd7: {  	_ = 	snop  }
0xd8: {  	[tilespmem:s21], [sflag:$0x4] =	stream.indirect_vreg.gather [hbm4b:s4+s2], $0x80, v3, vm0, $0xb8;
	[tilespmem:$0x18200] =	vst v63  }
0xd9: {  	_ = 	snop  }
0xda: {  	[tilespmem:s22], [sflag:$0x4] =	stream.indirect_vreg.gather [hbm4b:s5+s2], $0x80, v3, vm0, $0xb8;
	[tilespmem:$0x18200] =	vst v63  }
0xdb: {  	_ = 	snop  }
0xdc: {  	[tilespmem:s23], [sflag:$0x4] =	stream.indirect_vreg.gather [hbm4b:s6+s2], $0x80, v3, vm0, $0xb8;
	[tilespmem:$0x18200] =	vst v63  }
0xdd: {  	_ =	swait.ge [sflag:s24], $0x6000  }
0xde: {  	[sflag:s24] =	ssyncset.done $0x0  }
0xdf: {  	[sflag:s24] =	ssyncadd.s32 $0xFFFFA000  }
0xe0: {  	[hbm4b:s3+s2] =	stream.linear.scatter [tilespmem:s9], [sflag:$0x5], $0x6000, $0x38;
	[tilespmem:$0x18200] =	vst v63  }
0xe1: {  	_ =	swait.ge [sflag:s25], $0x6000  }
0xe2: {  	[sflag:s25] =	ssyncset.done $0x0  }
0xe3: {  	s13 =	rddreg [dreg:$0x7];
	[sflag:s25] =	ssyncadd.s32 $0xFFFFA000  }
0xe4: {  	[hbm4b:s13+s2] =	stream.linear.scatter [tilespmem:s10], [sflag:$0x6], $0x6000, $0x38;
	[tilespmem:$0x18200] =	vst v63  }
0xe5: {  	_ =	swait.ge [sflag:s26], $0x6000  }
0xe6: {  	[sflag:s26] =	ssyncset.done $0x0  }
0xe7: {  	s13 =	rddreg [dreg:$0x8];
	[sflag:s26] =	ssyncadd.s32 $0xFFFFA000  }
0xe8: {  	[hbm4b:s13+s2] =	stream.linear.scatter [tilespmem:s11], [sflag:$0x7], $0x6000, $0x38;
	[tilespmem:$0x18200] =	vst v63  }
0xe9: {  	_ =	swait.ge [sflag:s28], $0x6000  }
0xea: {  	[sflag:s28] =	ssyncset.done $0x0  }
0xeb: {  	s13 =	rddreg [dreg:$0x9];
	[sflag:s28] =	ssyncadd.s32 $0xFFFFA000  }
0xec: {  	[hbm4b:s13+s2] =	stream.linear.scatter [tilespmem:s12], [sflag:$0x8], $0x6000, $0x38;
	[tilespmem:$0x18200] =	vst v63  }
0xed: {  	_ =	swait.ge [sflag:s29], $0x6000  }
0xee: {  	[sflag:s29] =	ssyncset.done $0x0  }
0xef: {  	[sflag:s29] =	ssyncadd.s32 $0xFFFFA000  }
0xf0: {  	_ =	swait.ge [sflag:s30], $0x6000  }
0xf1: {  	[sflag:s30] =	ssyncset.done $0x0  }
0xf2: {  	[sflag:s30] =	ssyncadd.s32 $0xFFFFA000  }
0xf3: {  	p0 =	sne.s32 s7, $0x1;
	_ =	swait.ge [sflag:s31], $0x6000  }
.Ltmp0:
0xf4: {  	[sflag:s31] =	ssyncset.done $0x0;
	(pc) =	sbr.rel @p0 .LBB2_1-.Ltmp0, $4  }
0xf5: {  	[sflag:s31] =	ssyncadd.s32 $0xFFFFA000  }
0xf6: {  	_ =	swait.ge [sflag:s1], $0x6000  }
0xf7: {  	[sflag:s1] =	ssyncset.done $0x0  }
0xf8: {  	s7 =	sadd.s32 $0xFFFFFFFF, s7;
	[sflag:s1] =	ssyncadd.s32 $0xFFFFA000  }
0xf9: {  	_ =	sfence.sel $0x180000  }
0xfa: {  	[bflag:$0x0] =	sbarrier.arrive $0xFFFF  }
0xfb: {  	_ =	strace $0x9000004A  }
0xfc: {  	s0 =	stileid.u32;
	[bflag:$0x2] =	sbarrier.arrive $0xFFFF  }
0xfd: {  	p0 =	sne.s32 s0, $0x0;
	s0 =	rddreg [dreg:$0x2]  }
0xfe: {  	s0 =	sadd.s32 @!p0 $0x100000, s0  }
0xff: {  	[sflag:s0] =	ssyncadd.tile.s32 @!p0 $0x1;
	_ =	shalt  }
.Lfunc_end2:
_tile_overlayer_lowered:
.L_overlay_start_2:
0x100: {  	(tag) =	ssettag $0x2  }
0x101: {  	s0 =	rddreg [dreg:$0x0];
	s2 =	stileid.u32  }
0x102: {  	s1 =	rddreg [dreg:$0x1];
	p0 =	sne.s32 s2, $0x0  }
0x103: {  	s3 =	rddreg [dreg:$0x2];
	[bflag:$0x3] =	sbarrier.arrive $0xFFFF;
	s2 =	simm.s32 @!p0 $0x1C09  }
0x104: {  	[timem:s3], [sflag:s2] =	dma.local @!p0 [hbm:s0], s1  }
0x105: {  	s0 =	simm.s32 @!p0 $0x9  }
0x106: {  	_ =	swait.ge @!p0 [sflag:s0], s1  }
0x107: {  	s1 =	ssub.s32 @!p0 $0x0, s1;
	[sflag:s0] =	ssyncset.done @!p0 $0x0  }
0x108: {  	[sflag:s0] =	ssyncadd.s32 @!p0 s1  }
0x109: {  	[bflag:$0x3] =	sbarrier.arrive $0xFFFF  }
0x10a: {  	_ =	shalt  }

</sc_bundles>
